<compile_context>
chip_gen: v7x
topology: tpu7x:2x2x1
jax: 0.10.2.dev20260603
libtpu: 0.0.44.dev20260713+nightly
codegen_flags: <defaults>
</compile_context>

<pallas_src>
import jax
import jax.numpy as jnp
from jax import lax
from jax.experimental import pallas as pl
from jax.experimental.pallas import tpu as pltpu
from jax.experimental.pallas import tpu_sc as plsc

PAD = 1
NC, NS, L = 2, 16, 16
NW = NC * NS

B, S, D = 4, 4096, 768
TOT = B * S
PW = TOT // NW
WPB = S // PW
CHUNK = 32
NCHUNK = PW // CHUNK
VPC = CHUNK // L


def _body(ids_hbm, w_hbm, out_hbm, row_v, idx_v, g0, g1, g2, g3, gs0, gs1, gs2, gs3, ss0, ss1, ss2, ss3):
    wid = lax.axis_index("s") * NC + lax.axis_index("c")
    b = wid // WPB
    c = wid % WPB

    pltpu.sync_copy(ids_hbm.at[pl.ds(b * S, S)], row_v)

    def count_body(j, acc):
        for u in range(4):
            v = row_v[pl.ds(j * 4 * L + u * L, L)]
            acc = acc + jnp.where(v == PAD, 0, 1)
        return acc

    acc = lax.fori_loop(0, c * (PW // (4 * L)), count_body, jnp.zeros((L,), jnp.int32))
    carry = jnp.sum(acc)

    obase = wid * PW
    bufs = (g0, g1, g2, g3)
    gsems = (gs0, gs1, gs2, gs3)
    ssems = (ss0, ss1, ss2, ss3)

    def gather(ci):
        return pltpu.async_copy(w_hbm.at[idx_v.at[ci]], bufs[ci % 4], gsems[ci % 4])

    def scatter(ci):
        dst = out_hbm.at[pl.ds(obase + ci * CHUNK, CHUNK)]
        return pltpu.async_copy(bufs[ci % 4], dst, ssems[ci % 4])

    cbase = c * PW
    gh = [None] * NCHUNK
    sh = [None] * NCHUNK
    for ci in range(NCHUNK):
        for k in range(VPC):
            v = row_v[pl.ds(cbase + (ci * VPC + k) * L, L)]
            mi = jnp.where(v == PAD, 0, 1)
            cs = plsc.cumsum(mi)
            idx_v[ci, pl.ds(k * L, L)] = (carry + cs) * mi + 1
            carry = carry + jnp.sum(mi)
        if ci >= 4:
            sh[ci - 4].wait()
        gh[ci] = gather(ci)
        if ci >= 1:
            gh[ci - 1].wait()
            sh[ci - 1] = scatter(ci - 1)
    gh[NCHUNK - 1].wait()
    sh[NCHUNK - 1] = scatter(NCHUNK - 1)
    for t in range(4):
        sh[NCHUNK - 4 + t].wait()


@jax.jit
def _sc_gather(ids_flat, weights):
    mesh = plsc.VectorSubcoreMesh(
        core_axis_name="c", subcore_axis_name="s", num_cores=NC, num_subcores=NS
    )
    return pl.kernel(
        _body,
        out_type=jax.ShapeDtypeStruct((TOT, D), jnp.float32),
        mesh=mesh,
        compiler_params=pltpu.CompilerParams(
            needs_layout_passes=False,
            disable_bounds_checks=True,
            disable_semaphore_checks=True,
        ),
        scratch_types=[
            pltpu.VMEM((S,), jnp.int32),
            pltpu.VMEM((NCHUNK, CHUNK), jnp.int32),
            pltpu.VMEM((CHUNK, D), jnp.float32),
            pltpu.VMEM((CHUNK, D), jnp.float32),
            pltpu.VMEM((CHUNK, D), jnp.float32),
            pltpu.VMEM((CHUNK, D), jnp.float32),
            pltpu.SemaphoreType.DMA,
            pltpu.SemaphoreType.DMA,
            pltpu.SemaphoreType.DMA,
            pltpu.SemaphoreType.DMA,
            pltpu.SemaphoreType.DMA,
            pltpu.SemaphoreType.DMA,
            pltpu.SemaphoreType.DMA,
            pltpu.SemaphoreType.DMA,
        ],
    )(ids_flat, weights)


def kernel(input_ids, weights):
    assert input_ids.shape == (B, S)
    assert weights.shape[1] == D
    out = _sc_gather(input_ids.reshape(-1), weights)
    return out.reshape(B, S, D)

# --- scband reference (transcript-rebuilt; emitter-appended) ---
"""Pipeline reference for scband-speech-t5-sinusoidal-positional-embedding-884763263345 (READ-ONLY COPY).

The authoritative reference and input builder live on the scoring server;
editing this copy changes nothing except your own understanding.
"""

import math
import jax, jax.numpy as jnp
import numpy as np

NUM_POSITIONS = 4096
EMBEDDING_DIM = 768
PADDING_IDX = 1
OFFSET = 2
BATCH = 4
SEQ_LEN = 4096
VOCAB = 1000


def _get_embedding(num_embeddings, embedding_dim, padding_idx):
    half_dim = embedding_dim // 2
    scale = math.log(10000.0) / (half_dim - 1)
    emb = jnp.exp(jnp.arange(half_dim, dtype=jnp.float32) * -scale)
    emb = jnp.arange(num_embeddings, dtype=jnp.float32)[:, None] * emb[None, :]
    emb = jnp.concatenate([jnp.sin(emb), jnp.cos(emb)], axis=1).reshape(num_embeddings, -1)
    if embedding_dim % 2 == 1:
        emb = jnp.concatenate([emb, jnp.zeros((num_embeddings, 1), dtype=jnp.float32)], axis=1)
    if padding_idx is not None:
        emb = emb.at[padding_idx, :].set(0.0)
    return emb


def setup_inputs(seed: int = 0) -> dict:
    key = jax.random.key(seed)
    k1, _ = jax.random.split(key)
    input_ids = jax.random.randint(k1, (BATCH, SEQ_LEN), 0, VOCAB, dtype=jnp.int32)
    weights = _get_embedding(NUM_POSITIONS + OFFSET, EMBEDDING_DIM, PADDING_IDX)
    return {"input_ids": input_ids, "weights": weights}


def reference(input_ids, weights):
    # create_position_ids_from_input_ids (past_key_values_length = 0)
    mask = (input_ids != PADDING_IDX).astype(jnp.int32)
    incremental_indices = jnp.cumsum(mask, axis=1).astype(jnp.int32) * mask
    position_ids = incremental_indices.astype(jnp.int32) + PADDING_IDX
    bsz, seq_len = input_ids.shape
    out = jnp.take(weights, position_ids.reshape(-1), axis=0)
    return out.reshape(bsz, seq_len, -1)

if __name__ == "__main__":
    import jax
    _d = setup_inputs()
    print(jax.jit(kernel)(*tuple(_d.values())))

</pallas_src>

<mosaic_0001>
#map = affine_map<(d0, d1) -> (0)>
#map1 = affine_map<(d0, d1) -> (0, 0)>
module attributes {stable_mosaic.version = 14 : i64} {
  func.func @_body(%arg0: i32, %arg1: i32, %arg2: memref<16384xi32, #tpu.memory_space<hbm>>, %arg3: memref<4098x768xf32, #tpu.memory_space<hbm>>, %arg4: memref<16384x768xf32, #tpu.memory_space<hbm>>, %arg5: memref<4096xi32, #tpu.memory_space<vmem>>, %arg6: memref<16x32xi32, #tpu.memory_space<vmem>>, %arg7: memref<32x768xf32, #tpu.memory_space<vmem>>, %arg8: memref<32x768xf32, #tpu.memory_space<vmem>>, %arg9: memref<32x768xf32, #tpu.memory_space<vmem>>, %arg10: memref<32x768xf32, #tpu.memory_space<vmem>>, %arg11: memref<!tpu.dma_semaphore, #tpu.memory_space<semaphore_mem>>, %arg12: memref<!tpu.dma_semaphore, #tpu.memory_space<semaphore_mem>>, %arg13: memref<!tpu.dma_semaphore, #tpu.memory_space<semaphore_mem>>, %arg14: memref<!tpu.dma_semaphore, #tpu.memory_space<semaphore_mem>>, %arg15: memref<!tpu.dma_semaphore, #tpu.memory_space<semaphore_mem>>, %arg16: memref<!tpu.dma_semaphore, #tpu.memory_space<semaphore_mem>>, %arg17: memref<!tpu.dma_semaphore, #tpu.memory_space<semaphore_mem>>, %arg18: memref<!tpu.dma_semaphore, #tpu.memory_space<semaphore_mem>>) attributes {dimension_semantics = [#tpu.dimension_semantics<core_parallel>, #tpu.dimension_semantics<subcore_parallel>], iteration_bounds = array<i64: 2, 16>, scalar_prefetch = 0 : i64, scratch_operands = 14 : i64, tpu.core_type = #tpu.core_type<sc_vector_subcore>, window_params = [{transform_indices = #map}, {transform_indices = #map1}, {transform_indices = #map1}]} {
    %mul3A = arith.constant 2 : i32
    %mul3A_0 = arith.muli %arg1, %mul3A : i32
    %add3A = arith.addi %mul3A_0, %arg0 : i32
    %jit3A = arith.constant 8 : i32
    %div3A = arith.divsi %add3A, %jit3A : i32
    %sign3A = arith.constant 0 : i32
    %sign3A_1 = arith.cmpi sgt, %add3A, %sign3A : i32
    %sign3A_2 = arith.extui %sign3A_1 : i1 to i32
    %sign3A_3 = arith.constant 0 : i32
    %sign3A_4 = arith.cmpi slt, %add3A, %sign3A_3 : i32
    %sign3A_5 = arith.extui %sign3A_4 : i1 to i32
    %sign3A_6 = arith.subi %sign3A_2, %sign3A_5 : i32
    %sign3A_7 = arith.constant 0 : i32
    %sign3A_8 = arith.cmpi sgt, %jit3A, %sign3A_7 : i32
    %sign3A_9 = arith.extui %sign3A_8 : i1 to i32
    %sign3A_10 = arith.constant 0 : i32
    %sign3A_11 = arith.cmpi slt, %jit3A, %sign3A_10 : i32
    %sign3A_12 = arith.extui %sign3A_11 : i1 to i32
    %sign3A_13 = arith.subi %sign3A_9, %sign3A_12 : i32
    %ne3A = arith.cmpi ne, %sign3A_6, %sign3A_13 : i32
    %rem3A = arith.remsi %add3A, %jit3A : i32
    %ne3A_14 = arith.constant 0 : i32
    %ne3A_15 = arith.cmpi ne, %rem3A, %ne3A_14 : i32
    %and3A = arith.andi %ne3A, %ne3A_15 : i1
    %sub3A = arith.constant 1 : i32
    %sub3A_16 = arith.subi %div3A, %sub3A : i32
    %select_n3A = arith.select %and3A, %sub3A_16, %div3A : i32
    %jit3A_17 = arith.constant 8 : i32
    %eq3A = arith.constant 0 : i32
    %eq3A_18 = arith.cmpi eq, %jit3A_17, %eq3A : i32
    %jit3A_19 = arith.constant 1 : i32
    %select_n3A_20 = arith.select %eq3A_18, %jit3A_19, %jit3A_17 : i32
    %rem3A_21 = arith.remsi %add3A, %select_n3A_20 : i32
    %ne3A_22 = arith.constant 0 : i32
    %ne3A_23 = arith.cmpi ne, %rem3A_21, %ne3A_22 : i32
    %lt3A = arith.constant 0 : i32
    %lt3A_24 = arith.cmpi slt, %rem3A_21, %lt3A : i32
    %lt3A_25 = arith.constant 0 : i32
    %lt3A_26 = arith.cmpi slt, %select_n3A_20, %lt3A_25 : i32
    %ne3A_27 = arith.xori %lt3A_24, %lt3A_26 : i1
    %and3A_28 = arith.andi %ne3A_27, %ne3A_23 : i1
    %add3A_29 = arith.addi %rem3A_21, %select_n3A_20 : i32
    %select_n3A_30 = arith.select %and3A_28, %add3A_29, %rem3A_21 : i32
    %mul3A_31 = arith.constant 4096 : i32
    %mul3A_32 = arith.muli %select_n3A, %mul3A_31 : i32
    "tpu.region"() ({
      %run_scoped3A = tpu.sem_alloc : memref<!tpu.dma_semaphore, #tpu.memory_space<semaphore_mem>>
      %dma_start3A_1392 = tpu.memref_slice %arg2[%mul3A_32] : memref<16384xi32, #tpu.memory_space<hbm>> -> memref<4096xi32, #tpu.memory_space<hbm>>
      %dma_start3A_1393 = tpu.memref_slice %arg2[%mul3A_32] : memref<16384xi32, #tpu.memory_space<hbm>> -> memref<4096xi32, #tpu.memory_space<hbm>>
      tpu.enqueue_dma source(%dma_start3A_1393 : memref<4096xi32, #tpu.memory_space<hbm>>) target(%arg5 : memref<4096xi32, #tpu.memory_space<vmem>>) target_semaphore(%run_scoped3A : memref<!tpu.dma_semaphore, #tpu.memory_space<semaphore_mem>>)
      %dma_wait3A_1394 = tpu.memref_slice %arg2[%mul3A_32] : memref<16384xi32, #tpu.memory_space<hbm>> -> memref<4096xi32, #tpu.memory_space<hbm>>
      %dma_wait3A_1395 = tpu.memref_slice %arg2[%mul3A_32] : memref<16384xi32, #tpu.memory_space<hbm>> -> memref<4096xi32, #tpu.memory_space<hbm>>
      tpu.wait_dma2 semaphore(%run_scoped3A : memref<!tpu.dma_semaphore, #tpu.memory_space<semaphore_mem>>) src(%dma_wait3A_1395 : memref<4096xi32, #tpu.memory_space<hbm>>) dst(%arg5 : memref<4096xi32, #tpu.memory_space<vmem>>)
      tpu.yield
    }) : () -> ()
    %mul3A_33 = arith.constant 8 : i32
    %mul3A_34 = arith.muli %select_n3A_30, %mul3A_33 : i32
    %broadcast_in_dim3A = arith.constant 0 : i32
    %broadcast_in_dim3A_35 = vector.broadcast %broadcast_in_dim3A : i32 to vector<16xi32>
    %while3A = arith.constant 0 : i32
    %while3A_36 = arith.subi %mul3A_34, %while3A : i32
    %while3A_37 = arith.addi %while3A, %while3A_36 : i32
    %while3A_38 = arith.constant 1 : i32
    %while3A_39 = arith.divsi %while3A_36, %while3A_38 : i32
    %while3A_40 = arith.muli %while3A_39, %while3A_38 : i32
    %while3A_41 = arith.addi %while3A, %while3A_40 : i32
    %while3A_42 = arith.constant 1 : i32
    %while3A_43 = scf.for %while3A_1392 = %while3A to %while3A_41 step %while3A_42 iter_args(%while3A_1393 = %broadcast_in_dim3A_35) -> (vector<16xi32>)  : i32 {
      %mul3A_1394 = arith.constant 4 : i32
      %mul3A_1395 = arith.muli %while3A_1392, %mul3A_1394 : i32
      %mul3A_1396 = arith.constant 16 : i32
      %mul3A_1397 = arith.muli %mul3A_1395, %mul3A_1396 : i32
      %add3A_1398 = arith.constant 0 : i32
      %add3A_1399 = arith.addi %mul3A_1397, %add3A_1398 : i32
      %get3A_1400 = arith.index_cast %add3A_1399 : i32 to index
      %get3A_1401 = tpu.vector_load %arg5[%get3A_1400] {strides = array<i32>} : memref<4096xi32, #tpu.memory_space<vmem>>, vector<16xi32>,
      %eq3A_1402 = arith.constant 1 : i32
      %eq3A_1403 = vector.broadcast %eq3A_1402 : i32 to vector<16xi32>
      %eq3A_1404 = arith.cmpi eq, %get3A_1401, %eq3A_1403 : vector<16xi32>
      %jit3A_1405 = arith.constant 0 : i32
      %jit3A_1406 = arith.constant 1 : i32
      %broadcast_in_dim3A_1407 = vector.broadcast %jit3A_1405 : i32 to vector<16xi32>
      %broadcast_in_dim3A_1408 = vector.broadcast %jit3A_1406 : i32 to vector<16xi32>
      %select_n3A_1409 = arith.select %eq3A_1404, %broadcast_in_dim3A_1407, %broadcast_in_dim3A_1408 : vector<16xi1>, vector<16xi32>
      %add3A_1410 = arith.addi %while3A_1393, %select_n3A_1409 : vector<16xi32>
      %mul3A_1411 = arith.constant 4 : i32
      %mul3A_1412 = arith.muli %while3A_1392, %mul3A_1411 : i32
      %mul3A_1413 = arith.constant 16 : i32
      %mul3A_1414 = arith.muli %mul3A_1412, %mul3A_1413 : i32
      %add3A_1415 = arith.constant 16 : i32
      %add3A_1416 = arith.addi %mul3A_1414, %add3A_1415 : i32
      %get3A_1417 = arith.index_cast %add3A_1416 : i32 to index
      %get3A_1418 = tpu.vector_load %arg5[%get3A_1417] {strides = array<i32>} : memref<4096xi32, #tpu.memory_space<vmem>>, vector<16xi32>,
      %eq3A_1419 = arith.constant 1 : i32
      %eq3A_1420 = vector.broadcast %eq3A_1419 : i32 to vector<16xi32>
      %eq3A_1421 = arith.cmpi eq, %get3A_1418, %eq3A_1420 : vector<16xi32>
      %jit3A_1422 = arith.constant 0 : i32
      %jit3A_1423 = arith.constant 1 : i32
      %broadcast_in_dim3A_1424 = vector.broadcast %jit3A_1422 : i32 to vector<16xi32>
      %broadcast_in_dim3A_1425 = vector.broadcast %jit3A_1423 : i32 to vector<16xi32>
      %select_n3A_1426 = arith.select %eq3A_1421, %broadcast_in_dim3A_1424, %broadcast_in_dim3A_1425 : vector<16xi1>, vector<16xi32>
      %add3A_1427 = arith.addi %add3A_1410, %select_n3A_1426 : vector<16xi32>
      %mul3A_1428 = arith.constant 4 : i32
      %mul3A_1429 = arith.muli %while3A_1392, %mul3A_1428 : i32
      %mul3A_1430 = arith.constant 16 : i32
      %mul3A_1431 = arith.muli %mul3A_1429, %mul3A_1430 : i32
      %add3A_1432 = arith.constant 32 : i32
      %add3A_1433 = arith.addi %mul3A_1431, %add3A_1432 : i32
      %get3A_1434 = arith.index_cast %add3A_1433 : i32 to index
      %get3A_1435 = tpu.vector_load %arg5[%get3A_1434] {strides = array<i32>} : memref<4096xi32, #tpu.memory_space<vmem>>, vector<16xi32>,
      %eq3A_1436 = arith.constant 1 : i32
      %eq3A_1437 = vector.broadcast %eq3A_1436 : i32 to vector<16xi32>
      %eq3A_1438 = arith.cmpi eq, %get3A_1435, %eq3A_1437 : vector<16xi32>
      %jit3A_1439 = arith.constant 0 : i32
      %jit3A_1440 = arith.constant 1 : i32
      %broadcast_in_dim3A_1441 = vector.broadcast %jit3A_1439 : i32 to vector<16xi32>
      %broadcast_in_dim3A_1442 = vector.broadcast %jit3A_1440 : i32 to vector<16xi32>
      %select_n3A_1443 = arith.select %eq3A_1438, %broadcast_in_dim3A_1441, %broadcast_in_dim3A_1442 : vector<16xi1>, vector<16xi32>
      %add3A_1444 = arith.addi %add3A_1427, %select_n3A_1443 : vector<16xi32>
      %mul3A_1445 = arith.constant 4 : i32
      %mul3A_1446 = arith.muli %while3A_1392, %mul3A_1445 : i32
      %mul3A_1447 = arith.constant 16 : i32
      %mul3A_1448 = arith.muli %mul3A_1446, %mul3A_1447 : i32
      %add3A_1449 = arith.constant 48 : i32
      %add3A_1450 = arith.addi %mul3A_1448, %add3A_1449 : i32
      %get3A_1451 = arith.index_cast %add3A_1450 : i32 to index
      %get3A_1452 = tpu.vector_load %arg5[%get3A_1451] {strides = array<i32>} : memref<4096xi32, #tpu.memory_space<vmem>>, vector<16xi32>,
      %eq3A_1453 = arith.constant 1 : i32
      %eq3A_1454 = vector.broadcast %eq3A_1453 : i32 to vector<16xi32>
      %eq3A_1455 = arith.cmpi eq, %get3A_1452, %eq3A_1454 : vector<16xi32>
      %jit3A_1456 = arith.constant 0 : i32
      %jit3A_1457 = arith.constant 1 : i32
      %broadcast_in_dim3A_1458 = vector.broadcast %jit3A_1456 : i32 to vector<16xi32>
      %broadcast_in_dim3A_1459 = vector.broadcast %jit3A_1457 : i32 to vector<16xi32>
      %select_n3A_1460 = arith.select %eq3A_1455, %broadcast_in_dim3A_1458, %broadcast_in_dim3A_1459 : vector<16xi1>, vector<16xi32>
      %add3A_1461 = arith.addi %add3A_1444, %select_n3A_1460 : vector<16xi32>
      scf.yield %add3A_1461 : vector<16xi32>
    }
    %while3A_44 = arith.constant 1 : i32
    %while3A_45 = scf.for %while3A_1392 = %while3A_41 to %while3A_37 step %while3A_44 iter_args(%while3A_1393 = %while3A_43) -> (vector<16xi32>)  : i32 {
      %mul3A_1394 = arith.constant 4 : i32
      %mul3A_1395 = arith.muli %while3A_1392, %mul3A_1394 : i32
      %mul3A_1396 = arith.constant 16 : i32
      %mul3A_1397 = arith.muli %mul3A_1395, %mul3A_1396 : i32
      %add3A_1398 = arith.constant 0 : i32
      %add3A_1399 = arith.addi %mul3A_1397, %add3A_1398 : i32
      %get3A_1400 = arith.index_cast %add3A_1399 : i32 to index
      %get3A_1401 = tpu.vector_load %arg5[%get3A_1400] {strides = array<i32>} : memref<4096xi32, #tpu.memory_space<vmem>>, vector<16xi32>,
      %eq3A_1402 = arith.constant 1 : i32
      %eq3A_1403 = vector.broadcast %eq3A_1402 : i32 to vector<16xi32>
      %eq3A_1404 = arith.cmpi eq, %get3A_1401, %eq3A_1403 : vector<16xi32>
      %jit3A_1405 = arith.constant 0 : i32
      %jit3A_1406 = arith.constant 1 : i32
      %broadcast_in_dim3A_1407 = vector.broadcast %jit3A_1405 : i32 to vector<16xi32>
      %broadcast_in_dim3A_1408 = vector.broadcast %jit3A_1406 : i32 to vector<16xi32>
      %select_n3A_1409 = arith.select %eq3A_1404, %broadcast_in_dim3A_1407, %broadcast_in_dim3A_1408 : vector<16xi1>, vector<16xi32>
      %add3A_1410 = arith.addi %while3A_1393, %select_n3A_1409 : vector<16xi32>
      %mul3A_1411 = arith.constant 4 : i32
      %mul3A_1412 = arith.muli %while3A_1392, %mul3A_1411 : i32
      %mul3A_1413 = arith.constant 16 : i32
      %mul3A_1414 = arith.muli %mul3A_1412, %mul3A_1413 : i32
      %add3A_1415 = arith.constant 16 : i32
      %add3A_1416 = arith.addi %mul3A_1414, %add3A_1415 : i32
      %get3A_1417 = arith.index_cast %add3A_1416 : i32 to index
      %get3A_1418 = tpu.vector_load %arg5[%get3A_1417] {strides = array<i32>} : memref<4096xi32, #tpu.memory_space<vmem>>, vector<16xi32>,
      %eq3A_1419 = arith.constant 1 : i32
      %eq3A_1420 = vector.broadcast %eq3A_1419 : i32 to vector<16xi32>
      %eq3A_1421 = arith.cmpi eq, %get3A_1418, %eq3A_1420 : vector<16xi32>
      %jit3A_1422 = arith.constant 0 : i32
      %jit3A_1423 = arith.constant 1 : i32
      %broadcast_in_dim3A_1424 = vector.broadcast %jit3A_1422 : i32 to vector<16xi32>
      %broadcast_in_dim3A_1425 = vector.broadcast %jit3A_1423 : i32 to vector<16xi32>
      %select_n3A_1426 = arith.select %eq3A_1421, %broadcast_in_dim3A_1424, %broadcast_in_dim3A_1425 : vector<16xi1>, vector<16xi32>
      %add3A_1427 = arith.addi %add3A_1410, %select_n3A_1426 : vector<16xi32>
      %mul3A_1428 = arith.constant 4 : i32
      %mul3A_1429 = arith.muli %while3A_1392, %mul3A_1428 : i32
      %mul3A_1430 = arith.constant 16 : i32
      %mul3A_1431 = arith.muli %mul3A_1429, %mul3A_1430 : i32
      %add3A_1432 = arith.constant 32 : i32
      %add3A_1433 = arith.addi %mul3A_1431, %add3A_1432 : i32
      %get3A_1434 = arith.index_cast %add3A_1433 : i32 to index
      %get3A_1435 = tpu.vector_load %arg5[%get3A_1434] {strides = array<i32>} : memref<4096xi32, #tpu.memory_space<vmem>>, vector<16xi32>,
      %eq3A_1436 = arith.constant 1 : i32
      %eq3A_1437 = vector.broadcast %eq3A_1436 : i32 to vector<16xi32>
      %eq3A_1438 = arith.cmpi eq, %get3A_1435, %eq3A_1437 : vector<16xi32>
      %jit3A_1439 = arith.constant 0 : i32
      %jit3A_1440 = arith.constant 1 : i32
      %broadcast_in_dim3A_1441 = vector.broadcast %jit3A_1439 : i32 to vector<16xi32>
      %broadcast_in_dim3A_1442 = vector.broadcast %jit3A_1440 : i32 to vector<16xi32>
      %select_n3A_1443 = arith.select %eq3A_1438, %broadcast_in_dim3A_1441, %broadcast_in_dim3A_1442 : vector<16xi1>, vector<16xi32>
      %add3A_1444 = arith.addi %add3A_1427, %select_n3A_1443 : vector<16xi32>
      %mul3A_1445 = arith.constant 4 : i32
      %mul3A_1446 = arith.muli %while3A_1392, %mul3A_1445 : i32
      %mul3A_1447 = arith.constant 16 : i32
      %mul3A_1448 = arith.muli %mul3A_1446, %mul3A_1447 : i32
      %add3A_1449 = arith.constant 48 : i32
      %add3A_1450 = arith.addi %mul3A_1448, %add3A_1449 : i32
      %get3A_1451 = arith.index_cast %add3A_1450 : i32 to index
      %get3A_1452 = tpu.vector_load %arg5[%get3A_1451] {strides = array<i32>} : memref<4096xi32, #tpu.memory_space<vmem>>, vector<16xi32>,
      %eq3A_1453 = arith.constant 1 : i32
      %eq3A_1454 = vector.broadcast %eq3A_1453 : i32 to vector<16xi32>
      %eq3A_1455 = arith.cmpi eq, %get3A_1452, %eq3A_1454 : vector<16xi32>
      %jit3A_1456 = arith.constant 0 : i32
      %jit3A_1457 = arith.constant 1 : i32
      %broadcast_in_dim3A_1458 = vector.broadcast %jit3A_1456 : i32 to vector<16xi32>
      %broadcast_in_dim3A_1459 = vector.broadcast %jit3A_1457 : i32 to vector<16xi32>
      %select_n3A_1460 = arith.select %eq3A_1455, %broadcast_in_dim3A_1458, %broadcast_in_dim3A_1459 : vector<16xi1>, vector<16xi32>
      %add3A_1461 = arith.addi %add3A_1444, %select_n3A_1460 : vector<16xi32>
      scf.yield %add3A_1461 : vector<16xi32>
    }
    %reduce_sum3A = arith.constant true
    %reduce_sum3A_46 = vector.broadcast %reduce_sum3A : i1 to vector<16xi1>
    %reduce_sum3A_47 = tpu.scan <sum>, %while3A_45 masked %reduce_sum3A_46 : vector<16xi32>, vector<16xi1> -> vector<16xi32>
    %reduce_sum3A_48 = vector.extract %reduce_sum3A_47[15] : i32 from vector<16xi32>
    %mul3A_49 = arith.constant 512 : i32
    %mul3A_50 = arith.muli %add3A, %mul3A_49 : i32
    %mul3A_51 = arith.constant 512 : i32
    %mul3A_52 = arith.muli %select_n3A_30, %mul3A_51 : i32
    %add3A_53 = arith.constant 0 : i32
    %add3A_54 = arith.addi %mul3A_52, %add3A_53 : i32
    %get3A = arith.index_cast %add3A_54 : i32 to index
    %get3A_55 = tpu.vector_load %arg5[%get3A] {strides = array<i32>} : memref<4096xi32, #tpu.memory_space<vmem>>, vector<16xi32>,
    %eq3A_56 = arith.constant 1 : i32
    %eq3A_57 = vector.broadcast %eq3A_56 : i32 to vector<16xi32>
    %eq3A_58 = arith.cmpi eq, %get3A_55, %eq3A_57 : vector<16xi32>
    %jit3A_59 = arith.constant 0 : i32
    %jit3A_60 = arith.constant 1 : i32
    %broadcast_in_dim3A_61 = vector.broadcast %jit3A_59 : i32 to vector<16xi32>
    %broadcast_in_dim3A_62 = vector.broadcast %jit3A_60 : i32 to vector<16xi32>
    %select_n3A_63 = arith.select %eq3A_58, %broadcast_in_dim3A_61, %broadcast_in_dim3A_62 : vector<16xi1>, vector<16xi32>
    %broadcast_in_dim3A_64 = arith.constant true
    %broadcast_in_dim3A_65 = vector.broadcast %broadcast_in_dim3A_64 : i1 to vector<16xi1>
    %masked_cumsum3A = tpu.scan <sum>, %select_n3A_63 masked %broadcast_in_dim3A_65 : vector<16xi32>, vector<16xi1> -> vector<16xi32>
    %add3A_66 = vector.broadcast %reduce_sum3A_48 : i32 to vector<16xi32>
    %add3A_67 = arith.addi %add3A_66, %masked_cumsum3A : vector<16xi32>
    %mul3A_68 = arith.muli %add3A_67, %select_n3A_63 : vector<16xi32>
    %add3A_69 = arith.constant 1 : i32
    %add3A_70 = vector.broadcast %add3A_69 : i32 to vector<16xi32>
    %add3A_71 = arith.addi %mul3A_68, %add3A_70 : vector<16xi32>
    %swap3A = arith.constant 0 : i32
    %swap3A_72 = arith.index_cast %swap3A : i32 to index
    %swap3A_73 = arith.constant 0 : index
    %swap3A_74 = tpu.vector_load %arg6[%swap3A_72, %swap3A_73] {strides = array<i32>} : memref<16x32xi32, #tpu.memory_space<vmem>>, vector<16xi32>,
    tpu.vector_store %arg6[%swap3A_72, %swap3A_73], %add3A_71 {strides = array<i32>} : memref<16x32xi32, #tpu.memory_space<vmem>>, vector<16xi32>,
    %reduce_sum3A_75 = arith.constant true
    %reduce_sum3A_76 = vector.broadcast %reduce_sum3A_75 : i1 to vector<16xi1>
    %reduce_sum3A_77 = tpu.scan <sum>, %select_n3A_63 masked %reduce_sum3A_76 : vector<16xi32>, vector<16xi1> -> vector<16xi32>
    %reduce_sum3A_78 = vector.extract %reduce_sum3A_77[15] : i32 from vector<16xi32>
    %add3A_79 = arith.addi %reduce_sum3A_48, %reduce_sum3A_78 : i32
    %add3A_80 = arith.constant 16 : i32
    %add3A_81 = arith.addi %mul3A_52, %add3A_80 : i32
    %get3A_82 = arith.index_cast %add3A_81 : i32 to index
    %get3A_83 = tpu.vector_load %arg5[%get3A_82] {strides = array<i32>} : memref<4096xi32, #tpu.memory_space<vmem>>, vector<16xi32>,
    %eq3A_84 = arith.constant 1 : i32
    %eq3A_85 = vector.broadcast %eq3A_84 : i32 to vector<16xi32>
    %eq3A_86 = arith.cmpi eq, %get3A_83, %eq3A_85 : vector<16xi32>
    %jit3A_87 = arith.constant 0 : i32
    %jit3A_88 = arith.constant 1 : i32
    %broadcast_in_dim3A_89 = vector.broadcast %jit3A_87 : i32 to vector<16xi32>
    %broadcast_in_dim3A_90 = vector.broadcast %jit3A_88 : i32 to vector<16xi32>
    %select_n3A_91 = arith.select %eq3A_86, %broadcast_in_dim3A_89, %broadcast_in_dim3A_90 : vector<16xi1>, vector<16xi32>
    %broadcast_in_dim3A_92 = arith.constant true
    %broadcast_in_dim3A_93 = vector.broadcast %broadcast_in_dim3A_92 : i1 to vector<16xi1>
    %masked_cumsum3A_94 = tpu.scan <sum>, %select_n3A_91 masked %broadcast_in_dim3A_93 : vector<16xi32>, vector<16xi1> -> vector<16xi32>
    %add3A_95 = vector.broadcast %add3A_79 : i32 to vector<16xi32>
    %add3A_96 = arith.addi %add3A_95, %masked_cumsum3A_94 : vector<16xi32>
    %mul3A_97 = arith.muli %add3A_96, %select_n3A_91 : vector<16xi32>
    %add3A_98 = arith.constant 1 : i32
    %add3A_99 = vector.broadcast %add3A_98 : i32 to vector<16xi32>
    %add3A_100 = arith.addi %mul3A_97, %add3A_99 : vector<16xi32>
    %swap3A_101 = arith.constant 0 : i32
    %swap3A_102 = arith.index_cast %swap3A_101 : i32 to index
    %swap3A_103 = arith.constant 16 : index
    %swap3A_104 = tpu.vector_load %arg6[%swap3A_102, %swap3A_103] {strides = array<i32>} : memref<16x32xi32, #tpu.memory_space<vmem>>, vector<16xi32>,
    tpu.vector_store %arg6[%swap3A_102, %swap3A_103], %add3A_100 {strides = array<i32>} : memref<16x32xi32, #tpu.memory_space<vmem>>, vector<16xi32>,
    %reduce_sum3A_105 = arith.constant true
    %reduce_sum3A_106 = vector.broadcast %reduce_sum3A_105 : i1 to vector<16xi1>
    %reduce_sum3A_107 = tpu.scan <sum>, %select_n3A_91 masked %reduce_sum3A_106 : vector<16xi32>, vector<16xi1> -> vector<16xi32>
    %reduce_sum3A_108 = vector.extract %reduce_sum3A_107[15] : i32 from vector<16xi32>
    %add3A_109 = arith.addi %add3A_79, %reduce_sum3A_108 : i32
    %dma_start3A = arith.constant 0 : i32
    %dma_start3A_110 = arith.constant 0 : i32
    %dma_start3A_111 = tpu.memref_slice %arg6[%dma_start3A, %dma_start3A_110] : memref<16x32xi32, #tpu.memory_space<vmem>> -> memref<1x32xi32, #tpu.memory_space<vmem>>
    %dma_start3A_112 = tpu.memref_squeeze %dma_start3A_111 : memref<1x32xi32, #tpu.memory_space<vmem>> -> memref<32xi32, #tpu.memory_space<vmem>>
    %dma_start3A_113 = arith.constant 0 : i32
    %dma_start3A_114 = arith.constant 0 : i32
    %dma_start3A_115 = tpu.memref_slice %arg3[%dma_start3A_113, %dma_start3A_114] : memref<4098x768xf32, #tpu.memory_space<hbm>> -> memref<4098x768xf32, #tpu.memory_space<hbm>>
    tpu.enqueue_indirect_dma source(%dma_start3A_115 : memref<4098x768xf32, #tpu.memory_space<hbm>>) target(%arg7 : memref<32x768xf32, #tpu.memory_space<vmem>>) offsets(%dma_start3A_112 : memref<32xi32, #tpu.memory_space<vmem>>) semaphore(%arg11 : memref<!tpu.dma_semaphore, #tpu.memory_space<semaphore_mem>>)
    %add3A_116 = arith.constant 32 : i32
    %add3A_117 = arith.addi %mul3A_52, %add3A_116 : i32
    %get3A_118 = arith.index_cast %add3A_117 : i32 to index
    %get3A_119 = tpu.vector_load %arg5[%get3A_118] {strides = array<i32>} : memref<4096xi32, #tpu.memory_space<vmem>>, vector<16xi32>,
    %eq3A_120 = arith.constant 1 : i32
    %eq3A_121 = vector.broadcast %eq3A_120 : i32 to vector<16xi32>
    %eq3A_122 = arith.cmpi eq, %get3A_119, %eq3A_121 : vector<16xi32>
    %jit3A_123 = arith.constant 0 : i32
    %jit3A_124 = arith.constant 1 : i32
    %broadcast_in_dim3A_125 = vector.broadcast %jit3A_123 : i32 to vector<16xi32>
    %broadcast_in_dim3A_126 = vector.broadcast %jit3A_124 : i32 to vector<16xi32>
    %select_n3A_127 = arith.select %eq3A_122, %broadcast_in_dim3A_125, %broadcast_in_dim3A_126 : vector<16xi1>, vector<16xi32>
    %broadcast_in_dim3A_128 = arith.constant true
    %broadcast_in_dim3A_129 = vector.broadcast %broadcast_in_dim3A_128 : i1 to vector<16xi1>
    %masked_cumsum3A_130 = tpu.scan <sum>, %select_n3A_127 masked %broadcast_in_dim3A_129 : vector<16xi32>, vector<16xi1> -> vector<16xi32>
    %add3A_131 = vector.broadcast %add3A_109 : i32 to vector<16xi32>
    %add3A_132 = arith.addi %add3A_131, %masked_cumsum3A_130 : vector<16xi32>
    %mul3A_133 = arith.muli %add3A_132, %select_n3A_127 : vector<16xi32>
    %add3A_134 = arith.constant 1 : i32
    %add3A_135 = vector.broadcast %add3A_134 : i32 to vector<16xi32>
    %add3A_136 = arith.addi %mul3A_133, %add3A_135 : vector<16xi32>
    %swap3A_137 = arith.constant 1 : i32
    %swap3A_138 = arith.index_cast %swap3A_137 : i32 to index
    %swap3A_139 = arith.constant 0 : index
    %swap3A_140 = tpu.vector_load %arg6[%swap3A_138, %swap3A_139] {strides = array<i32>} : memref<16x32xi32, #tpu.memory_space<vmem>>, vector<16xi32>,
    tpu.vector_store %arg6[%swap3A_138, %swap3A_139], %add3A_136 {strides = array<i32>} : memref<16x32xi32, #tpu.memory_space<vmem>>, vector<16xi32>,
    %reduce_sum3A_141 = arith.constant true
    %reduce_sum3A_142 = vector.broadcast %reduce_sum3A_141 : i1 to vector<16xi1>
    %reduce_sum3A_143 = tpu.scan <sum>, %select_n3A_127 masked %reduce_sum3A_142 : vector<16xi32>, vector<16xi1> -> vector<16xi32>
    %reduce_sum3A_144 = vector.extract %reduce_sum3A_143[15] : i32 from vector<16xi32>
    %add3A_145 = arith.addi %add3A_109, %reduce_sum3A_144 : i32
    %add3A_146 = arith.constant 48 : i32
    %add3A_147 = arith.addi %mul3A_52, %add3A_146 : i32
    %get3A_148 = arith.index_cast %add3A_147 : i32 to index
    %get3A_149 = tpu.vector_load %arg5[%get3A_148] {strides = array<i32>} : memref<4096xi32, #tpu.memory_space<vmem>>, vector<16xi32>,
    %eq3A_150 = arith.constant 1 : i32
    %eq3A_151 = vector.broadcast %eq3A_150 : i32 to vector<16xi32>
    %eq3A_152 = arith.cmpi eq, %get3A_149, %eq3A_151 : vector<16xi32>
    %jit3A_153 = arith.constant 0 : i32
    %jit3A_154 = arith.constant 1 : i32
    %broadcast_in_dim3A_155 = vector.broadcast %jit3A_153 : i32 to vector<16xi32>
    %broadcast_in_dim3A_156 = vector.broadcast %jit3A_154 : i32 to vector<16xi32>
    %select_n3A_157 = arith.select %eq3A_152, %broadcast_in_dim3A_155, %broadcast_in_dim3A_156 : vector<16xi1>, vector<16xi32>
    %broadcast_in_dim3A_158 = arith.constant true
    %broadcast_in_dim3A_159 = vector.broadcast %broadcast_in_dim3A_158 : i1 to vector<16xi1>
    %masked_cumsum3A_160 = tpu.scan <sum>, %select_n3A_157 masked %broadcast_in_dim3A_159 : vector<16xi32>, vector<16xi1> -> vector<16xi32>
    %add3A_161 = vector.broadcast %add3A_145 : i32 to vector<16xi32>
    %add3A_162 = arith.addi %add3A_161, %masked_cumsum3A_160 : vector<16xi32>
    %mul3A_163 = arith.muli %add3A_162, %select_n3A_157 : vector<16xi32>
    %add3A_164 = arith.constant 1 : i32
    %add3A_165 = vector.broadcast %add3A_164 : i32 to vector<16xi32>
    %add3A_166 = arith.addi %mul3A_163, %add3A_165 : vector<16xi32>
    %swap3A_167 = arith.constant 1 : i32
    %swap3A_168 = arith.index_cast %swap3A_167 : i32 to index
    %swap3A_169 = arith.constant 16 : index
    %swap3A_170 = tpu.vector_load %arg6[%swap3A_168, %swap3A_169] {strides = array<i32>} : memref<16x32xi32, #tpu.memory_space<vmem>>, vector<16xi32>,
    tpu.vector_store %arg6[%swap3A_168, %swap3A_169], %add3A_166 {strides = array<i32>} : memref<16x32xi32, #tpu.memory_space<vmem>>, vector<16xi32>,
    %reduce_sum3A_171 = arith.constant true
    %reduce_sum3A_172 = vector.broadcast %reduce_sum3A_171 : i1 to vector<16xi1>
    %reduce_sum3A_173 = tpu.scan <sum>, %select_n3A_157 masked %reduce_sum3A_172 : vector<16xi32>, vector<16xi1> -> vector<16xi32>
    %reduce_sum3A_174 = vector.extract %reduce_sum3A_173[15] : i32 from vector<16xi32>
    %add3A_175 = arith.addi %add3A_145, %reduce_sum3A_174 : i32
    %dma_start3A_176 = arith.constant 1 : i32
    %dma_start3A_177 = arith.constant 0 : i32
    %dma_start3A_178 = tpu.memref_slice %arg6[%dma_start3A_176, %dma_start3A_177] : memref<16x32xi32, #tpu.memory_space<vmem>> -> memref<1x32xi32, #tpu.memory_space<vmem>>
    %dma_start3A_179 = tpu.memref_squeeze %dma_start3A_178 : memref<1x32xi32, #tpu.memory_space<vmem>> -> memref<32xi32, #tpu.memory_space<vmem>>
    %dma_start3A_180 = arith.constant 0 : i32
    %dma_start3A_181 = arith.constant 0 : i32
    %dma_start3A_182 = tpu.memref_slice %arg3[%dma_start3A_180, %dma_start3A_181] : memref<4098x768xf32, #tpu.memory_space<hbm>> -> memref<4098x768xf32, #tpu.memory_space<hbm>>
    tpu.enqueue_indirect_dma source(%dma_start3A_182 : memref<4098x768xf32, #tpu.memory_space<hbm>>) target(%arg8 : memref<32x768xf32, #tpu.memory_space<vmem>>) offsets(%dma_start3A_179 : memref<32xi32, #tpu.memory_space<vmem>>) semaphore(%arg12 : memref<!tpu.dma_semaphore, #tpu.memory_space<semaphore_mem>>)
    %dma_wait3A = arith.constant 0 : i32
    %dma_wait3A_183 = arith.constant 0 : i32
    %dma_wait3A_184 = tpu.memref_slice %arg6[%dma_wait3A, %dma_wait3A_183] : memref<16x32xi32, #tpu.memory_space<vmem>> -> memref<1x32xi32, #tpu.memory_space<vmem>>
    %dma_wait3A_185 = tpu.memref_squeeze %dma_wait3A_184 : memref<1x32xi32, #tpu.memory_space<vmem>> -> memref<32xi32, #tpu.memory_space<vmem>>
    %dma_wait3A_186 = arith.constant 0 : i32
    %dma_wait3A_187 = arith.constant 0 : i32
    %dma_wait3A_188 = tpu.memref_slice %arg3[%dma_wait3A_186, %dma_wait3A_187] : memref<4098x768xf32, #tpu.memory_space<hbm>> -> memref<4098x768xf32, #tpu.memory_space<hbm>>
    tpu.wait_indirect_dma semaphore(%arg11 : memref<!tpu.dma_semaphore, #tpu.memory_space<semaphore_mem>>) src(%dma_wait3A_188 : memref<4098x768xf32, #tpu.memory_space<hbm>>) dst(%arg7 : memref<32x768xf32, #tpu.memory_space<vmem>>)
    %add3A_189 = arith.constant 0 : i32
    %add3A_190 = arith.addi %mul3A_50, %add3A_189 : i32
    %dma_start3A_191 = arith.constant 0 : i32
    %dma_start3A_192 = tpu.memref_slice %arg4[%add3A_190, %dma_start3A_191] : memref<16384x768xf32, #tpu.memory_space<hbm>> -> memref<32x768xf32, #tpu.memory_space<hbm>>
    %dma_start3A_193 = arith.constant 0 : i32
    %dma_start3A_194 = tpu.memref_slice %arg4[%add3A_190, %dma_start3A_193] : memref<16384x768xf32, #tpu.memory_space<hbm>> -> memref<32x768xf32, #tpu.memory_space<hbm>>
    tpu.enqueue_dma source(%arg7 : memref<32x768xf32, #tpu.memory_space<vmem>>) target(%dma_start3A_194 : memref<32x768xf32, #tpu.memory_space<hbm>>) target_semaphore(%arg15 : memref<!tpu.dma_semaphore, #tpu.memory_space<semaphore_mem>>)
    %add3A_195 = arith.constant 64 : i32
    %add3A_196 = arith.addi %mul3A_52, %add3A_195 : i32
    %get3A_197 = arith.index_cast %add3A_196 : i32 to index
    %get3A_198 = tpu.vector_load %arg5[%get3A_197] {strides = array<i32>} : memref<4096xi32, #tpu.memory_space<vmem>>, vector<16xi32>,
    %eq3A_199 = arith.constant 1 : i32
    %eq3A_200 = vector.broadcast %eq3A_199 : i32 to vector<16xi32>
    %eq3A_201 = arith.cmpi eq, %get3A_198, %eq3A_200 : vector<16xi32>
    %jit3A_202 = arith.constant 0 : i32
    %jit3A_203 = arith.constant 1 : i32
    %broadcast_in_dim3A_204 = vector.broadcast %jit3A_202 : i32 to vector<16xi32>
    %broadcast_in_dim3A_205 = vector.broadcast %jit3A_203 : i32 to vector<16xi32>
    %select_n3A_206 = arith.select %eq3A_201, %broadcast_in_dim3A_204, %broadcast_in_dim3A_205 : vector<16xi1>, vector<16xi32>
    %broadcast_in_dim3A_207 = arith.constant true
    %broadcast_in_dim3A_208 = vector.broadcast %broadcast_in_dim3A_207 : i1 to vector<16xi1>
    %masked_cumsum3A_209 = tpu.scan <sum>, %select_n3A_206 masked %broadcast_in_dim3A_208 : vector<16xi32>, vector<16xi1> -> vector<16xi32>
    %add3A_210 = vector.broadcast %add3A_175 : i32 to vector<16xi32>
    %add3A_211 = arith.addi %add3A_210, %masked_cumsum3A_209 : vector<16xi32>
    %mul3A_212 = arith.muli %add3A_211, %select_n3A_206 : vector<16xi32>
    %add3A_213 = arith.constant 1 : i32
    %add3A_214 = vector.broadcast %add3A_213 : i32 to vector<16xi32>
    %add3A_215 = arith.addi %mul3A_212, %add3A_214 : vector<16xi32>
    %swap3A_216 = arith.constant 2 : i32
    %swap3A_217 = arith.index_cast %swap3A_216 : i32 to index
    %swap3A_218 = arith.constant 0 : index
    %swap3A_219 = tpu.vector_load %arg6[%swap3A_217, %swap3A_218] {strides = array<i32>} : memref<16x32xi32, #tpu.memory_space<vmem>>, vector<16xi32>,
    tpu.vector_store %arg6[%swap3A_217, %swap3A_218], %add3A_215 {strides = array<i32>} : memref<16x32xi32, #tpu.memory_space<vmem>>, vector<16xi32>,
    %reduce_sum3A_220 = arith.constant true
    %reduce_sum3A_221 = vector.broadcast %reduce_sum3A_220 : i1 to vector<16xi1>
    %reduce_sum3A_222 = tpu.scan <sum>, %select_n3A_206 masked %reduce_sum3A_221 : vector<16xi32>, vector<16xi1> -> vector<16xi32>
    %reduce_sum3A_223 = vector.extract %reduce_sum3A_222[15] : i32 from vector<16xi32>
    %add3A_224 = arith.addi %add3A_175, %reduce_sum3A_223 : i32
    %add3A_225 = arith.constant 80 : i32
    %add3A_226 = arith.addi %mul3A_52, %add3A_225 : i32
    %get3A_227 = arith.index_cast %add3A_226 : i32 to index
    %get3A_228 = tpu.vector_load %arg5[%get3A_227] {strides = array<i32>} : memref<4096xi32, #tpu.memory_space<vmem>>, vector<16xi32>,
    %eq3A_229 = arith.constant 1 : i32
    %eq3A_230 = vector.broadcast %eq3A_229 : i32 to vector<16xi32>
    %eq3A_231 = arith.cmpi eq, %get3A_228, %eq3A_230 : vector<16xi32>
    %jit3A_232 = arith.constant 0 : i32
    %jit3A_233 = arith.constant 1 : i32
    %broadcast_in_dim3A_234 = vector.broadcast %jit3A_232 : i32 to vector<16xi32>
    %broadcast_in_dim3A_235 = vector.broadcast %jit3A_233 : i32 to vector<16xi32>
    %select_n3A_236 = arith.select %eq3A_231, %broadcast_in_dim3A_234, %broadcast_in_dim3A_235 : vector<16xi1>, vector<16xi32>
    %broadcast_in_dim3A_237 = arith.constant true
    %broadcast_in_dim3A_238 = vector.broadcast %broadcast_in_dim3A_237 : i1 to vector<16xi1>
    %masked_cumsum3A_239 = tpu.scan <sum>, %select_n3A_236 masked %broadcast_in_dim3A_238 : vector<16xi32>, vector<16xi1> -> vector<16xi32>
    %add3A_240 = vector.broadcast %add3A_224 : i32 to vector<16xi32>
    %add3A_241 = arith.addi %add3A_240, %masked_cumsum3A_239 : vector<16xi32>
    %mul3A_242 = arith.muli %add3A_241, %select_n3A_236 : vector<16xi32>
    %add3A_243 = arith.constant 1 : i32
    %add3A_244 = vector.broadcast %add3A_243 : i32 to vector<16xi32>
    %add3A_245 = arith.addi %mul3A_242, %add3A_244 : vector<16xi32>
    %swap3A_246 = arith.constant 2 : i32
    %swap3A_247 = arith.index_cast %swap3A_246 : i32 to index
    %swap3A_248 = arith.constant 16 : index
    %swap3A_249 = tpu.vector_load %arg6[%swap3A_247, %swap3A_248] {strides = array<i32>} : memref<16x32xi32, #tpu.memory_space<vmem>>, vector<16xi32>,
    tpu.vector_store %arg6[%swap3A_247, %swap3A_248], %add3A_245 {strides = array<i32>} : memref<16x32xi32, #tpu.memory_space<vmem>>, vector<16xi32>,
    %reduce_sum3A_250 = arith.constant true
    %reduce_sum3A_251 = vector.broadcast %reduce_sum3A_250 : i1 to vector<16xi1>
    %reduce_sum3A_252 = tpu.scan <sum>, %select_n3A_236 masked %reduce_sum3A_251 : vector<16xi32>, vector<16xi1> -> vector<16xi32>
    %reduce_sum3A_253 = vector.extract %reduce_sum3A_252[15] : i32 from vector<16xi32>
    %add3A_254 = arith.addi %add3A_224, %reduce_sum3A_253 : i32
    %dma_start3A_255 = arith.constant 2 : i32
    %dma_start3A_256 = arith.constant 0 : i32
    %dma_start3A_257 = tpu.memref_slice %arg6[%dma_start3A_255, %dma_start3A_256] : memref<16x32xi32, #tpu.memory_space<vmem>> -> memref<1x32xi32, #tpu.memory_space<vmem>>
    %dma_start3A_258 = tpu.memref_squeeze %dma_start3A_257 : memref<1x32xi32, #tpu.memory_space<vmem>> -> memref<32xi32, #tpu.memory_space<vmem>>
    %dma_start3A_259 = arith.constant 0 : i32
    %dma_start3A_260 = arith.constant 0 : i32
    %dma_start3A_261 = tpu.memref_slice %arg3[%dma_start3A_259, %dma_start3A_260] : memref<4098x768xf32, #tpu.memory_space<hbm>> -> memref<4098x768xf32, #tpu.memory_space<hbm>>
    tpu.enqueue_indirect_dma source(%dma_start3A_261 : memref<4098x768xf32, #tpu.memory_space<hbm>>) target(%arg9 : memref<32x768xf32, #tpu.memory_space<vmem>>) offsets(%dma_start3A_258 : memref<32xi32, #tpu.memory_space<vmem>>) semaphore(%arg13 : memref<!tpu.dma_semaphore, #tpu.memory_space<semaphore_mem>>)
    %dma_wait3A_262 = arith.constant 1 : i32
    %dma_wait3A_263 = arith.constant 0 : i32
    %dma_wait3A_264 = tpu.memref_slice %arg6[%dma_wait3A_262, %dma_wait3A_263] : memref<16x32xi32, #tpu.memory_space<vmem>> -> memref<1x32xi32, #tpu.memory_space<vmem>>
    %dma_wait3A_265 = tpu.memref_squeeze %dma_wait3A_264 : memref<1x32xi32, #tpu.memory_space<vmem>> -> memref<32xi32, #tpu.memory_space<vmem>>
    %dma_wait3A_266 = arith.constant 0 : i32
    %dma_wait3A_267 = arith.constant 0 : i32
    %dma_wait3A_268 = tpu.memref_slice %arg3[%dma_wait3A_266, %dma_wait3A_267] : memref<4098x768xf32, #tpu.memory_space<hbm>> -> memref<4098x768xf32, #tpu.memory_space<hbm>>
    tpu.wait_indirect_dma semaphore(%arg12 : memref<!tpu.dma_semaphore, #tpu.memory_space<semaphore_mem>>) src(%dma_wait3A_268 : memref<4098x768xf32, #tpu.memory_space<hbm>>) dst(%arg8 : memref<32x768xf32, #tpu.memory_space<vmem>>)
    %add3A_269 = arith.constant 32 : i32
    %add3A_270 = arith.addi %mul3A_50, %add3A_269 : i32
    %dma_start3A_271 = arith.constant 0 : i32
    %dma_start3A_272 = tpu.memref_slice %arg4[%add3A_270, %dma_start3A_271] : memref<16384x768xf32, #tpu.memory_space<hbm>> -> memref<32x768xf32, #tpu.memory_space<hbm>>
    %dma_start3A_273 = arith.constant 0 : i32
    %dma_start3A_274 = tpu.memref_slice %arg4[%add3A_270, %dma_start3A_273] : memref<16384x768xf32, #tpu.memory_space<hbm>> -> memref<32x768xf32, #tpu.memory_space<hbm>>
    tpu.enqueue_dma source(%arg8 : memref<32x768xf32, #tpu.memory_space<vmem>>) target(%dma_start3A_274 : memref<32x768xf32, #tpu.memory_space<hbm>>) target_semaphore(%arg16 : memref<!tpu.dma_semaphore, #tpu.memory_space<semaphore_mem>>)
    %add3A_275 = arith.constant 96 : i32
    %add3A_276 = arith.addi %mul3A_52, %add3A_275 : i32
    %get3A_277 = arith.index_cast %add3A_276 : i32 to index
    %get3A_278 = tpu.vector_load %arg5[%get3A_277] {strides = array<i32>} : memref<4096xi32, #tpu.memory_space<vmem>>, vector<16xi32>,
    %eq3A_279 = arith.constant 1 : i32
    %eq3A_280 = vector.broadcast %eq3A_279 : i32 to vector<16xi32>
    %eq3A_281 = arith.cmpi eq, %get3A_278, %eq3A_280 : vector<16xi32>
    %jit3A_282 = arith.constant 0 : i32
    %jit3A_283 = arith.constant 1 : i32
    %broadcast_in_dim3A_284 = vector.broadcast %jit3A_282 : i32 to vector<16xi32>
    %broadcast_in_dim3A_285 = vector.broadcast %jit3A_283 : i32 to vector<16xi32>
    %select_n3A_286 = arith.select %eq3A_281, %broadcast_in_dim3A_284, %broadcast_in_dim3A_285 : vector<16xi1>, vector<16xi32>
    %broadcast_in_dim3A_287 = arith.constant true
    %broadcast_in_dim3A_288 = vector.broadcast %broadcast_in_dim3A_287 : i1 to vector<16xi1>
    %masked_cumsum3A_289 = tpu.scan <sum>, %select_n3A_286 masked %broadcast_in_dim3A_288 : vector<16xi32>, vector<16xi1> -> vector<16xi32>
    %add3A_290 = vector.broadcast %add3A_254 : i32 to vector<16xi32>
    %add3A_291 = arith.addi %add3A_290, %masked_cumsum3A_289 : vector<16xi32>
    %mul3A_292 = arith.muli %add3A_291, %select_n3A_286 : vector<16xi32>
    %add3A_293 = arith.constant 1 : i32
    %add3A_294 = vector.broadcast %add3A_293 : i32 to vector<16xi32>
    %add3A_295 = arith.addi %mul3A_292, %add3A_294 : vector<16xi32>
    %swap3A_296 = arith.constant 3 : i32
    %swap3A_297 = arith.index_cast %swap3A_296 : i32 to index
    %swap3A_298 = arith.constant 0 : index
    %swap3A_299 = tpu.vector_load %arg6[%swap3A_297, %swap3A_298] {strides = array<i32>} : memref<16x32xi32, #tpu.memory_space<vmem>>, vector<16xi32>,
    tpu.vector_store %arg6[%swap3A_297, %swap3A_298], %add3A_295 {strides = array<i32>} : memref<16x32xi32, #tpu.memory_space<vmem>>, vector<16xi32>,
    %reduce_sum3A_300 = arith.constant true
    %reduce_sum3A_301 = vector.broadcast %reduce_sum3A_300 : i1 to vector<16xi1>
    %reduce_sum3A_302 = tpu.scan <sum>, %select_n3A_286 masked %reduce_sum3A_301 : vector<16xi32>, vector<16xi1> -> vector<16xi32>
    %reduce_sum3A_303 = vector.extract %reduce_sum3A_302[15] : i32 from vector<16xi32>
    %add3A_304 = arith.addi %add3A_254, %reduce_sum3A_303 : i32
    %add3A_305 = arith.constant 112 : i32
    %add3A_306 = arith.addi %mul3A_52, %add3A_305 : i32
    %get3A_307 = arith.index_cast %add3A_306 : i32 to index
    %get3A_308 = tpu.vector_load %arg5[%get3A_307] {strides = array<i32>} : memref<4096xi32, #tpu.memory_space<vmem>>, vector<16xi32>,
    %eq3A_309 = arith.constant 1 : i32
    %eq3A_310 = vector.broadcast %eq3A_309 : i32 to vector<16xi32>
    %eq3A_311 = arith.cmpi eq, %get3A_308, %eq3A_310 : vector<16xi32>
    %jit3A_312 = arith.constant 0 : i32
    %jit3A_313 = arith.constant 1 : i32
    %broadcast_in_dim3A_314 = vector.broadcast %jit3A_312 : i32 to vector<16xi32>
    %broadcast_in_dim3A_315 = vector.broadcast %jit3A_313 : i32 to vector<16xi32>
    %select_n3A_316 = arith.select %eq3A_311, %broadcast_in_dim3A_314, %broadcast_in_dim3A_315 : vector<16xi1>, vector<16xi32>
    %broadcast_in_dim3A_317 = arith.constant true
    %broadcast_in_dim3A_318 = vector.broadcast %broadcast_in_dim3A_317 : i1 to vector<16xi1>
    %masked_cumsum3A_319 = tpu.scan <sum>, %select_n3A_316 masked %broadcast_in_dim3A_318 : vector<16xi32>, vector<16xi1> -> vector<16xi32>
    %add3A_320 = vector.broadcast %add3A_304 : i32 to vector<16xi32>
    %add3A_321 = arith.addi %add3A_320, %masked_cumsum3A_319 : vector<16xi32>
    %mul3A_322 = arith.muli %add3A_321, %select_n3A_316 : vector<16xi32>
    %add3A_323 = arith.constant 1 : i32
    %add3A_324 = vector.broadcast %add3A_323 : i32 to vector<16xi32>
    %add3A_325 = arith.addi %mul3A_322, %add3A_324 : vector<16xi32>
    %swap3A_326 = arith.constant 3 : i32
    %swap3A_327 = arith.index_cast %swap3A_326 : i32 to index
    %swap3A_328 = arith.constant 16 : index
    %swap3A_329 = tpu.vector_load %arg6[%swap3A_327, %swap3A_328] {strides = array<i32>} : memref<16x32xi32, #tpu.memory_space<vmem>>, vector<16xi32>,
    tpu.vector_store %arg6[%swap3A_327, %swap3A_328], %add3A_325 {strides = array<i32>} : memref<16x32xi32, #tpu.memory_space<vmem>>, vector<16xi32>,
    %reduce_sum3A_330 = arith.constant true
    %reduce_sum3A_331 = vector.broadcast %reduce_sum3A_330 : i1 to vector<16xi1>
    %reduce_sum3A_332 = tpu.scan <sum>, %select_n3A_316 masked %reduce_sum3A_331 : vector<16xi32>, vector<16xi1> -> vector<16xi32>
    %reduce_sum3A_333 = vector.extract %reduce_sum3A_332[15] : i32 from vector<16xi32>
    %add3A_334 = arith.addi %add3A_304, %reduce_sum3A_333 : i32
    %dma_start3A_335 = arith.constant 3 : i32
    %dma_start3A_336 = arith.constant 0 : i32
    %dma_start3A_337 = tpu.memref_slice %arg6[%dma_start3A_335, %dma_start3A_336] : memref<16x32xi32, #tpu.memory_space<vmem>> -> memref<1x32xi32, #tpu.memory_space<vmem>>
    %dma_start3A_338 = tpu.memref_squeeze %dma_start3A_337 : memref<1x32xi32, #tpu.memory_space<vmem>> -> memref<32xi32, #tpu.memory_space<vmem>>
    %dma_start3A_339 = arith.constant 0 : i32
    %dma_start3A_340 = arith.constant 0 : i32
    %dma_start3A_341 = tpu.memref_slice %arg3[%dma_start3A_339, %dma_start3A_340] : memref<4098x768xf32, #tpu.memory_space<hbm>> -> memref<4098x768xf32, #tpu.memory_space<hbm>>
    tpu.enqueue_indirect_dma source(%dma_start3A_341 : memref<4098x768xf32, #tpu.memory_space<hbm>>) target(%arg10 : memref<32x768xf32, #tpu.memory_space<vmem>>) offsets(%dma_start3A_338 : memref<32xi32, #tpu.memory_space<vmem>>) semaphore(%arg14 : memref<!tpu.dma_semaphore, #tpu.memory_space<semaphore_mem>>)
    %dma_wait3A_342 = arith.constant 2 : i32
    %dma_wait3A_343 = arith.constant 0 : i32
    %dma_wait3A_344 = tpu.memref_slice %arg6[%dma_wait3A_342, %dma_wait3A_343] : memref<16x32xi32, #tpu.memory_space<vmem>> -> memref<1x32xi32, #tpu.memory_space<vmem>>
    %dma_wait3A_345 = tpu.memref_squeeze %dma_wait3A_344 : memref<1x32xi32, #tpu.memory_space<vmem>> -> memref<32xi32, #tpu.memory_space<vmem>>
    %dma_wait3A_346 = arith.constant 0 : i32
    %dma_wait3A_347 = arith.constant 0 : i32
    %dma_wait3A_348 = tpu.memref_slice %arg3[%dma_wait3A_346, %dma_wait3A_347] : memref<4098x768xf32, #tpu.memory_space<hbm>> -> memref<4098x768xf32, #tpu.memory_space<hbm>>
    tpu.wait_indirect_dma semaphore(%arg13 : memref<!tpu.dma_semaphore, #tpu.memory_space<semaphore_mem>>) src(%dma_wait3A_348 : memref<4098x768xf32, #tpu.memory_space<hbm>>) dst(%arg9 : memref<32x768xf32, #tpu.memory_space<vmem>>)
    %add3A_349 = arith.constant 64 : i32
    %add3A_350 = arith.addi %mul3A_50, %add3A_349 : i32
    %dma_start3A_351 = arith.constant 0 : i32
    %dma_start3A_352 = tpu.memref_slice %arg4[%add3A_350, %dma_start3A_351] : memref<16384x768xf32, #tpu.memory_space<hbm>> -> memref<32x768xf32, #tpu.memory_space<hbm>>
    %dma_start3A_353 = arith.constant 0 : i32
    %dma_start3A_354 = tpu.memref_slice %arg4[%add3A_350, %dma_start3A_353] : memref<16384x768xf32, #tpu.memory_space<hbm>> -> memref<32x768xf32, #tpu.memory_space<hbm>>
    tpu.enqueue_dma source(%arg9 : memref<32x768xf32, #tpu.memory_space<vmem>>) target(%dma_start3A_354 : memref<32x768xf32, #tpu.memory_space<hbm>>) target_semaphore(%arg17 : memref<!tpu.dma_semaphore, #tpu.memory_space<semaphore_mem>>)
    %add3A_355 = arith.constant 128 : i32
    %add3A_356 = arith.addi %mul3A_52, %add3A_355 : i32
    %get3A_357 = arith.index_cast %add3A_356 : i32 to index
    %get3A_358 = tpu.vector_load %arg5[%get3A_357] {strides = array<i32>} : memref<4096xi32, #tpu.memory_space<vmem>>, vector<16xi32>,
    %eq3A_359 = arith.constant 1 : i32
    %eq3A_360 = vector.broadcast %eq3A_359 : i32 to vector<16xi32>
    %eq3A_361 = arith.cmpi eq, %get3A_358, %eq3A_360 : vector<16xi32>
    %jit3A_362 = arith.constant 0 : i32
    %jit3A_363 = arith.constant 1 : i32
    %broadcast_in_dim3A_364 = vector.broadcast %jit3A_362 : i32 to vector<16xi32>
    %broadcast_in_dim3A_365 = vector.broadcast %jit3A_363 : i32 to vector<16xi32>
    %select_n3A_366 = arith.select %eq3A_361, %broadcast_in_dim3A_364, %broadcast_in_dim3A_365 : vector<16xi1>, vector<16xi32>
    %broadcast_in_dim3A_367 = arith.constant true
    %broadcast_in_dim3A_368 = vector.broadcast %broadcast_in_dim3A_367 : i1 to vector<16xi1>
    %masked_cumsum3A_369 = tpu.scan <sum>, %select_n3A_366 masked %broadcast_in_dim3A_368 : vector<16xi32>, vector<16xi1> -> vector<16xi32>
    %add3A_370 = vector.broadcast %add3A_334 : i32 to vector<16xi32>
    %add3A_371 = arith.addi %add3A_370, %masked_cumsum3A_369 : vector<16xi32>
    %mul3A_372 = arith.muli %add3A_371, %select_n3A_366 : vector<16xi32>
    %add3A_373 = arith.constant 1 : i32
    %add3A_374 = vector.broadcast %add3A_373 : i32 to vector<16xi32>
    %add3A_375 = arith.addi %mul3A_372, %add3A_374 : vector<16xi32>
    %swap3A_376 = arith.constant 4 : i32
    %swap3A_377 = arith.index_cast %swap3A_376 : i32 to index
    %swap3A_378 = arith.constant 0 : index
    %swap3A_379 = tpu.vector_load %arg6[%swap3A_377, %swap3A_378] {strides = array<i32>} : memref<16x32xi32, #tpu.memory_space<vmem>>, vector<16xi32>,
    tpu.vector_store %arg6[%swap3A_377, %swap3A_378], %add3A_375 {strides = array<i32>} : memref<16x32xi32, #tpu.memory_space<vmem>>, vector<16xi32>,
    %reduce_sum3A_380 = arith.constant true
    %reduce_sum3A_381 = vector.broadcast %reduce_sum3A_380 : i1 to vector<16xi1>
    %reduce_sum3A_382 = tpu.scan <sum>, %select_n3A_366 masked %reduce_sum3A_381 : vector<16xi32>, vector<16xi1> -> vector<16xi32>
    %reduce_sum3A_383 = vector.extract %reduce_sum3A_382[15] : i32 from vector<16xi32>
    %add3A_384 = arith.addi %add3A_334, %reduce_sum3A_383 : i32
    %add3A_385 = arith.constant 144 : i32
    %add3A_386 = arith.addi %mul3A_52, %add3A_385 : i32
    %get3A_387 = arith.index_cast %add3A_386 : i32 to index
    %get3A_388 = tpu.vector_load %arg5[%get3A_387] {strides = array<i32>} : memref<4096xi32, #tpu.memory_space<vmem>>, vector<16xi32>,
    %eq3A_389 = arith.constant 1 : i32
    %eq3A_390 = vector.broadcast %eq3A_389 : i32 to vector<16xi32>
    %eq3A_391 = arith.cmpi eq, %get3A_388, %eq3A_390 : vector<16xi32>
    %jit3A_392 = arith.constant 0 : i32
    %jit3A_393 = arith.constant 1 : i32
    %broadcast_in_dim3A_394 = vector.broadcast %jit3A_392 : i32 to vector<16xi32>
    %broadcast_in_dim3A_395 = vector.broadcast %jit3A_393 : i32 to vector<16xi32>
    %select_n3A_396 = arith.select %eq3A_391, %broadcast_in_dim3A_394, %broadcast_in_dim3A_395 : vector<16xi1>, vector<16xi32>
    %broadcast_in_dim3A_397 = arith.constant true
    %broadcast_in_dim3A_398 = vector.broadcast %broadcast_in_dim3A_397 : i1 to vector<16xi1>
    %masked_cumsum3A_399 = tpu.scan <sum>, %select_n3A_396 masked %broadcast_in_dim3A_398 : vector<16xi32>, vector<16xi1> -> vector<16xi32>
    %add3A_400 = vector.broadcast %add3A_384 : i32 to vector<16xi32>
    %add3A_401 = arith.addi %add3A_400, %masked_cumsum3A_399 : vector<16xi32>
    %mul3A_402 = arith.muli %add3A_401, %select_n3A_396 : vector<16xi32>
    %add3A_403 = arith.constant 1 : i32
    %add3A_404 = vector.broadcast %add3A_403 : i32 to vector<16xi32>
    %add3A_405 = arith.addi %mul3A_402, %add3A_404 : vector<16xi32>
    %swap3A_406 = arith.constant 4 : i32
    %swap3A_407 = arith.index_cast %swap3A_406 : i32 to index
    %swap3A_408 = arith.constant 16 : index
    %swap3A_409 = tpu.vector_load %arg6[%swap3A_407, %swap3A_408] {strides = array<i32>} : memref<16x32xi32, #tpu.memory_space<vmem>>, vector<16xi32>,
    tpu.vector_store %arg6[%swap3A_407, %swap3A_408], %add3A_405 {strides = array<i32>} : memref<16x32xi32, #tpu.memory_space<vmem>>, vector<16xi32>,
    %reduce_sum3A_410 = arith.constant true
    %reduce_sum3A_411 = vector.broadcast %reduce_sum3A_410 : i1 to vector<16xi1>
    %reduce_sum3A_412 = tpu.scan <sum>, %select_n3A_396 masked %reduce_sum3A_411 : vector<16xi32>, vector<16xi1> -> vector<16xi32>
    %reduce_sum3A_413 = vector.extract %reduce_sum3A_412[15] : i32 from vector<16xi32>
    %add3A_414 = arith.addi %add3A_384, %reduce_sum3A_413 : i32
    %dma_wait3A_415 = arith.constant 0 : i32
    %dma_wait3A_416 = tpu.memref_slice %arg4[%add3A_190, %dma_wait3A_415] : memref<16384x768xf32, #tpu.memory_space<hbm>> -> memref<32x768xf32, #tpu.memory_space<hbm>>
    %dma_wait3A_417 = arith.constant 0 : i32
    %dma_wait3A_418 = tpu.memref_slice %arg4[%add3A_190, %dma_wait3A_417] : memref<16384x768xf32, #tpu.memory_space<hbm>> -> memref<32x768xf32, #tpu.memory_space<hbm>>
    tpu.wait_dma2 semaphore(%arg15 : memref<!tpu.dma_semaphore, #tpu.memory_space<semaphore_mem>>) src(%arg7 : memref<32x768xf32, #tpu.memory_space<vmem>>) dst(%dma_wait3A_418 : memref<32x768xf32, #tpu.memory_space<hbm>>)
    %dma_start3A_419 = arith.constant 4 : i32
    %dma_start3A_420 = arith.constant 0 : i32
    %dma_start3A_421 = tpu.memref_slice %arg6[%dma_start3A_419, %dma_start3A_420] : memref<16x32xi32, #tpu.memory_space<vmem>> -> memref<1x32xi32, #tpu.memory_space<vmem>>
    %dma_start3A_422 = tpu.memref_squeeze %dma_start3A_421 : memref<1x32xi32, #tpu.memory_space<vmem>> -> memref<32xi32, #tpu.memory_space<vmem>>
    %dma_start3A_423 = arith.constant 0 : i32
    %dma_start3A_424 = arith.constant 0 : i32
    %dma_start3A_425 = tpu.memref_slice %arg3[%dma_start3A_423, %dma_start3A_424] : memref<4098x768xf32, #tpu.memory_space<hbm>> -> memref<4098x768xf32, #tpu.memory_space<hbm>>
    tpu.enqueue_indirect_dma source(%dma_start3A_425 : memref<4098x768xf32, #tpu.memory_space<hbm>>) target(%arg7 : memref<32x768xf32, #tpu.memory_space<vmem>>) offsets(%dma_start3A_422 : memref<32xi32, #tpu.memory_space<vmem>>) semaphore(%arg11 : memref<!tpu.dma_semaphore, #tpu.memory_space<semaphore_mem>>)
    %dma_wait3A_426 = arith.constant 3 : i32
    %dma_wait3A_427 = arith.constant 0 : i32
    %dma_wait3A_428 = tpu.memref_slice %arg6[%dma_wait3A_426, %dma_wait3A_427] : memref<16x32xi32, #tpu.memory_space<vmem>> -> memref<1x32xi32, #tpu.memory_space<vmem>>
    %dma_wait3A_429 = tpu.memref_squeeze %dma_wait3A_428 : memref<1x32xi32, #tpu.memory_space<vmem>> -> memref<32xi32, #tpu.memory_space<vmem>>
    %dma_wait3A_430 = arith.constant 0 : i32
    %dma_wait3A_431 = arith.constant 0 : i32
    %dma_wait3A_432 = tpu.memref_slice %arg3[%dma_wait3A_430, %dma_wait3A_431] : memref<4098x768xf32, #tpu.memory_space<hbm>> -> memref<4098x768xf32, #tpu.memory_space<hbm>>
    tpu.wait_indirect_dma semaphore(%arg14 : memref<!tpu.dma_semaphore, #tpu.memory_space<semaphore_mem>>) src(%dma_wait3A_432 : memref<4098x768xf32, #tpu.memory_space<hbm>>) dst(%arg10 : memref<32x768xf32, #tpu.memory_space<vmem>>)
    %add3A_433 = arith.constant 96 : i32
    %add3A_434 = arith.addi %mul3A_50, %add3A_433 : i32
    %dma_start3A_435 = arith.constant 0 : i32
    %dma_start3A_436 = tpu.memref_slice %arg4[%add3A_434, %dma_start3A_435] : memref<16384x768xf32, #tpu.memory_space<hbm>> -> memref<32x768xf32, #tpu.memory_space<hbm>>
    %dma_start3A_437 = arith.constant 0 : i32
    %dma_start3A_438 = tpu.memref_slice %arg4[%add3A_434, %dma_start3A_437] : memref<16384x768xf32, #tpu.memory_space<hbm>> -> memref<32x768xf32, #tpu.memory_space<hbm>>
    tpu.enqueue_dma source(%arg10 : memref<32x768xf32, #tpu.memory_space<vmem>>) target(%dma_start3A_438 : memref<32x768xf32, #tpu.memory_space<hbm>>) target_semaphore(%arg18 : memref<!tpu.dma_semaphore, #tpu.memory_space<semaphore_mem>>)
    %add3A_439 = arith.constant 160 : i32
    %add3A_440 = arith.addi %mul3A_52, %add3A_439 : i32
    %get3A_441 = arith.index_cast %add3A_440 : i32 to index
    %get3A_442 = tpu.vector_load %arg5[%get3A_441] {strides = array<i32>} : memref<4096xi32, #tpu.memory_space<vmem>>, vector<16xi32>,
    %eq3A_443 = arith.constant 1 : i32
    %eq3A_444 = vector.broadcast %eq3A_443 : i32 to vector<16xi32>
    %eq3A_445 = arith.cmpi eq, %get3A_442, %eq3A_444 : vector<16xi32>
    %jit3A_446 = arith.constant 0 : i32
    %jit3A_447 = arith.constant 1 : i32
    %broadcast_in_dim3A_448 = vector.broadcast %jit3A_446 : i32 to vector<16xi32>
    %broadcast_in_dim3A_449 = vector.broadcast %jit3A_447 : i32 to vector<16xi32>
    %select_n3A_450 = arith.select %eq3A_445, %broadcast_in_dim3A_448, %broadcast_in_dim3A_449 : vector<16xi1>, vector<16xi32>
    %broadcast_in_dim3A_451 = arith.constant true
    %broadcast_in_dim3A_452 = vector.broadcast %broadcast_in_dim3A_451 : i1 to vector<16xi1>
    %masked_cumsum3A_453 = tpu.scan <sum>, %select_n3A_450 masked %broadcast_in_dim3A_452 : vector<16xi32>, vector<16xi1> -> vector<16xi32>
    %add3A_454 = vector.broadcast %add3A_414 : i32 to vector<16xi32>
    %add3A_455 = arith.addi %add3A_454, %masked_cumsum3A_453 : vector<16xi32>
    %mul3A_456 = arith.muli %add3A_455, %select_n3A_450 : vector<16xi32>
    %add3A_457 = arith.constant 1 : i32
    %add3A_458 = vector.broadcast %add3A_457 : i32 to vector<16xi32>
    %add3A_459 = arith.addi %mul3A_456, %add3A_458 : vector<16xi32>
    %swap3A_460 = arith.constant 5 : i32
    %swap3A_461 = arith.index_cast %swap3A_460 : i32 to index
    %swap3A_462 = arith.constant 0 : index
    %swap3A_463 = tpu.vector_load %arg6[%swap3A_461, %swap3A_462] {strides = array<i32>} : memref<16x32xi32, #tpu.memory_space<vmem>>, vector<16xi32>,
    tpu.vector_store %arg6[%swap3A_461, %swap3A_462], %add3A_459 {strides = array<i32>} : memref<16x32xi32, #tpu.memory_space<vmem>>, vector<16xi32>,
    %reduce_sum3A_464 = arith.constant true
    %reduce_sum3A_465 = vector.broadcast %reduce_sum3A_464 : i1 to vector<16xi1>
    %reduce_sum3A_466 = tpu.scan <sum>, %select_n3A_450 masked %reduce_sum3A_465 : vector<16xi32>, vector<16xi1> -> vector<16xi32>
    %reduce_sum3A_467 = vector.extract %reduce_sum3A_466[15] : i32 from vector<16xi32>
    %add3A_468 = arith.addi %add3A_414, %reduce_sum3A_467 : i32
    %add3A_469 = arith.constant 176 : i32
    %add3A_470 = arith.addi %mul3A_52, %add3A_469 : i32
    %get3A_471 = arith.index_cast %add3A_470 : i32 to index
    %get3A_472 = tpu.vector_load %arg5[%get3A_471] {strides = array<i32>} : memref<4096xi32, #tpu.memory_space<vmem>>, vector<16xi32>,
    %eq3A_473 = arith.constant 1 : i32
    %eq3A_474 = vector.broadcast %eq3A_473 : i32 to vector<16xi32>
    %eq3A_475 = arith.cmpi eq, %get3A_472, %eq3A_474 : vector<16xi32>
    %jit3A_476 = arith.constant 0 : i32
    %jit3A_477 = arith.constant 1 : i32
    %broadcast_in_dim3A_478 = vector.broadcast %jit3A_476 : i32 to vector<16xi32>
    %broadcast_in_dim3A_479 = vector.broadcast %jit3A_477 : i32 to vector<16xi32>
    %select_n3A_480 = arith.select %eq3A_475, %broadcast_in_dim3A_478, %broadcast_in_dim3A_479 : vector<16xi1>, vector<16xi32>
    %broadcast_in_dim3A_481 = arith.constant true
    %broadcast_in_dim3A_482 = vector.broadcast %broadcast_in_dim3A_481 : i1 to vector<16xi1>
    %masked_cumsum3A_483 = tpu.scan <sum>, %select_n3A_480 masked %broadcast_in_dim3A_482 : vector<16xi32>, vector<16xi1> -> vector<16xi32>
    %add3A_484 = vector.broadcast %add3A_468 : i32 to vector<16xi32>
    %add3A_485 = arith.addi %add3A_484, %masked_cumsum3A_483 : vector<16xi32>
    %mul3A_486 = arith.muli %add3A_485, %select_n3A_480 : vector<16xi32>
    %add3A_487 = arith.constant 1 : i32
    %add3A_488 = vector.broadcast %add3A_487 : i32 to vector<16xi32>
    %add3A_489 = arith.addi %mul3A_486, %add3A_488 : vector<16xi32>
    %swap3A_490 = arith.constant 5 : i32
    %swap3A_491 = arith.index_cast %swap3A_490 : i32 to index
    %swap3A_492 = arith.constant 16 : index
    %swap3A_493 = tpu.vector_load %arg6[%swap3A_491, %swap3A_492] {strides = array<i32>} : memref<16x32xi32, #tpu.memory_space<vmem>>, vector<16xi32>,
    tpu.vector_store %arg6[%swap3A_491, %swap3A_492], %add3A_489 {strides = array<i32>} : memref<16x32xi32, #tpu.memory_space<vmem>>, vector<16xi32>,
    %reduce_sum3A_494 = arith.constant true
    %reduce_sum3A_495 = vector.broadcast %reduce_sum3A_494 : i1 to vector<16xi1>
    %reduce_sum3A_496 = tpu.scan <sum>, %select_n3A_480 masked %reduce_sum3A_495 : vector<16xi32>, vector<16xi1> -> vector<16xi32>
    %reduce_sum3A_497 = vector.extract %reduce_sum3A_496[15] : i32 from vector<16xi32>
    %add3A_498 = arith.addi %add3A_468, %reduce_sum3A_497 : i32
    %dma_wait3A_499 = arith.constant 0 : i32
    %dma_wait3A_500 = tpu.memref_slice %arg4[%add3A_270, %dma_wait3A_499] : memref<16384x768xf32, #tpu.memory_space<hbm>> -> memref<32x768xf32, #tpu.memory_space<hbm>>
    %dma_wait3A_501 = arith.constant 0 : i32
    %dma_wait3A_502 = tpu.memref_slice %arg4[%add3A_270, %dma_wait3A_501] : memref<16384x768xf32, #tpu.memory_space<hbm>> -> memref<32x768xf32, #tpu.memory_space<hbm>>
    tpu.wait_dma2 semaphore(%arg16 : memref<!tpu.dma_semaphore, #tpu.memory_space<semaphore_mem>>) src(%arg8 : memref<32x768xf32, #tpu.memory_space<vmem>>) dst(%dma_wait3A_502 : memref<32x768xf32, #tpu.memory_space<hbm>>)
    %dma_start3A_503 = arith.constant 5 : i32
    %dma_start3A_504 = arith.constant 0 : i32
    %dma_start3A_505 = tpu.memref_slice %arg6[%dma_start3A_503, %dma_start3A_504] : memref<16x32xi32, #tpu.memory_space<vmem>> -> memref<1x32xi32, #tpu.memory_space<vmem>>
    %dma_start3A_506 = tpu.memref_squeeze %dma_start3A_505 : memref<1x32xi32, #tpu.memory_space<vmem>> -> memref<32xi32, #tpu.memory_space<vmem>>
    %dma_start3A_507 = arith.constant 0 : i32
    %dma_start3A_508 = arith.constant 0 : i32
    %dma_start3A_509 = tpu.memref_slice %arg3[%dma_start3A_507, %dma_start3A_508] : memref<4098x768xf32, #tpu.memory_space<hbm>> -> memref<4098x768xf32, #tpu.memory_space<hbm>>
    tpu.enqueue_indirect_dma source(%dma_start3A_509 : memref<4098x768xf32, #tpu.memory_space<hbm>>) target(%arg8 : memref<32x768xf32, #tpu.memory_space<vmem>>) offsets(%dma_start3A_506 : memref<32xi32, #tpu.memory_space<vmem>>) semaphore(%arg12 : memref<!tpu.dma_semaphore, #tpu.memory_space<semaphore_mem>>)
    %dma_wait3A_510 = arith.constant 4 : i32
    %dma_wait3A_511 = arith.constant 0 : i32
    %dma_wait3A_512 = tpu.memref_slice %arg6[%dma_wait3A_510, %dma_wait3A_511] : memref<16x32xi32, #tpu.memory_space<vmem>> -> memref<1x32xi32, #tpu.memory_space<vmem>>
    %dma_wait3A_513 = tpu.memref_squeeze %dma_wait3A_512 : memref<1x32xi32, #tpu.memory_space<vmem>> -> memref<32xi32, #tpu.memory_space<vmem>>
    %dma_wait3A_514 = arith.constant 0 : i32
    %dma_wait3A_515 = arith.constant 0 : i32
    %dma_wait3A_516 = tpu.memref_slice %arg3[%dma_wait3A_514, %dma_wait3A_515] : memref<4098x768xf32, #tpu.memory_space<hbm>> -> memref<4098x768xf32, #tpu.memory_space<hbm>>
    tpu.wait_indirect_dma semaphore(%arg11 : memref<!tpu.dma_semaphore, #tpu.memory_space<semaphore_mem>>) src(%dma_wait3A_516 : memref<4098x768xf32, #tpu.memory_space<hbm>>) dst(%arg7 : memref<32x768xf32, #tpu.memory_space<vmem>>)
    %add3A_517 = arith.constant 128 : i32
    %add3A_518 = arith.addi %mul3A_50, %add3A_517 : i32
    %dma_start3A_519 = arith.constant 0 : i32
    %dma_start3A_520 = tpu.memref_slice %arg4[%add3A_518, %dma_start3A_519] : memref<16384x768xf32, #tpu.memory_space<hbm>> -> memref<32x768xf32, #tpu.memory_space<hbm>>
    %dma_start3A_521 = arith.constant 0 : i32
    %dma_start3A_522 = tpu.memref_slice %arg4[%add3A_518, %dma_start3A_521] : memref<16384x768xf32, #tpu.memory_space<hbm>> -> memref<32x768xf32, #tpu.memory_space<hbm>>
    tpu.enqueue_dma source(%arg7 : memref<32x768xf32, #tpu.memory_space<vmem>>) target(%dma_start3A_522 : memref<32x768xf32, #tpu.memory_space<hbm>>) target_semaphore(%arg15 : memref<!tpu.dma_semaphore, #tpu.memory_space<semaphore_mem>>)
    %add3A_523 = arith.constant 192 : i32
    %add3A_524 = arith.addi %mul3A_52, %add3A_523 : i32
    %get3A_525 = arith.index_cast %add3A_524 : i32 to index
    %get3A_526 = tpu.vector_load %arg5[%get3A_525] {strides = array<i32>} : memref<4096xi32, #tpu.memory_space<vmem>>, vector<16xi32>,
    %eq3A_527 = arith.constant 1 : i32
    %eq3A_528 = vector.broadcast %eq3A_527 : i32 to vector<16xi32>
    %eq3A_529 = arith.cmpi eq, %get3A_526, %eq3A_528 : vector<16xi32>
    %jit3A_530 = arith.constant 0 : i32
    %jit3A_531 = arith.constant 1 : i32
    %broadcast_in_dim3A_532 = vector.broadcast %jit3A_530 : i32 to vector<16xi32>
    %broadcast_in_dim3A_533 = vector.broadcast %jit3A_531 : i32 to vector<16xi32>
    %select_n3A_534 = arith.select %eq3A_529, %broadcast_in_dim3A_532, %broadcast_in_dim3A_533 : vector<16xi1>, vector<16xi32>
    %broadcast_in_dim3A_535 = arith.constant true
    %broadcast_in_dim3A_536 = vector.broadcast %broadcast_in_dim3A_535 : i1 to vector<16xi1>
    %masked_cumsum3A_537 = tpu.scan <sum>, %select_n3A_534 masked %broadcast_in_dim3A_536 : vector<16xi32>, vector<16xi1> -> vector<16xi32>
    %add3A_538 = vector.broadcast %add3A_498 : i32 to vector<16xi32>
    %add3A_539 = arith.addi %add3A_538, %masked_cumsum3A_537 : vector<16xi32>
    %mul3A_540 = arith.muli %add3A_539, %select_n3A_534 : vector<16xi32>
    %add3A_541 = arith.constant 1 : i32
    %add3A_542 = vector.broadcast %add3A_541 : i32 to vector<16xi32>
    %add3A_543 = arith.addi %mul3A_540, %add3A_542 : vector<16xi32>
    %swap3A_544 = arith.constant 6 : i32
    %swap3A_545 = arith.index_cast %swap3A_544 : i32 to index
    %swap3A_546 = arith.constant 0 : index
    %swap3A_547 = tpu.vector_load %arg6[%swap3A_545, %swap3A_546] {strides = array<i32>} : memref<16x32xi32, #tpu.memory_space<vmem>>, vector<16xi32>,
    tpu.vector_store %arg6[%swap3A_545, %swap3A_546], %add3A_543 {strides = array<i32>} : memref<16x32xi32, #tpu.memory_space<vmem>>, vector<16xi32>,
    %reduce_sum3A_548 = arith.constant true
    %reduce_sum3A_549 = vector.broadcast %reduce_sum3A_548 : i1 to vector<16xi1>
    %reduce_sum3A_550 = tpu.scan <sum>, %select_n3A_534 masked %reduce_sum3A_549 : vector<16xi32>, vector<16xi1> -> vector<16xi32>
    %reduce_sum3A_551 = vector.extract %reduce_sum3A_550[15] : i32 from vector<16xi32>
    %add3A_552 = arith.addi %add3A_498, %reduce_sum3A_551 : i32
    %add3A_553 = arith.constant 208 : i32
    %add3A_554 = arith.addi %mul3A_52, %add3A_553 : i32
    %get3A_555 = arith.index_cast %add3A_554 : i32 to index
    %get3A_556 = tpu.vector_load %arg5[%get3A_555] {strides = array<i32>} : memref<4096xi32, #tpu.memory_space<vmem>>, vector<16xi32>,
    %eq3A_557 = arith.constant 1 : i32
    %eq3A_558 = vector.broadcast %eq3A_557 : i32 to vector<16xi32>
    %eq3A_559 = arith.cmpi eq, %get3A_556, %eq3A_558 : vector<16xi32>
    %jit3A_560 = arith.constant 0 : i32
    %jit3A_561 = arith.constant 1 : i32
    %broadcast_in_dim3A_562 = vector.broadcast %jit3A_560 : i32 to vector<16xi32>
    %broadcast_in_dim3A_563 = vector.broadcast %jit3A_561 : i32 to vector<16xi32>
    %select_n3A_564 = arith.select %eq3A_559, %broadcast_in_dim3A_562, %broadcast_in_dim3A_563 : vector<16xi1>, vector<16xi32>
    %broadcast_in_dim3A_565 = arith.constant true
    %broadcast_in_dim3A_566 = vector.broadcast %broadcast_in_dim3A_565 : i1 to vector<16xi1>
    %masked_cumsum3A_567 = tpu.scan <sum>, %select_n3A_564 masked %broadcast_in_dim3A_566 : vector<16xi32>, vector<16xi1> -> vector<16xi32>
    %add3A_568 = vector.broadcast %add3A_552 : i32 to vector<16xi32>
    %add3A_569 = arith.addi %add3A_568, %masked_cumsum3A_567 : vector<16xi32>
    %mul3A_570 = arith.muli %add3A_569, %select_n3A_564 : vector<16xi32>
    %add3A_571 = arith.constant 1 : i32
    %add3A_572 = vector.broadcast %add3A_571 : i32 to vector<16xi32>
    %add3A_573 = arith.addi %mul3A_570, %add3A_572 : vector<16xi32>
    %swap3A_574 = arith.constant 6 : i32
    %swap3A_575 = arith.index_cast %swap3A_574 : i32 to index
    %swap3A_576 = arith.constant 16 : index
    %swap3A_577 = tpu.vector_load %arg6[%swap3A_575, %swap3A_576] {strides = array<i32>} : memref<16x32xi32, #tpu.memory_space<vmem>>, vector<16xi32>,
    tpu.vector_store %arg6[%swap3A_575, %swap3A_576], %add3A_573 {strides = array<i32>} : memref<16x32xi32, #tpu.memory_space<vmem>>, vector<16xi32>,
    %reduce_sum3A_578 = arith.constant true
    %reduce_sum3A_579 = vector.broadcast %reduce_sum3A_578 : i1 to vector<16xi1>
    %reduce_sum3A_580 = tpu.scan <sum>, %select_n3A_564 masked %reduce_sum3A_579 : vector<16xi32>, vector<16xi1> -> vector<16xi32>
    %reduce_sum3A_581 = vector.extract %reduce_sum3A_580[15] : i32 from vector<16xi32>
    %add3A_582 = arith.addi %add3A_552, %reduce_sum3A_581 : i32
    %dma_wait3A_583 = arith.constant 0 : i32
    %dma_wait3A_584 = tpu.memref_slice %arg4[%add3A_350, %dma_wait3A_583] : memref<16384x768xf32, #tpu.memory_space<hbm>> -> memref<32x768xf32, #tpu.memory_space<hbm>>
    %dma_wait3A_585 = arith.constant 0 : i32
    %dma_wait3A_586 = tpu.memref_slice %arg4[%add3A_350, %dma_wait3A_585] : memref<16384x768xf32, #tpu.memory_space<hbm>> -> memref<32x768xf32, #tpu.memory_space<hbm>>
    tpu.wait_dma2 semaphore(%arg17 : memref<!tpu.dma_semaphore, #tpu.memory_space<semaphore_mem>>) src(%arg9 : memref<32x768xf32, #tpu.memory_space<vmem>>) dst(%dma_wait3A_586 : memref<32x768xf32, #tpu.memory_space<hbm>>)
    %dma_start3A_587 = arith.constant 6 : i32
    %dma_start3A_588 = arith.constant 0 : i32
    %dma_start3A_589 = tpu.memref_slice %arg6[%dma_start3A_587, %dma_start3A_588] : memref<16x32xi32, #tpu.memory_space<vmem>> -> memref<1x32xi32, #tpu.memory_space<vmem>>
    %dma_start3A_590 = tpu.memref_squeeze %dma_start3A_589 : memref<1x32xi32, #tpu.memory_space<vmem>> -> memref<32xi32, #tpu.memory_space<vmem>>
    %dma_start3A_591 = arith.constant 0 : i32
    %dma_start3A_592 = arith.constant 0 : i32
    %dma_start3A_593 = tpu.memref_slice %arg3[%dma_start3A_591, %dma_start3A_592] : memref<4098x768xf32, #tpu.memory_space<hbm>> -> memref<4098x768xf32, #tpu.memory_space<hbm>>
    tpu.enqueue_indirect_dma source(%dma_start3A_593 : memref<4098x768xf32, #tpu.memory_space<hbm>>) target(%arg9 : memref<32x768xf32, #tpu.memory_space<vmem>>) offsets(%dma_start3A_590 : memref<32xi32, #tpu.memory_space<vmem>>) semaphore(%arg13 : memref<!tpu.dma_semaphore, #tpu.memory_space<semaphore_mem>>)
    %dma_wait3A_594 = arith.constant 5 : i32
    %dma_wait3A_595 = arith.constant 0 : i32
    %dma_wait3A_596 = tpu.memref_slice %arg6[%dma_wait3A_594, %dma_wait3A_595] : memref<16x32xi32, #tpu.memory_space<vmem>> -> memref<1x32xi32, #tpu.memory_space<vmem>>
    %dma_wait3A_597 = tpu.memref_squeeze %dma_wait3A_596 : memref<1x32xi32, #tpu.memory_space<vmem>> -> memref<32xi32, #tpu.memory_space<vmem>>
    %dma_wait3A_598 = arith.constant 0 : i32
    %dma_wait3A_599 = arith.constant 0 : i32
    %dma_wait3A_600 = tpu.memref_slice %arg3[%dma_wait3A_598, %dma_wait3A_599] : memref<4098x768xf32, #tpu.memory_space<hbm>> -> memref<4098x768xf32, #tpu.memory_space<hbm>>
    tpu.wait_indirect_dma semaphore(%arg12 : memref<!tpu.dma_semaphore, #tpu.memory_space<semaphore_mem>>) src(%dma_wait3A_600 : memref<4098x768xf32, #tpu.memory_space<hbm>>) dst(%arg8 : memref<32x768xf32, #tpu.memory_space<vmem>>)
    %add3A_601 = arith.constant 160 : i32
    %add3A_602 = arith.addi %mul3A_50, %add3A_601 : i32
    %dma_start3A_603 = arith.constant 0 : i32
    %dma_start3A_604 = tpu.memref_slice %arg4[%add3A_602, %dma_start3A_603] : memref<16384x768xf32, #tpu.memory_space<hbm>> -> memref<32x768xf32, #tpu.memory_space<hbm>>
    %dma_start3A_605 = arith.constant 0 : i32
    %dma_start3A_606 = tpu.memref_slice %arg4[%add3A_602, %dma_start3A_605] : memref<16384x768xf32, #tpu.memory_space<hbm>> -> memref<32x768xf32, #tpu.memory_space<hbm>>
    tpu.enqueue_dma source(%arg8 : memref<32x768xf32, #tpu.memory_space<vmem>>) target(%dma_start3A_606 : memref<32x768xf32, #tpu.memory_space<hbm>>) target_semaphore(%arg16 : memref<!tpu.dma_semaphore, #tpu.memory_space<semaphore_mem>>)
    %add3A_607 = arith.constant 224 : i32
    %add3A_608 = arith.addi %mul3A_52, %add3A_607 : i32
    %get3A_609 = arith.index_cast %add3A_608 : i32 to index
    %get3A_610 = tpu.vector_load %arg5[%get3A_609] {strides = array<i32>} : memref<4096xi32, #tpu.memory_space<vmem>>, vector<16xi32>,
    %eq3A_611 = arith.constant 1 : i32
    %eq3A_612 = vector.broadcast %eq3A_611 : i32 to vector<16xi32>
    %eq3A_613 = arith.cmpi eq, %get3A_610, %eq3A_612 : vector<16xi32>
    %jit3A_614 = arith.constant 0 : i32
    %jit3A_615 = arith.constant 1 : i32
    %broadcast_in_dim3A_616 = vector.broadcast %jit3A_614 : i32 to vector<16xi32>
    %broadcast_in_dim3A_617 = vector.broadcast %jit3A_615 : i32 to vector<16xi32>
    %select_n3A_618 = arith.select %eq3A_613, %broadcast_in_dim3A_616, %broadcast_in_dim3A_617 : vector<16xi1>, vector<16xi32>
    %broadcast_in_dim3A_619 = arith.constant true
    %broadcast_in_dim3A_620 = vector.broadcast %broadcast_in_dim3A_619 : i1 to vector<16xi1>
    %masked_cumsum3A_621 = tpu.scan <sum>, %select_n3A_618 masked %broadcast_in_dim3A_620 : vector<16xi32>, vector<16xi1> -> vector<16xi32>
    %add3A_622 = vector.broadcast %add3A_582 : i32 to vector<16xi32>
    %add3A_623 = arith.addi %add3A_622, %masked_cumsum3A_621 : vector<16xi32>
    %mul3A_624 = arith.muli %add3A_623, %select_n3A_618 : vector<16xi32>
    %add3A_625 = arith.constant 1 : i32
    %add3A_626 = vector.broadcast %add3A_625 : i32 to vector<16xi32>
    %add3A_627 = arith.addi %mul3A_624, %add3A_626 : vector<16xi32>
    %swap3A_628 = arith.constant 7 : i32
    %swap3A_629 = arith.index_cast %swap3A_628 : i32 to index
    %swap3A_630 = arith.constant 0 : index
    %swap3A_631 = tpu.vector_load %arg6[%swap3A_629, %swap3A_630] {strides = array<i32>} : memref<16x32xi32, #tpu.memory_space<vmem>>, vector<16xi32>,
    tpu.vector_store %arg6[%swap3A_629, %swap3A_630], %add3A_627 {strides = array<i32>} : memref<16x32xi32, #tpu.memory_space<vmem>>, vector<16xi32>,
    %reduce_sum3A_632 = arith.constant true
    %reduce_sum3A_633 = vector.broadcast %reduce_sum3A_632 : i1 to vector<16xi1>
    %reduce_sum3A_634 = tpu.scan <sum>, %select_n3A_618 masked %reduce_sum3A_633 : vector<16xi32>, vector<16xi1> -> vector<16xi32>
    %reduce_sum3A_635 = vector.extract %reduce_sum3A_634[15] : i32 from vector<16xi32>
    %add3A_636 = arith.addi %add3A_582, %reduce_sum3A_635 : i32
    %add3A_637 = arith.constant 240 : i32
    %add3A_638 = arith.addi %mul3A_52, %add3A_637 : i32
    %get3A_639 = arith.index_cast %add3A_638 : i32 to index
    %get3A_640 = tpu.vector_load %arg5[%get3A_639] {strides = array<i32>} : memref<4096xi32, #tpu.memory_space<vmem>>, vector<16xi32>,
    %eq3A_641 = arith.constant 1 : i32
    %eq3A_642 = vector.broadcast %eq3A_641 : i32 to vector<16xi32>
    %eq3A_643 = arith.cmpi eq, %get3A_640, %eq3A_642 : vector<16xi32>
    %jit3A_644 = arith.constant 0 : i32
    %jit3A_645 = arith.constant 1 : i32
    %broadcast_in_dim3A_646 = vector.broadcast %jit3A_644 : i32 to vector<16xi32>
    %broadcast_in_dim3A_647 = vector.broadcast %jit3A_645 : i32 to vector<16xi32>
    %select_n3A_648 = arith.select %eq3A_643, %broadcast_in_dim3A_646, %broadcast_in_dim3A_647 : vector<16xi1>, vector<16xi32>
    %broadcast_in_dim3A_649 = arith.constant true
    %broadcast_in_dim3A_650 = vector.broadcast %broadcast_in_dim3A_649 : i1 to vector<16xi1>
    %masked_cumsum3A_651 = tpu.scan <sum>, %select_n3A_648 masked %broadcast_in_dim3A_650 : vector<16xi32>, vector<16xi1> -> vector<16xi32>
    %add3A_652 = vector.broadcast %add3A_636 : i32 to vector<16xi32>
    %add3A_653 = arith.addi %add3A_652, %masked_cumsum3A_651 : vector<16xi32>
    %mul3A_654 = arith.muli %add3A_653, %select_n3A_648 : vector<16xi32>
    %add3A_655 = arith.constant 1 : i32
    %add3A_656 = vector.broadcast %add3A_655 : i32 to vector<16xi32>
    %add3A_657 = arith.addi %mul3A_654, %add3A_656 : vector<16xi32>
    %swap3A_658 = arith.constant 7 : i32
    %swap3A_659 = arith.index_cast %swap3A_658 : i32 to index
    %swap3A_660 = arith.constant 16 : index
    %swap3A_661 = tpu.vector_load %arg6[%swap3A_659, %swap3A_660] {strides = array<i32>} : memref<16x32xi32, #tpu.memory_space<vmem>>, vector<16xi32>,
    tpu.vector_store %arg6[%swap3A_659, %swap3A_660], %add3A_657 {strides = array<i32>} : memref<16x32xi32, #tpu.memory_space<vmem>>, vector<16xi32>,
    %reduce_sum3A_662 = arith.constant true
    %reduce_sum3A_663 = vector.broadcast %reduce_sum3A_662 : i1 to vector<16xi1>
    %reduce_sum3A_664 = tpu.scan <sum>, %select_n3A_648 masked %reduce_sum3A_663 : vector<16xi32>, vector<16xi1> -> vector<16xi32>
    %reduce_sum3A_665 = vector.extract %reduce_sum3A_664[15] : i32 from vector<16xi32>
    %add3A_666 = arith.addi %add3A_636, %reduce_sum3A_665 : i32
    %dma_wait3A_667 = arith.constant 0 : i32
    %dma_wait3A_668 = tpu.memref_slice %arg4[%add3A_434, %dma_wait3A_667] : memref<16384x768xf32, #tpu.memory_space<hbm>> -> memref<32x768xf32, #tpu.memory_space<hbm>>
    %dma_wait3A_669 = arith.constant 0 : i32
    %dma_wait3A_670 = tpu.memref_slice %arg4[%add3A_434, %dma_wait3A_669] : memref<16384x768xf32, #tpu.memory_space<hbm>> -> memref<32x768xf32, #tpu.memory_space<hbm>>
    tpu.wait_dma2 semaphore(%arg18 : memref<!tpu.dma_semaphore, #tpu.memory_space<semaphore_mem>>) src(%arg10 : memref<32x768xf32, #tpu.memory_space<vmem>>) dst(%dma_wait3A_670 : memref<32x768xf32, #tpu.memory_space<hbm>>)
    %dma_start3A_671 = arith.constant 7 : i32
    %dma_start3A_672 = arith.constant 0 : i32
    %dma_start3A_673 = tpu.memref_slice %arg6[%dma_start3A_671, %dma_start3A_672] : memref<16x32xi32, #tpu.memory_space<vmem>> -> memref<1x32xi32, #tpu.memory_space<vmem>>
    %dma_start3A_674 = tpu.memref_squeeze %dma_start3A_673 : memref<1x32xi32, #tpu.memory_space<vmem>> -> memref<32xi32, #tpu.memory_space<vmem>>
    %dma_start3A_675 = arith.constant 0 : i32
    %dma_start3A_676 = arith.constant 0 : i32
    %dma_start3A_677 = tpu.memref_slice %arg3[%dma_start3A_675, %dma_start3A_676] : memref<4098x768xf32, #tpu.memory_space<hbm>> -> memref<4098x768xf32, #tpu.memory_space<hbm>>
    tpu.enqueue_indirect_dma source(%dma_start3A_677 : memref<4098x768xf32, #tpu.memory_space<hbm>>) target(%arg10 : memref<32x768xf32, #tpu.memory_space<vmem>>) offsets(%dma_start3A_674 : memref<32xi32, #tpu.memory_space<vmem>>) semaphore(%arg14 : memref<!tpu.dma_semaphore, #tpu.memory_space<semaphore_mem>>)
    %dma_wait3A_678 = arith.constant 6 : i32
    %dma_wait3A_679 = arith.constant 0 : i32
    %dma_wait3A_680 = tpu.memref_slice %arg6[%dma_wait3A_678, %dma_wait3A_679] : memref<16x32xi32, #tpu.memory_space<vmem>> -> memref<1x32xi32, #tpu.memory_space<vmem>>
    %dma_wait3A_681 = tpu.memref_squeeze %dma_wait3A_680 : memref<1x32xi32, #tpu.memory_space<vmem>> -> memref<32xi32, #tpu.memory_space<vmem>>
    %dma_wait3A_682 = arith.constant 0 : i32
    %dma_wait3A_683 = arith.constant 0 : i32
    %dma_wait3A_684 = tpu.memref_slice %arg3[%dma_wait3A_682, %dma_wait3A_683] : memref<4098x768xf32, #tpu.memory_space<hbm>> -> memref<4098x768xf32, #tpu.memory_space<hbm>>
    tpu.wait_indirect_dma semaphore(%arg13 : memref<!tpu.dma_semaphore, #tpu.memory_space<semaphore_mem>>) src(%dma_wait3A_684 : memref<4098x768xf32, #tpu.memory_space<hbm>>) dst(%arg9 : memref<32x768xf32, #tpu.memory_space<vmem>>)
    %add3A_685 = arith.constant 192 : i32
    %add3A_686 = arith.addi %mul3A_50, %add3A_685 : i32
    %dma_start3A_687 = arith.constant 0 : i32
    %dma_start3A_688 = tpu.memref_slice %arg4[%add3A_686, %dma_start3A_687] : memref<16384x768xf32, #tpu.memory_space<hbm>> -> memref<32x768xf32, #tpu.memory_space<hbm>>
    %dma_start3A_689 = arith.constant 0 : i32
    %dma_start3A_690 = tpu.memref_slice %arg4[%add3A_686, %dma_start3A_689] : memref<16384x768xf32, #tpu.memory_space<hbm>> -> memref<32x768xf32, #tpu.memory_space<hbm>>
    tpu.enqueue_dma source(%arg9 : memref<32x768xf32, #tpu.memory_space<vmem>>) target(%dma_start3A_690 : memref<32x768xf32, #tpu.memory_space<hbm>>) target_semaphore(%arg17 : memref<!tpu.dma_semaphore, #tpu.memory_space<semaphore_mem>>)
    %add3A_691 = arith.constant 256 : i32
    %add3A_692 = arith.addi %mul3A_52, %add3A_691 : i32
    %get3A_693 = arith.index_cast %add3A_692 : i32 to index
    %get3A_694 = tpu.vector_load %arg5[%get3A_693] {strides = array<i32>} : memref<4096xi32, #tpu.memory_space<vmem>>, vector<16xi32>,
    %eq3A_695 = arith.constant 1 : i32
    %eq3A_696 = vector.broadcast %eq3A_695 : i32 to vector<16xi32>
    %eq3A_697 = arith.cmpi eq, %get3A_694, %eq3A_696 : vector<16xi32>
    %jit3A_698 = arith.constant 0 : i32
    %jit3A_699 = arith.constant 1 : i32
    %broadcast_in_dim3A_700 = vector.broadcast %jit3A_698 : i32 to vector<16xi32>
    %broadcast_in_dim3A_701 = vector.broadcast %jit3A_699 : i32 to vector<16xi32>
    %select_n3A_702 = arith.select %eq3A_697, %broadcast_in_dim3A_700, %broadcast_in_dim3A_701 : vector<16xi1>, vector<16xi32>
    %broadcast_in_dim3A_703 = arith.constant true
    %broadcast_in_dim3A_704 = vector.broadcast %broadcast_in_dim3A_703 : i1 to vector<16xi1>
    %masked_cumsum3A_705 = tpu.scan <sum>, %select_n3A_702 masked %broadcast_in_dim3A_704 : vector<16xi32>, vector<16xi1> -> vector<16xi32>
    %add3A_706 = vector.broadcast %add3A_666 : i32 to vector<16xi32>
    %add3A_707 = arith.addi %add3A_706, %masked_cumsum3A_705 : vector<16xi32>
    %mul3A_708 = arith.muli %add3A_707, %select_n3A_702 : vector<16xi32>
    %add3A_709 = arith.constant 1 : i32
    %add3A_710 = vector.broadcast %add3A_709 : i32 to vector<16xi32>
    %add3A_711 = arith.addi %mul3A_708, %add3A_710 : vector<16xi32>
    %swap3A_712 = arith.constant 8 : i32
    %swap3A_713 = arith.index_cast %swap3A_712 : i32 to index
    %swap3A_714 = arith.constant 0 : index
    %swap3A_715 = tpu.vector_load %arg6[%swap3A_713, %swap3A_714] {strides = array<i32>} : memref<16x32xi32, #tpu.memory_space<vmem>>, vector<16xi32>,
    tpu.vector_store %arg6[%swap3A_713, %swap3A_714], %add3A_711 {strides = array<i32>} : memref<16x32xi32, #tpu.memory_space<vmem>>, vector<16xi32>,
    %reduce_sum3A_716 = arith.constant true
    %reduce_sum3A_717 = vector.broadcast %reduce_sum3A_716 : i1 to vector<16xi1>
    %reduce_sum3A_718 = tpu.scan <sum>, %select_n3A_702 masked %reduce_sum3A_717 : vector<16xi32>, vector<16xi1> -> vector<16xi32>
    %reduce_sum3A_719 = vector.extract %reduce_sum3A_718[15] : i32 from vector<16xi32>
    %add3A_720 = arith.addi %add3A_666, %reduce_sum3A_719 : i32
    %add3A_721 = arith.constant 272 : i32
    %add3A_722 = arith.addi %mul3A_52, %add3A_721 : i32
    %get3A_723 = arith.index_cast %add3A_722 : i32 to index
    %get3A_724 = tpu.vector_load %arg5[%get3A_723] {strides = array<i32>} : memref<4096xi32, #tpu.memory_space<vmem>>, vector<16xi32>,
    %eq3A_725 = arith.constant 1 : i32
    %eq3A_726 = vector.broadcast %eq3A_725 : i32 to vector<16xi32>
    %eq3A_727 = arith.cmpi eq, %get3A_724, %eq3A_726 : vector<16xi32>
    %jit3A_728 = arith.constant 0 : i32
    %jit3A_729 = arith.constant 1 : i32
    %broadcast_in_dim3A_730 = vector.broadcast %jit3A_728 : i32 to vector<16xi32>
    %broadcast_in_dim3A_731 = vector.broadcast %jit3A_729 : i32 to vector<16xi32>
    %select_n3A_732 = arith.select %eq3A_727, %broadcast_in_dim3A_730, %broadcast_in_dim3A_731 : vector<16xi1>, vector<16xi32>
    %broadcast_in_dim3A_733 = arith.constant true
    %broadcast_in_dim3A_734 = vector.broadcast %broadcast_in_dim3A_733 : i1 to vector<16xi1>
    %masked_cumsum3A_735 = tpu.scan <sum>, %select_n3A_732 masked %broadcast_in_dim3A_734 : vector<16xi32>, vector<16xi1> -> vector<16xi32>
    %add3A_736 = vector.broadcast %add3A_720 : i32 to vector<16xi32>
    %add3A_737 = arith.addi %add3A_736, %masked_cumsum3A_735 : vector<16xi32>
    %mul3A_738 = arith.muli %add3A_737, %select_n3A_732 : vector<16xi32>
    %add3A_739 = arith.constant 1 : i32
    %add3A_740 = vector.broadcast %add3A_739 : i32 to vector<16xi32>
    %add3A_741 = arith.addi %mul3A_738, %add3A_740 : vector<16xi32>
    %swap3A_742 = arith.constant 8 : i32
    %swap3A_743 = arith.index_cast %swap3A_742 : i32 to index
    %swap3A_744 = arith.constant 16 : index
    %swap3A_745 = tpu.vector_load %arg6[%swap3A_743, %swap3A_744] {strides = array<i32>} : memref<16x32xi32, #tpu.memory_space<vmem>>, vector<16xi32>,
    tpu.vector_store %arg6[%swap3A_743, %swap3A_744], %add3A_741 {strides = array<i32>} : memref<16x32xi32, #tpu.memory_space<vmem>>, vector<16xi32>,
    %reduce_sum3A_746 = arith.constant true
    %reduce_sum3A_747 = vector.broadcast %reduce_sum3A_746 : i1 to vector<16xi1>
    %reduce_sum3A_748 = tpu.scan <sum>, %select_n3A_732 masked %reduce_sum3A_747 : vector<16xi32>, vector<16xi1> -> vector<16xi32>
    %reduce_sum3A_749 = vector.extract %reduce_sum3A_748[15] : i32 from vector<16xi32>
    %add3A_750 = arith.addi %add3A_720, %reduce_sum3A_749 : i32
    %dma_wait3A_751 = arith.constant 0 : i32
    %dma_wait3A_752 = tpu.memref_slice %arg4[%add3A_518, %dma_wait3A_751] : memref<16384x768xf32, #tpu.memory_space<hbm>> -> memref<32x768xf32, #tpu.memory_space<hbm>>
    %dma_wait3A_753 = arith.constant 0 : i32
    %dma_wait3A_754 = tpu.memref_slice %arg4[%add3A_518, %dma_wait3A_753] : memref<16384x768xf32, #tpu.memory_space<hbm>> -> memref<32x768xf32, #tpu.memory_space<hbm>>
    tpu.wait_dma2 semaphore(%arg15 : memref<!tpu.dma_semaphore, #tpu.memory_space<semaphore_mem>>) src(%arg7 : memref<32x768xf32, #tpu.memory_space<vmem>>) dst(%dma_wait3A_754 : memref<32x768xf32, #tpu.memory_space<hbm>>)
    %dma_start3A_755 = arith.constant 8 : i32
    %dma_start3A_756 = arith.constant 0 : i32
    %dma_start3A_757 = tpu.memref_slice %arg6[%dma_start3A_755, %dma_start3A_756] : memref<16x32xi32, #tpu.memory_space<vmem>> -> memref<1x32xi32, #tpu.memory_space<vmem>>
    %dma_start3A_758 = tpu.memref_squeeze %dma_start3A_757 : memref<1x32xi32, #tpu.memory_space<vmem>> -> memref<32xi32, #tpu.memory_space<vmem>>
    %dma_start3A_759 = arith.constant 0 : i32
    %dma_start3A_760 = arith.constant 0 : i32
    %dma_start3A_761 = tpu.memref_slice %arg3[%dma_start3A_759, %dma_start3A_760] : memref<4098x768xf32, #tpu.memory_space<hbm>> -> memref<4098x768xf32, #tpu.memory_space<hbm>>
    tpu.enqueue_indirect_dma source(%dma_start3A_761 : memref<4098x768xf32, #tpu.memory_space<hbm>>) target(%arg7 : memref<32x768xf32, #tpu.memory_space<vmem>>) offsets(%dma_start3A_758 : memref<32xi32, #tpu.memory_space<vmem>>) semaphore(%arg11 : memref<!tpu.dma_semaphore, #tpu.memory_space<semaphore_mem>>)
    %dma_wait3A_762 = arith.constant 7 : i32
    %dma_wait3A_763 = arith.constant 0 : i32
    %dma_wait3A_764 = tpu.memref_slice %arg6[%dma_wait3A_762, %dma_wait3A_763] : memref<16x32xi32, #tpu.memory_space<vmem>> -> memref<1x32xi32, #tpu.memory_space<vmem>>
    %dma_wait3A_765 = tpu.memref_squeeze %dma_wait3A_764 : memref<1x32xi32, #tpu.memory_space<vmem>> -> memref<32xi32, #tpu.memory_space<vmem>>
    %dma_wait3A_766 = arith.constant 0 : i32
    %dma_wait3A_767 = arith.constant 0 : i32
    %dma_wait3A_768 = tpu.memref_slice %arg3[%dma_wait3A_766, %dma_wait3A_767] : memref<4098x768xf32, #tpu.memory_space<hbm>> -> memref<4098x768xf32, #tpu.memory_space<hbm>>
    tpu.wait_indirect_dma semaphore(%arg14 : memref<!tpu.dma_semaphore, #tpu.memory_space<semaphore_mem>>) src(%dma_wait3A_768 : memref<4098x768xf32, #tpu.memory_space<hbm>>) dst(%arg10 : memref<32x768xf32, #tpu.memory_space<vmem>>)
    %add3A_769 = arith.constant 224 : i32
    %add3A_770 = arith.addi %mul3A_50, %add3A_769 : i32
    %dma_start3A_771 = arith.constant 0 : i32
    %dma_start3A_772 = tpu.memref_slice %arg4[%add3A_770, %dma_start3A_771] : memref<16384x768xf32, #tpu.memory_space<hbm>> -> memref<32x768xf32, #tpu.memory_space<hbm>>
    %dma_start3A_773 = arith.constant 0 : i32
    %dma_start3A_774 = tpu.memref_slice %arg4[%add3A_770, %dma_start3A_773] : memref<16384x768xf32, #tpu.memory_space<hbm>> -> memref<32x768xf32, #tpu.memory_space<hbm>>
    tpu.enqueue_dma source(%arg10 : memref<32x768xf32, #tpu.memory_space<vmem>>) target(%dma_start3A_774 : memref<32x768xf32, #tpu.memory_space<hbm>>) target_semaphore(%arg18 : memref<!tpu.dma_semaphore, #tpu.memory_space<semaphore_mem>>)
    %add3A_775 = arith.constant 288 : i32
    %add3A_776 = arith.addi %mul3A_52, %add3A_775 : i32
    %get3A_777 = arith.index_cast %add3A_776 : i32 to index
    %get3A_778 = tpu.vector_load %arg5[%get3A_777] {strides = array<i32>} : memref<4096xi32, #tpu.memory_space<vmem>>, vector<16xi32>,
    %eq3A_779 = arith.constant 1 : i32
    %eq3A_780 = vector.broadcast %eq3A_779 : i32 to vector<16xi32>
    %eq3A_781 = arith.cmpi eq, %get3A_778, %eq3A_780 : vector<16xi32>
    %jit3A_782 = arith.constant 0 : i32
    %jit3A_783 = arith.constant 1 : i32
    %broadcast_in_dim3A_784 = vector.broadcast %jit3A_782 : i32 to vector<16xi32>
    %broadcast_in_dim3A_785 = vector.broadcast %jit3A_783 : i32 to vector<16xi32>
    %select_n3A_786 = arith.select %eq3A_781, %broadcast_in_dim3A_784, %broadcast_in_dim3A_785 : vector<16xi1>, vector<16xi32>
    %broadcast_in_dim3A_787 = arith.constant true
    %broadcast_in_dim3A_788 = vector.broadcast %broadcast_in_dim3A_787 : i1 to vector<16xi1>
    %masked_cumsum3A_789 = tpu.scan <sum>, %select_n3A_786 masked %broadcast_in_dim3A_788 : vector<16xi32>, vector<16xi1> -> vector<16xi32>
    %add3A_790 = vector.broadcast %add3A_750 : i32 to vector<16xi32>
    %add3A_791 = arith.addi %add3A_790, %masked_cumsum3A_789 : vector<16xi32>
    %mul3A_792 = arith.muli %add3A_791, %select_n3A_786 : vector<16xi32>
    %add3A_793 = arith.constant 1 : i32
    %add3A_794 = vector.broadcast %add3A_793 : i32 to vector<16xi32>
    %add3A_795 = arith.addi %mul3A_792, %add3A_794 : vector<16xi32>
    %swap3A_796 = arith.constant 9 : i32
    %swap3A_797 = arith.index_cast %swap3A_796 : i32 to index
    %swap3A_798 = arith.constant 0 : index
    %swap3A_799 = tpu.vector_load %arg6[%swap3A_797, %swap3A_798] {strides = array<i32>} : memref<16x32xi32, #tpu.memory_space<vmem>>, vector<16xi32>,
    tpu.vector_store %arg6[%swap3A_797, %swap3A_798], %add3A_795 {strides = array<i32>} : memref<16x32xi32, #tpu.memory_space<vmem>>, vector<16xi32>,
    %reduce_sum3A_800 = arith.constant true
    %reduce_sum3A_801 = vector.broadcast %reduce_sum3A_800 : i1 to vector<16xi1>
    %reduce_sum3A_802 = tpu.scan <sum>, %select_n3A_786 masked %reduce_sum3A_801 : vector<16xi32>, vector<16xi1> -> vector<16xi32>
    %reduce_sum3A_803 = vector.extract %reduce_sum3A_802[15] : i32 from vector<16xi32>
    %add3A_804 = arith.addi %add3A_750, %reduce_sum3A_803 : i32
    %add3A_805 = arith.constant 304 : i32
    %add3A_806 = arith.addi %mul3A_52, %add3A_805 : i32
    %get3A_807 = arith.index_cast %add3A_806 : i32 to index
    %get3A_808 = tpu.vector_load %arg5[%get3A_807] {strides = array<i32>} : memref<4096xi32, #tpu.memory_space<vmem>>, vector<16xi32>,
    %eq3A_809 = arith.constant 1 : i32
    %eq3A_810 = vector.broadcast %eq3A_809 : i32 to vector<16xi32>
    %eq3A_811 = arith.cmpi eq, %get3A_808, %eq3A_810 : vector<16xi32>
    %jit3A_812 = arith.constant 0 : i32
    %jit3A_813 = arith.constant 1 : i32
    %broadcast_in_dim3A_814 = vector.broadcast %jit3A_812 : i32 to vector<16xi32>
    %broadcast_in_dim3A_815 = vector.broadcast %jit3A_813 : i32 to vector<16xi32>
    %select_n3A_816 = arith.select %eq3A_811, %broadcast_in_dim3A_814, %broadcast_in_dim3A_815 : vector<16xi1>, vector<16xi32>
    %broadcast_in_dim3A_817 = arith.constant true
    %broadcast_in_dim3A_818 = vector.broadcast %broadcast_in_dim3A_817 : i1 to vector<16xi1>
    %masked_cumsum3A_819 = tpu.scan <sum>, %select_n3A_816 masked %broadcast_in_dim3A_818 : vector<16xi32>, vector<16xi1> -> vector<16xi32>
    %add3A_820 = vector.broadcast %add3A_804 : i32 to vector<16xi32>
    %add3A_821 = arith.addi %add3A_820, %masked_cumsum3A_819 : vector<16xi32>
    %mul3A_822 = arith.muli %add3A_821, %select_n3A_816 : vector<16xi32>
    %add3A_823 = arith.constant 1 : i32
    %add3A_824 = vector.broadcast %add3A_823 : i32 to vector<16xi32>
    %add3A_825 = arith.addi %mul3A_822, %add3A_824 : vector<16xi32>
    %swap3A_826 = arith.constant 9 : i32
    %swap3A_827 = arith.index_cast %swap3A_826 : i32 to index
    %swap3A_828 = arith.constant 16 : index
    %swap3A_829 = tpu.vector_load %arg6[%swap3A_827, %swap3A_828] {strides = array<i32>} : memref<16x32xi32, #tpu.memory_space<vmem>>, vector<16xi32>,
    tpu.vector_store %arg6[%swap3A_827, %swap3A_828], %add3A_825 {strides = array<i32>} : memref<16x32xi32, #tpu.memory_space<vmem>>, vector<16xi32>,
    %reduce_sum3A_830 = arith.constant true
    %reduce_sum3A_831 = vector.broadcast %reduce_sum3A_830 : i1 to vector<16xi1>
    %reduce_sum3A_832 = tpu.scan <sum>, %select_n3A_816 masked %reduce_sum3A_831 : vector<16xi32>, vector<16xi1> -> vector<16xi32>
    %reduce_sum3A_833 = vector.extract %reduce_sum3A_832[15] : i32 from vector<16xi32>
    %add3A_834 = arith.addi %add3A_804, %reduce_sum3A_833 : i32
    %dma_wait3A_835 = arith.constant 0 : i32
    %dma_wait3A_836 = tpu.memref_slice %arg4[%add3A_602, %dma_wait3A_835] : memref<16384x768xf32, #tpu.memory_space<hbm>> -> memref<32x768xf32, #tpu.memory_space<hbm>>
    %dma_wait3A_837 = arith.constant 0 : i32
    %dma_wait3A_838 = tpu.memref_slice %arg4[%add3A_602, %dma_wait3A_837] : memref<16384x768xf32, #tpu.memory_space<hbm>> -> memref<32x768xf32, #tpu.memory_space<hbm>>
    tpu.wait_dma2 semaphore(%arg16 : memref<!tpu.dma_semaphore, #tpu.memory_space<semaphore_mem>>) src(%arg8 : memref<32x768xf32, #tpu.memory_space<vmem>>) dst(%dma_wait3A_838 : memref<32x768xf32, #tpu.memory_space<hbm>>)
    %dma_start3A_839 = arith.constant 9 : i32
    %dma_start3A_840 = arith.constant 0 : i32
    %dma_start3A_841 = tpu.memref_slice %arg6[%dma_start3A_839, %dma_start3A_840] : memref<16x32xi32, #tpu.memory_space<vmem>> -> memref<1x32xi32, #tpu.memory_space<vmem>>
    %dma_start3A_842 = tpu.memref_squeeze %dma_start3A_841 : memref<1x32xi32, #tpu.memory_space<vmem>> -> memref<32xi32, #tpu.memory_space<vmem>>
    %dma_start3A_843 = arith.constant 0 : i32
    %dma_start3A_844 = arith.constant 0 : i32
    %dma_start3A_845 = tpu.memref_slice %arg3[%dma_start3A_843, %dma_start3A_844] : memref<4098x768xf32, #tpu.memory_space<hbm>> -> memref<4098x768xf32, #tpu.memory_space<hbm>>
    tpu.enqueue_indirect_dma source(%dma_start3A_845 : memref<4098x768xf32, #tpu.memory_space<hbm>>) target(%arg8 : memref<32x768xf32, #tpu.memory_space<vmem>>) offsets(%dma_start3A_842 : memref<32xi32, #tpu.memory_space<vmem>>) semaphore(%arg12 : memref<!tpu.dma_semaphore, #tpu.memory_space<semaphore_mem>>)
    %dma_wait3A_846 = arith.constant 8 : i32
    %dma_wait3A_847 = arith.constant 0 : i32
    %dma_wait3A_848 = tpu.memref_slice %arg6[%dma_wait3A_846, %dma_wait3A_847] : memref<16x32xi32, #tpu.memory_space<vmem>> -> memref<1x32xi32, #tpu.memory_space<vmem>>
    %dma_wait3A_849 = tpu.memref_squeeze %dma_wait3A_848 : memref<1x32xi32, #tpu.memory_space<vmem>> -> memref<32xi32, #tpu.memory_space<vmem>>
    %dma_wait3A_850 = arith.constant 0 : i32
    %dma_wait3A_851 = arith.constant 0 : i32
    %dma_wait3A_852 = tpu.memref_slice %arg3[%dma_wait3A_850, %dma_wait3A_851] : memref<4098x768xf32, #tpu.memory_space<hbm>> -> memref<4098x768xf32, #tpu.memory_space<hbm>>
    tpu.wait_indirect_dma semaphore(%arg11 : memref<!tpu.dma_semaphore, #tpu.memory_space<semaphore_mem>>) src(%dma_wait3A_852 : memref<4098x768xf32, #tpu.memory_space<hbm>>) dst(%arg7 : memref<32x768xf32, #tpu.memory_space<vmem>>)
    %add3A_853 = arith.constant 256 : i32
    %add3A_854 = arith.addi %mul3A_50, %add3A_853 : i32
    %dma_start3A_855 = arith.constant 0 : i32
    %dma_start3A_856 = tpu.memref_slice %arg4[%add3A_854, %dma_start3A_855] : memref<16384x768xf32, #tpu.memory_space<hbm>> -> memref<32x768xf32, #tpu.memory_space<hbm>>
    %dma_start3A_857 = arith.constant 0 : i32
    %dma_start3A_858 = tpu.memref_slice %arg4[%add3A_854, %dma_start3A_857] : memref<16384x768xf32, #tpu.memory_space<hbm>> -> memref<32x768xf32, #tpu.memory_space<hbm>>
    tpu.enqueue_dma source(%arg7 : memref<32x768xf32, #tpu.memory_space<vmem>>) target(%dma_start3A_858 : memref<32x768xf32, #tpu.memory_space<hbm>>) target_semaphore(%arg15 : memref<!tpu.dma_semaphore, #tpu.memory_space<semaphore_mem>>)
    %add3A_859 = arith.constant 320 : i32
    %add3A_860 = arith.addi %mul3A_52, %add3A_859 : i32
    %get3A_861 = arith.index_cast %add3A_860 : i32 to index
    %get3A_862 = tpu.vector_load %arg5[%get3A_861] {strides = array<i32>} : memref<4096xi32, #tpu.memory_space<vmem>>, vector<16xi32>,
    %eq3A_863 = arith.constant 1 : i32
    %eq3A_864 = vector.broadcast %eq3A_863 : i32 to vector<16xi32>
    %eq3A_865 = arith.cmpi eq, %get3A_862, %eq3A_864 : vector<16xi32>
    %jit3A_866 = arith.constant 0 : i32
    %jit3A_867 = arith.constant 1 : i32
    %broadcast_in_dim3A_868 = vector.broadcast %jit3A_866 : i32 to vector<16xi32>
    %broadcast_in_dim3A_869 = vector.broadcast %jit3A_867 : i32 to vector<16xi32>
    %select_n3A_870 = arith.select %eq3A_865, %broadcast_in_dim3A_868, %broadcast_in_dim3A_869 : vector<16xi1>, vector<16xi32>
    %broadcast_in_dim3A_871 = arith.constant true
    %broadcast_in_dim3A_872 = vector.broadcast %broadcast_in_dim3A_871 : i1 to vector<16xi1>
    %masked_cumsum3A_873 = tpu.scan <sum>, %select_n3A_870 masked %broadcast_in_dim3A_872 : vector<16xi32>, vector<16xi1> -> vector<16xi32>
    %add3A_874 = vector.broadcast %add3A_834 : i32 to vector<16xi32>
    %add3A_875 = arith.addi %add3A_874, %masked_cumsum3A_873 : vector<16xi32>
    %mul3A_876 = arith.muli %add3A_875, %select_n3A_870 : vector<16xi32>
    %add3A_877 = arith.constant 1 : i32
    %add3A_878 = vector.broadcast %add3A_877 : i32 to vector<16xi32>
    %add3A_879 = arith.addi %mul3A_876, %add3A_878 : vector<16xi32>
    %swap3A_880 = arith.constant 10 : i32
    %swap3A_881 = arith.index_cast %swap3A_880 : i32 to index
    %swap3A_882 = arith.constant 0 : index
    %swap3A_883 = tpu.vector_load %arg6[%swap3A_881, %swap3A_882] {strides = array<i32>} : memref<16x32xi32, #tpu.memory_space<vmem>>, vector<16xi32>,
    tpu.vector_store %arg6[%swap3A_881, %swap3A_882], %add3A_879 {strides = array<i32>} : memref<16x32xi32, #tpu.memory_space<vmem>>, vector<16xi32>,
    %reduce_sum3A_884 = arith.constant true
    %reduce_sum3A_885 = vector.broadcast %reduce_sum3A_884 : i1 to vector<16xi1>
    %reduce_sum3A_886 = tpu.scan <sum>, %select_n3A_870 masked %reduce_sum3A_885 : vector<16xi32>, vector<16xi1> -> vector<16xi32>
    %reduce_sum3A_887 = vector.extract %reduce_sum3A_886[15] : i32 from vector<16xi32>
    %add3A_888 = arith.addi %add3A_834, %reduce_sum3A_887 : i32
    %add3A_889 = arith.constant 336 : i32
    %add3A_890 = arith.addi %mul3A_52, %add3A_889 : i32
    %get3A_891 = arith.index_cast %add3A_890 : i32 to index
    %get3A_892 = tpu.vector_load %arg5[%get3A_891] {strides = array<i32>} : memref<4096xi32, #tpu.memory_space<vmem>>, vector<16xi32>,
    %eq3A_893 = arith.constant 1 : i32
    %eq3A_894 = vector.broadcast %eq3A_893 : i32 to vector<16xi32>
    %eq3A_895 = arith.cmpi eq, %get3A_892, %eq3A_894 : vector<16xi32>
    %jit3A_896 = arith.constant 0 : i32
    %jit3A_897 = arith.constant 1 : i32
    %broadcast_in_dim3A_898 = vector.broadcast %jit3A_896 : i32 to vector<16xi32>
    %broadcast_in_dim3A_899 = vector.broadcast %jit3A_897 : i32 to vector<16xi32>
    %select_n3A_900 = arith.select %eq3A_895, %broadcast_in_dim3A_898, %broadcast_in_dim3A_899 : vector<16xi1>, vector<16xi32>
    %broadcast_in_dim3A_901 = arith.constant true
    %broadcast_in_dim3A_902 = vector.broadcast %broadcast_in_dim3A_901 : i1 to vector<16xi1>
    %masked_cumsum3A_903 = tpu.scan <sum>, %select_n3A_900 masked %broadcast_in_dim3A_902 : vector<16xi32>, vector<16xi1> -> vector<16xi32>
    %add3A_904 = vector.broadcast %add3A_888 : i32 to vector<16xi32>
    %add3A_905 = arith.addi %add3A_904, %masked_cumsum3A_903 : vector<16xi32>
    %mul3A_906 = arith.muli %add3A_905, %select_n3A_900 : vector<16xi32>
    %add3A_907 = arith.constant 1 : i32
    %add3A_908 = vector.broadcast %add3A_907 : i32 to vector<16xi32>
    %add3A_909 = arith.addi %mul3A_906, %add3A_908 : vector<16xi32>
    %swap3A_910 = arith.constant 10 : i32
    %swap3A_911 = arith.index_cast %swap3A_910 : i32 to index
    %swap3A_912 = arith.constant 16 : index
    %swap3A_913 = tpu.vector_load %arg6[%swap3A_911, %swap3A_912] {strides = array<i32>} : memref<16x32xi32, #tpu.memory_space<vmem>>, vector<16xi32>,
    tpu.vector_store %arg6[%swap3A_911, %swap3A_912], %add3A_909 {strides = array<i32>} : memref<16x32xi32, #tpu.memory_space<vmem>>, vector<16xi32>,
    %reduce_sum3A_914 = arith.constant true
    %reduce_sum3A_915 = vector.broadcast %reduce_sum3A_914 : i1 to vector<16xi1>
    %reduce_sum3A_916 = tpu.scan <sum>, %select_n3A_900 masked %reduce_sum3A_915 : vector<16xi32>, vector<16xi1> -> vector<16xi32>
    %reduce_sum3A_917 = vector.extract %reduce_sum3A_916[15] : i32 from vector<16xi32>
    %add3A_918 = arith.addi %add3A_888, %reduce_sum3A_917 : i32
    %dma_wait3A_919 = arith.constant 0 : i32
    %dma_wait3A_920 = tpu.memref_slice %arg4[%add3A_686, %dma_wait3A_919] : memref<16384x768xf32, #tpu.memory_space<hbm>> -> memref<32x768xf32, #tpu.memory_space<hbm>>
    %dma_wait3A_921 = arith.constant 0 : i32
    %dma_wait3A_922 = tpu.memref_slice %arg4[%add3A_686, %dma_wait3A_921] : memref<16384x768xf32, #tpu.memory_space<hbm>> -> memref<32x768xf32, #tpu.memory_space<hbm>>
    tpu.wait_dma2 semaphore(%arg17 : memref<!tpu.dma_semaphore, #tpu.memory_space<semaphore_mem>>) src(%arg9 : memref<32x768xf32, #tpu.memory_space<vmem>>) dst(%dma_wait3A_922 : memref<32x768xf32, #tpu.memory_space<hbm>>)
    %dma_start3A_923 = arith.constant 10 : i32
    %dma_start3A_924 = arith.constant 0 : i32
    %dma_start3A_925 = tpu.memref_slice %arg6[%dma_start3A_923, %dma_start3A_924] : memref<16x32xi32, #tpu.memory_space<vmem>> -> memref<1x32xi32, #tpu.memory_space<vmem>>
    %dma_start3A_926 = tpu.memref_squeeze %dma_start3A_925 : memref<1x32xi32, #tpu.memory_space<vmem>> -> memref<32xi32, #tpu.memory_space<vmem>>
    %dma_start3A_927 = arith.constant 0 : i32
    %dma_start3A_928 = arith.constant 0 : i32
    %dma_start3A_929 = tpu.memref_slice %arg3[%dma_start3A_927, %dma_start3A_928] : memref<4098x768xf32, #tpu.memory_space<hbm>> -> memref<4098x768xf32, #tpu.memory_space<hbm>>
    tpu.enqueue_indirect_dma source(%dma_start3A_929 : memref<4098x768xf32, #tpu.memory_space<hbm>>) target(%arg9 : memref<32x768xf32, #tpu.memory_space<vmem>>) offsets(%dma_start3A_926 : memref<32xi32, #tpu.memory_space<vmem>>) semaphore(%arg13 : memref<!tpu.dma_semaphore, #tpu.memory_space<semaphore_mem>>)
    %dma_wait3A_930 = arith.constant 9 : i32
    %dma_wait3A_931 = arith.constant 0 : i32
    %dma_wait3A_932 = tpu.memref_slice %arg6[%dma_wait3A_930, %dma_wait3A_931] : memref<16x32xi32, #tpu.memory_space<vmem>> -> memref<1x32xi32, #tpu.memory_space<vmem>>
    %dma_wait3A_933 = tpu.memref_squeeze %dma_wait3A_932 : memref<1x32xi32, #tpu.memory_space<vmem>> -> memref<32xi32, #tpu.memory_space<vmem>>
    %dma_wait3A_934 = arith.constant 0 : i32
    %dma_wait3A_935 = arith.constant 0 : i32
    %dma_wait3A_936 = tpu.memref_slice %arg3[%dma_wait3A_934, %dma_wait3A_935] : memref<4098x768xf32, #tpu.memory_space<hbm>> -> memref<4098x768xf32, #tpu.memory_space<hbm>>
    tpu.wait_indirect_dma semaphore(%arg12 : memref<!tpu.dma_semaphore, #tpu.memory_space<semaphore_mem>>) src(%dma_wait3A_936 : memref<4098x768xf32, #tpu.memory_space<hbm>>) dst(%arg8 : memref<32x768xf32, #tpu.memory_space<vmem>>)
    %add3A_937 = arith.constant 288 : i32
    %add3A_938 = arith.addi %mul3A_50, %add3A_937 : i32
    %dma_start3A_939 = arith.constant 0 : i32
    %dma_start3A_940 = tpu.memref_slice %arg4[%add3A_938, %dma_start3A_939] : memref<16384x768xf32, #tpu.memory_space<hbm>> -> memref<32x768xf32, #tpu.memory_space<hbm>>
    %dma_start3A_941 = arith.constant 0 : i32
    %dma_start3A_942 = tpu.memref_slice %arg4[%add3A_938, %dma_start3A_941] : memref<16384x768xf32, #tpu.memory_space<hbm>> -> memref<32x768xf32, #tpu.memory_space<hbm>>
    tpu.enqueue_dma source(%arg8 : memref<32x768xf32, #tpu.memory_space<vmem>>) target(%dma_start3A_942 : memref<32x768xf32, #tpu.memory_space<hbm>>) target_semaphore(%arg16 : memref<!tpu.dma_semaphore, #tpu.memory_space<semaphore_mem>>)
    %add3A_943 = arith.constant 352 : i32
    %add3A_944 = arith.addi %mul3A_52, %add3A_943 : i32
    %get3A_945 = arith.index_cast %add3A_944 : i32 to index
    %get3A_946 = tpu.vector_load %arg5[%get3A_945] {strides = array<i32>} : memref<4096xi32, #tpu.memory_space<vmem>>, vector<16xi32>,
    %eq3A_947 = arith.constant 1 : i32
    %eq3A_948 = vector.broadcast %eq3A_947 : i32 to vector<16xi32>
    %eq3A_949 = arith.cmpi eq, %get3A_946, %eq3A_948 : vector<16xi32>
    %jit3A_950 = arith.constant 0 : i32
    %jit3A_951 = arith.constant 1 : i32
    %broadcast_in_dim3A_952 = vector.broadcast %jit3A_950 : i32 to vector<16xi32>
    %broadcast_in_dim3A_953 = vector.broadcast %jit3A_951 : i32 to vector<16xi32>
    %select_n3A_954 = arith.select %eq3A_949, %broadcast_in_dim3A_952, %broadcast_in_dim3A_953 : vector<16xi1>, vector<16xi32>
    %broadcast_in_dim3A_955 = arith.constant true
    %broadcast_in_dim3A_956 = vector.broadcast %broadcast_in_dim3A_955 : i1 to vector<16xi1>
    %masked_cumsum3A_957 = tpu.scan <sum>, %select_n3A_954 masked %broadcast_in_dim3A_956 : vector<16xi32>, vector<16xi1> -> vector<16xi32>
    %add3A_958 = vector.broadcast %add3A_918 : i32 to vector<16xi32>
    %add3A_959 = arith.addi %add3A_958, %masked_cumsum3A_957 : vector<16xi32>
    %mul3A_960 = arith.muli %add3A_959, %select_n3A_954 : vector<16xi32>
    %add3A_961 = arith.constant 1 : i32
    %add3A_962 = vector.broadcast %add3A_961 : i32 to vector<16xi32>
    %add3A_963 = arith.addi %mul3A_960, %add3A_962 : vector<16xi32>
    %swap3A_964 = arith.constant 11 : i32
    %swap3A_965 = arith.index_cast %swap3A_964 : i32 to index
    %swap3A_966 = arith.constant 0 : index
    %swap3A_967 = tpu.vector_load %arg6[%swap3A_965, %swap3A_966] {strides = array<i32>} : memref<16x32xi32, #tpu.memory_space<vmem>>, vector<16xi32>,
    tpu.vector_store %arg6[%swap3A_965, %swap3A_966], %add3A_963 {strides = array<i32>} : memref<16x32xi32, #tpu.memory_space<vmem>>, vector<16xi32>,
    %reduce_sum3A_968 = arith.constant true
    %reduce_sum3A_969 = vector.broadcast %reduce_sum3A_968 : i1 to vector<16xi1>
    %reduce_sum3A_970 = tpu.scan <sum>, %select_n3A_954 masked %reduce_sum3A_969 : vector<16xi32>, vector<16xi1> -> vector<16xi32>
    %reduce_sum3A_971 = vector.extract %reduce_sum3A_970[15] : i32 from vector<16xi32>
    %add3A_972 = arith.addi %add3A_918, %reduce_sum3A_971 : i32
    %add3A_973 = arith.constant 368 : i32
    %add3A_974 = arith.addi %mul3A_52, %add3A_973 : i32
    %get3A_975 = arith.index_cast %add3A_974 : i32 to index
    %get3A_976 = tpu.vector_load %arg5[%get3A_975] {strides = array<i32>} : memref<4096xi32, #tpu.memory_space<vmem>>, vector<16xi32>,
    %eq3A_977 = arith.constant 1 : i32
    %eq3A_978 = vector.broadcast %eq3A_977 : i32 to vector<16xi32>
    %eq3A_979 = arith.cmpi eq, %get3A_976, %eq3A_978 : vector<16xi32>
    %jit3A_980 = arith.constant 0 : i32
    %jit3A_981 = arith.constant 1 : i32
    %broadcast_in_dim3A_982 = vector.broadcast %jit3A_980 : i32 to vector<16xi32>
    %broadcast_in_dim3A_983 = vector.broadcast %jit3A_981 : i32 to vector<16xi32>
    %select_n3A_984 = arith.select %eq3A_979, %broadcast_in_dim3A_982, %broadcast_in_dim3A_983 : vector<16xi1>, vector<16xi32>
    %broadcast_in_dim3A_985 = arith.constant true
    %broadcast_in_dim3A_986 = vector.broadcast %broadcast_in_dim3A_985 : i1 to vector<16xi1>
    %masked_cumsum3A_987 = tpu.scan <sum>, %select_n3A_984 masked %broadcast_in_dim3A_986 : vector<16xi32>, vector<16xi1> -> vector<16xi32>
    %add3A_988 = vector.broadcast %add3A_972 : i32 to vector<16xi32>
    %add3A_989 = arith.addi %add3A_988, %masked_cumsum3A_987 : vector<16xi32>
    %mul3A_990 = arith.muli %add3A_989, %select_n3A_984 : vector<16xi32>
    %add3A_991 = arith.constant 1 : i32
    %add3A_992 = vector.broadcast %add3A_991 : i32 to vector<16xi32>
    %add3A_993 = arith.addi %mul3A_990, %add3A_992 : vector<16xi32>
    %swap3A_994 = arith.constant 11 : i32
    %swap3A_995 = arith.index_cast %swap3A_994 : i32 to index
    %swap3A_996 = arith.constant 16 : index
    %swap3A_997 = tpu.vector_load %arg6[%swap3A_995, %swap3A_996] {strides = array<i32>} : memref<16x32xi32, #tpu.memory_space<vmem>>, vector<16xi32>,
    tpu.vector_store %arg6[%swap3A_995, %swap3A_996], %add3A_993 {strides = array<i32>} : memref<16x32xi32, #tpu.memory_space<vmem>>, vector<16xi32>,
    %reduce_sum3A_998 = arith.constant true
    %reduce_sum3A_999 = vector.broadcast %reduce_sum3A_998 : i1 to vector<16xi1>
    %reduce_sum3A_1000 = tpu.scan <sum>, %select_n3A_984 masked %reduce_sum3A_999 : vector<16xi32>, vector<16xi1> -> vector<16xi32>
    %reduce_sum3A_1001 = vector.extract %reduce_sum3A_1000[15] : i32 from vector<16xi32>
    %add3A_1002 = arith.addi %add3A_972, %reduce_sum3A_1001 : i32
    %dma_wait3A_1003 = arith.constant 0 : i32
    %dma_wait3A_1004 = tpu.memref_slice %arg4[%add3A_770, %dma_wait3A_1003] : memref<16384x768xf32, #tpu.memory_space<hbm>> -> memref<32x768xf32, #tpu.memory_space<hbm>>
    %dma_wait3A_1005 = arith.constant 0 : i32
    %dma_wait3A_1006 = tpu.memref_slice %arg4[%add3A_770, %dma_wait3A_1005] : memref<16384x768xf32, #tpu.memory_space<hbm>> -> memref<32x768xf32, #tpu.memory_space<hbm>>
    tpu.wait_dma2 semaphore(%arg18 : memref<!tpu.dma_semaphore, #tpu.memory_space<semaphore_mem>>) src(%arg10 : memref<32x768xf32, #tpu.memory_space<vmem>>) dst(%dma_wait3A_1006 : memref<32x768xf32, #tpu.memory_space<hbm>>)
    %dma_start3A_1007 = arith.constant 11 : i32
    %dma_start3A_1008 = arith.constant 0 : i32
    %dma_start3A_1009 = tpu.memref_slice %arg6[%dma_start3A_1007, %dma_start3A_1008] : memref<16x32xi32, #tpu.memory_space<vmem>> -> memref<1x32xi32, #tpu.memory_space<vmem>>
    %dma_start3A_1010 = tpu.memref_squeeze %dma_start3A_1009 : memref<1x32xi32, #tpu.memory_space<vmem>> -> memref<32xi32, #tpu.memory_space<vmem>>
    %dma_start3A_1011 = arith.constant 0 : i32
    %dma_start3A_1012 = arith.constant 0 : i32
    %dma_start3A_1013 = tpu.memref_slice %arg3[%dma_start3A_1011, %dma_start3A_1012] : memref<4098x768xf32, #tpu.memory_space<hbm>> -> memref<4098x768xf32, #tpu.memory_space<hbm>>
    tpu.enqueue_indirect_dma source(%dma_start3A_1013 : memref<4098x768xf32, #tpu.memory_space<hbm>>) target(%arg10 : memref<32x768xf32, #tpu.memory_space<vmem>>) offsets(%dma_start3A_1010 : memref<32xi32, #tpu.memory_space<vmem>>) semaphore(%arg14 : memref<!tpu.dma_semaphore, #tpu.memory_space<semaphore_mem>>)
    %dma_wait3A_1014 = arith.constant 10 : i32
    %dma_wait3A_1015 = arith.constant 0 : i32
    %dma_wait3A_1016 = tpu.memref_slice %arg6[%dma_wait3A_1014, %dma_wait3A_1015] : memref<16x32xi32, #tpu.memory_space<vmem>> -> memref<1x32xi32, #tpu.memory_space<vmem>>
    %dma_wait3A_1017 = tpu.memref_squeeze %dma_wait3A_1016 : memref<1x32xi32, #tpu.memory_space<vmem>> -> memref<32xi32, #tpu.memory_space<vmem>>
    %dma_wait3A_1018 = arith.constant 0 : i32
    %dma_wait3A_1019 = arith.constant 0 : i32
    %dma_wait3A_1020 = tpu.memref_slice %arg3[%dma_wait3A_1018, %dma_wait3A_1019] : memref<4098x768xf32, #tpu.memory_space<hbm>> -> memref<4098x768xf32, #tpu.memory_space<hbm>>
    tpu.wait_indirect_dma semaphore(%arg13 : memref<!tpu.dma_semaphore, #tpu.memory_space<semaphore_mem>>) src(%dma_wait3A_1020 : memref<4098x768xf32, #tpu.memory_space<hbm>>) dst(%arg9 : memref<32x768xf32, #tpu.memory_space<vmem>>)
    %add3A_1021 = arith.constant 320 : i32
    %add3A_1022 = arith.addi %mul3A_50, %add3A_1021 : i32
    %dma_start3A_1023 = arith.constant 0 : i32
    %dma_start3A_1024 = tpu.memref_slice %arg4[%add3A_1022, %dma_start3A_1023] : memref<16384x768xf32, #tpu.memory_space<hbm>> -> memref<32x768xf32, #tpu.memory_space<hbm>>
    %dma_start3A_1025 = arith.constant 0 : i32
    %dma_start3A_1026 = tpu.memref_slice %arg4[%add3A_1022, %dma_start3A_1025] : memref<16384x768xf32, #tpu.memory_space<hbm>> -> memref<32x768xf32, #tpu.memory_space<hbm>>
    tpu.enqueue_dma source(%arg9 : memref<32x768xf32, #tpu.memory_space<vmem>>) target(%dma_start3A_1026 : memref<32x768xf32, #tpu.memory_space<hbm>>) target_semaphore(%arg17 : memref<!tpu.dma_semaphore, #tpu.memory_space<semaphore_mem>>)
    %add3A_1027 = arith.constant 384 : i32
    %add3A_1028 = arith.addi %mul3A_52, %add3A_1027 : i32
    %get3A_1029 = arith.index_cast %add3A_1028 : i32 to index
    %get3A_1030 = tpu.vector_load %arg5[%get3A_1029] {strides = array<i32>} : memref<4096xi32, #tpu.memory_space<vmem>>, vector<16xi32>,
    %eq3A_1031 = arith.constant 1 : i32
    %eq3A_1032 = vector.broadcast %eq3A_1031 : i32 to vector<16xi32>
    %eq3A_1033 = arith.cmpi eq, %get3A_1030, %eq3A_1032 : vector<16xi32>
    %jit3A_1034 = arith.constant 0 : i32
    %jit3A_1035 = arith.constant 1 : i32
    %broadcast_in_dim3A_1036 = vector.broadcast %jit3A_1034 : i32 to vector<16xi32>
    %broadcast_in_dim3A_1037 = vector.broadcast %jit3A_1035 : i32 to vector<16xi32>
    %select_n3A_1038 = arith.select %eq3A_1033, %broadcast_in_dim3A_1036, %broadcast_in_dim3A_1037 : vector<16xi1>, vector<16xi32>
    %broadcast_in_dim3A_1039 = arith.constant true
    %broadcast_in_dim3A_1040 = vector.broadcast %broadcast_in_dim3A_1039 : i1 to vector<16xi1>
    %masked_cumsum3A_1041 = tpu.scan <sum>, %select_n3A_1038 masked %broadcast_in_dim3A_1040 : vector<16xi32>, vector<16xi1> -> vector<16xi32>
    %add3A_1042 = vector.broadcast %add3A_1002 : i32 to vector<16xi32>
    %add3A_1043 = arith.addi %add3A_1042, %masked_cumsum3A_1041 : vector<16xi32>
    %mul3A_1044 = arith.muli %add3A_1043, %select_n3A_1038 : vector<16xi32>
    %add3A_1045 = arith.constant 1 : i32
    %add3A_1046 = vector.broadcast %add3A_1045 : i32 to vector<16xi32>
    %add3A_1047 = arith.addi %mul3A_1044, %add3A_1046 : vector<16xi32>
    %swap3A_1048 = arith.constant 12 : i32
    %swap3A_1049 = arith.index_cast %swap3A_1048 : i32 to index
    %swap3A_1050 = arith.constant 0 : index
    %swap3A_1051 = tpu.vector_load %arg6[%swap3A_1049, %swap3A_1050] {strides = array<i32>} : memref<16x32xi32, #tpu.memory_space<vmem>>, vector<16xi32>,
    tpu.vector_store %arg6[%swap3A_1049, %swap3A_1050], %add3A_1047 {strides = array<i32>} : memref<16x32xi32, #tpu.memory_space<vmem>>, vector<16xi32>,
    %reduce_sum3A_1052 = arith.constant true
    %reduce_sum3A_1053 = vector.broadcast %reduce_sum3A_1052 : i1 to vector<16xi1>
    %reduce_sum3A_1054 = tpu.scan <sum>, %select_n3A_1038 masked %reduce_sum3A_1053 : vector<16xi32>, vector<16xi1> -> vector<16xi32>
    %reduce_sum3A_1055 = vector.extract %reduce_sum3A_1054[15] : i32 from vector<16xi32>
    %add3A_1056 = arith.addi %add3A_1002, %reduce_sum3A_1055 : i32
    %add3A_1057 = arith.constant 400 : i32
    %add3A_1058 = arith.addi %mul3A_52, %add3A_1057 : i32
    %get3A_1059 = arith.index_cast %add3A_1058 : i32 to index
    %get3A_1060 = tpu.vector_load %arg5[%get3A_1059] {strides = array<i32>} : memref<4096xi32, #tpu.memory_space<vmem>>, vector<16xi32>,
    %eq3A_1061 = arith.constant 1 : i32
    %eq3A_1062 = vector.broadcast %eq3A_1061 : i32 to vector<16xi32>
    %eq3A_1063 = arith.cmpi eq, %get3A_1060, %eq3A_1062 : vector<16xi32>
    %jit3A_1064 = arith.constant 0 : i32
    %jit3A_1065 = arith.constant 1 : i32
    %broadcast_in_dim3A_1066 = vector.broadcast %jit3A_1064 : i32 to vector<16xi32>
    %broadcast_in_dim3A_1067 = vector.broadcast %jit3A_1065 : i32 to vector<16xi32>
    %select_n3A_1068 = arith.select %eq3A_1063, %broadcast_in_dim3A_1066, %broadcast_in_dim3A_1067 : vector<16xi1>, vector<16xi32>
    %broadcast_in_dim3A_1069 = arith.constant true
    %broadcast_in_dim3A_1070 = vector.broadcast %broadcast_in_dim3A_1069 : i1 to vector<16xi1>
    %masked_cumsum3A_1071 = tpu.scan <sum>, %select_n3A_1068 masked %broadcast_in_dim3A_1070 : vector<16xi32>, vector<16xi1> -> vector<16xi32>
    %add3A_1072 = vector.broadcast %add3A_1056 : i32 to vector<16xi32>
    %add3A_1073 = arith.addi %add3A_1072, %masked_cumsum3A_1071 : vector<16xi32>
    %mul3A_1074 = arith.muli %add3A_1073, %select_n3A_1068 : vector<16xi32>
    %add3A_1075 = arith.constant 1 : i32
    %add3A_1076 = vector.broadcast %add3A_1075 : i32 to vector<16xi32>
    %add3A_1077 = arith.addi %mul3A_1074, %add3A_1076 : vector<16xi32>
    %swap3A_1078 = arith.constant 12 : i32
    %swap3A_1079 = arith.index_cast %swap3A_1078 : i32 to index
    %swap3A_1080 = arith.constant 16 : index
    %swap3A_1081 = tpu.vector_load %arg6[%swap3A_1079, %swap3A_1080] {strides = array<i32>} : memref<16x32xi32, #tpu.memory_space<vmem>>, vector<16xi32>,
    tpu.vector_store %arg6[%swap3A_1079, %swap3A_1080], %add3A_1077 {strides = array<i32>} : memref<16x32xi32, #tpu.memory_space<vmem>>, vector<16xi32>,
    %reduce_sum3A_1082 = arith.constant true
    %reduce_sum3A_1083 = vector.broadcast %reduce_sum3A_1082 : i1 to vector<16xi1>
    %reduce_sum3A_1084 = tpu.scan <sum>, %select_n3A_1068 masked %reduce_sum3A_1083 : vector<16xi32>, vector<16xi1> -> vector<16xi32>
    %reduce_sum3A_1085 = vector.extract %reduce_sum3A_1084[15] : i32 from vector<16xi32>
    %add3A_1086 = arith.addi %add3A_1056, %reduce_sum3A_1085 : i32
    %dma_wait3A_1087 = arith.constant 0 : i32
    %dma_wait3A_1088 = tpu.memref_slice %arg4[%add3A_854, %dma_wait3A_1087] : memref<16384x768xf32, #tpu.memory_space<hbm>> -> memref<32x768xf32, #tpu.memory_space<hbm>>
    %dma_wait3A_1089 = arith.constant 0 : i32
    %dma_wait3A_1090 = tpu.memref_slice %arg4[%add3A_854, %dma_wait3A_1089] : memref<16384x768xf32, #tpu.memory_space<hbm>> -> memref<32x768xf32, #tpu.memory_space<hbm>>
    tpu.wait_dma2 semaphore(%arg15 : memref<!tpu.dma_semaphore, #tpu.memory_space<semaphore_mem>>) src(%arg7 : memref<32x768xf32, #tpu.memory_space<vmem>>) dst(%dma_wait3A_1090 : memref<32x768xf32, #tpu.memory_space<hbm>>)
    %dma_start3A_1091 = arith.constant 12 : i32
    %dma_start3A_1092 = arith.constant 0 : i32
    %dma_start3A_1093 = tpu.memref_slice %arg6[%dma_start3A_1091, %dma_start3A_1092] : memref<16x32xi32, #tpu.memory_space<vmem>> -> memref<1x32xi32, #tpu.memory_space<vmem>>
    %dma_start3A_1094 = tpu.memref_squeeze %dma_start3A_1093 : memref<1x32xi32, #tpu.memory_space<vmem>> -> memref<32xi32, #tpu.memory_space<vmem>>
    %dma_start3A_1095 = arith.constant 0 : i32
    %dma_start3A_1096 = arith.constant 0 : i32
    %dma_start3A_1097 = tpu.memref_slice %arg3[%dma_start3A_1095, %dma_start3A_1096] : memref<4098x768xf32, #tpu.memory_space<hbm>> -> memref<4098x768xf32, #tpu.memory_space<hbm>>
    tpu.enqueue_indirect_dma source(%dma_start3A_1097 : memref<4098x768xf32, #tpu.memory_space<hbm>>) target(%arg7 : memref<32x768xf32, #tpu.memory_space<vmem>>) offsets(%dma_start3A_1094 : memref<32xi32, #tpu.memory_space<vmem>>) semaphore(%arg11 : memref<!tpu.dma_semaphore, #tpu.memory_space<semaphore_mem>>)
    %dma_wait3A_1098 = arith.constant 11 : i32
    %dma_wait3A_1099 = arith.constant 0 : i32
    %dma_wait3A_1100 = tpu.memref_slice %arg6[%dma_wait3A_1098, %dma_wait3A_1099] : memref<16x32xi32, #tpu.memory_space<vmem>> -> memref<1x32xi32, #tpu.memory_space<vmem>>
    %dma_wait3A_1101 = tpu.memref_squeeze %dma_wait3A_1100 : memref<1x32xi32, #tpu.memory_space<vmem>> -> memref<32xi32, #tpu.memory_space<vmem>>
    %dma_wait3A_1102 = arith.constant 0 : i32
    %dma_wait3A_1103 = arith.constant 0 : i32
    %dma_wait3A_1104 = tpu.memref_slice %arg3[%dma_wait3A_1102, %dma_wait3A_1103] : memref<4098x768xf32, #tpu.memory_space<hbm>> -> memref<4098x768xf32, #tpu.memory_space<hbm>>
    tpu.wait_indirect_dma semaphore(%arg14 : memref<!tpu.dma_semaphore, #tpu.memory_space<semaphore_mem>>) src(%dma_wait3A_1104 : memref<4098x768xf32, #tpu.memory_space<hbm>>) dst(%arg10 : memref<32x768xf32, #tpu.memory_space<vmem>>)
    %add3A_1105 = arith.constant 352 : i32
    %add3A_1106 = arith.addi %mul3A_50, %add3A_1105 : i32
    %dma_start3A_1107 = arith.constant 0 : i32
    %dma_start3A_1108 = tpu.memref_slice %arg4[%add3A_1106, %dma_start3A_1107] : memref<16384x768xf32, #tpu.memory_space<hbm>> -> memref<32x768xf32, #tpu.memory_space<hbm>>
    %dma_start3A_1109 = arith.constant 0 : i32
    %dma_start3A_1110 = tpu.memref_slice %arg4[%add3A_1106, %dma_start3A_1109] : memref<16384x768xf32, #tpu.memory_space<hbm>> -> memref<32x768xf32, #tpu.memory_space<hbm>>
    tpu.enqueue_dma source(%arg10 : memref<32x768xf32, #tpu.memory_space<vmem>>) target(%dma_start3A_1110 : memref<32x768xf32, #tpu.memory_space<hbm>>) target_semaphore(%arg18 : memref<!tpu.dma_semaphore, #tpu.memory_space<semaphore_mem>>)
    %add3A_1111 = arith.constant 416 : i32
    %add3A_1112 = arith.addi %mul3A_52, %add3A_1111 : i32
    %get3A_1113 = arith.index_cast %add3A_1112 : i32 to index
    %get3A_1114 = tpu.vector_load %arg5[%get3A_1113] {strides = array<i32>} : memref<4096xi32, #tpu.memory_space<vmem>>, vector<16xi32>,
    %eq3A_1115 = arith.constant 1 : i32
    %eq3A_1116 = vector.broadcast %eq3A_1115 : i32 to vector<16xi32>
    %eq3A_1117 = arith.cmpi eq, %get3A_1114, %eq3A_1116 : vector<16xi32>
    %jit3A_1118 = arith.constant 0 : i32
    %jit3A_1119 = arith.constant 1 : i32
    %broadcast_in_dim3A_1120 = vector.broadcast %jit3A_1118 : i32 to vector<16xi32>
    %broadcast_in_dim3A_1121 = vector.broadcast %jit3A_1119 : i32 to vector<16xi32>
    %select_n3A_1122 = arith.select %eq3A_1117, %broadcast_in_dim3A_1120, %broadcast_in_dim3A_1121 : vector<16xi1>, vector<16xi32>
    %broadcast_in_dim3A_1123 = arith.constant true
    %broadcast_in_dim3A_1124 = vector.broadcast %broadcast_in_dim3A_1123 : i1 to vector<16xi1>
    %masked_cumsum3A_1125 = tpu.scan <sum>, %select_n3A_1122 masked %broadcast_in_dim3A_1124 : vector<16xi32>, vector<16xi1> -> vector<16xi32>
    %add3A_1126 = vector.broadcast %add3A_1086 : i32 to vector<16xi32>
    %add3A_1127 = arith.addi %add3A_1126, %masked_cumsum3A_1125 : vector<16xi32>
    %mul3A_1128 = arith.muli %add3A_1127, %select_n3A_1122 : vector<16xi32>
    %add3A_1129 = arith.constant 1 : i32
    %add3A_1130 = vector.broadcast %add3A_1129 : i32 to vector<16xi32>
    %add3A_1131 = arith.addi %mul3A_1128, %add3A_1130 : vector<16xi32>
    %swap3A_1132 = arith.constant 13 : i32
    %swap3A_1133 = arith.index_cast %swap3A_1132 : i32 to index
    %swap3A_1134 = arith.constant 0 : index
    %swap3A_1135 = tpu.vector_load %arg6[%swap3A_1133, %swap3A_1134] {strides = array<i32>} : memref<16x32xi32, #tpu.memory_space<vmem>>, vector<16xi32>,
    tpu.vector_store %arg6[%swap3A_1133, %swap3A_1134], %add3A_1131 {strides = array<i32>} : memref<16x32xi32, #tpu.memory_space<vmem>>, vector<16xi32>,
    %reduce_sum3A_1136 = arith.constant true
    %reduce_sum3A_1137 = vector.broadcast %reduce_sum3A_1136 : i1 to vector<16xi1>
    %reduce_sum3A_1138 = tpu.scan <sum>, %select_n3A_1122 masked %reduce_sum3A_1137 : vector<16xi32>, vector<16xi1> -> vector<16xi32>
    %reduce_sum3A_1139 = vector.extract %reduce_sum3A_1138[15] : i32 from vector<16xi32>
    %add3A_1140 = arith.addi %add3A_1086, %reduce_sum3A_1139 : i32
    %add3A_1141 = arith.constant 432 : i32
    %add3A_1142 = arith.addi %mul3A_52, %add3A_1141 : i32
    %get3A_1143 = arith.index_cast %add3A_1142 : i32 to index
    %get3A_1144 = tpu.vector_load %arg5[%get3A_1143] {strides = array<i32>} : memref<4096xi32, #tpu.memory_space<vmem>>, vector<16xi32>,
    %eq3A_1145 = arith.constant 1 : i32
    %eq3A_1146 = vector.broadcast %eq3A_1145 : i32 to vector<16xi32>
    %eq3A_1147 = arith.cmpi eq, %get3A_1144, %eq3A_1146 : vector<16xi32>
    %jit3A_1148 = arith.constant 0 : i32
    %jit3A_1149 = arith.constant 1 : i32
    %broadcast_in_dim3A_1150 = vector.broadcast %jit3A_1148 : i32 to vector<16xi32>
    %broadcast_in_dim3A_1151 = vector.broadcast %jit3A_1149 : i32 to vector<16xi32>
    %select_n3A_1152 = arith.select %eq3A_1147, %broadcast_in_dim3A_1150, %broadcast_in_dim3A_1151 : vector<16xi1>, vector<16xi32>
    %broadcast_in_dim3A_1153 = arith.constant true
    %broadcast_in_dim3A_1154 = vector.broadcast %broadcast_in_dim3A_1153 : i1 to vector<16xi1>
    %masked_cumsum3A_1155 = tpu.scan <sum>, %select_n3A_1152 masked %broadcast_in_dim3A_1154 : vector<16xi32>, vector<16xi1> -> vector<16xi32>
    %add3A_1156 = vector.broadcast %add3A_1140 : i32 to vector<16xi32>
    %add3A_1157 = arith.addi %add3A_1156, %masked_cumsum3A_1155 : vector<16xi32>
    %mul3A_1158 = arith.muli %add3A_1157, %select_n3A_1152 : vector<16xi32>
    %add3A_1159 = arith.constant 1 : i32
    %add3A_1160 = vector.broadcast %add3A_1159 : i32 to vector<16xi32>
    %add3A_1161 = arith.addi %mul3A_1158, %add3A_1160 : vector<16xi32>
    %swap3A_1162 = arith.constant 13 : i32
    %swap3A_1163 = arith.index_cast %swap3A_1162 : i32 to index
    %swap3A_1164 = arith.constant 16 : index
    %swap3A_1165 = tpu.vector_load %arg6[%swap3A_1163, %swap3A_1164] {strides = array<i32>} : memref<16x32xi32, #tpu.memory_space<vmem>>, vector<16xi32>,
    tpu.vector_store %arg6[%swap3A_1163, %swap3A_1164], %add3A_1161 {strides = array<i32>} : memref<16x32xi32, #tpu.memory_space<vmem>>, vector<16xi32>,
    %reduce_sum3A_1166 = arith.constant true
    %reduce_sum3A_1167 = vector.broadcast %reduce_sum3A_1166 : i1 to vector<16xi1>
    %reduce_sum3A_1168 = tpu.scan <sum>, %select_n3A_1152 masked %reduce_sum3A_1167 : vector<16xi32>, vector<16xi1> -> vector<16xi32>
    %reduce_sum3A_1169 = vector.extract %reduce_sum3A_1168[15] : i32 from vector<16xi32>
    %add3A_1170 = arith.addi %add3A_1140, %reduce_sum3A_1169 : i32
    %dma_wait3A_1171 = arith.constant 0 : i32
    %dma_wait3A_1172 = tpu.memref_slice %arg4[%add3A_938, %dma_wait3A_1171] : memref<16384x768xf32, #tpu.memory_space<hbm>> -> memref<32x768xf32, #tpu.memory_space<hbm>>
    %dma_wait3A_1173 = arith.constant 0 : i32
    %dma_wait3A_1174 = tpu.memref_slice %arg4[%add3A_938, %dma_wait3A_1173] : memref<16384x768xf32, #tpu.memory_space<hbm>> -> memref<32x768xf32, #tpu.memory_space<hbm>>
    tpu.wait_dma2 semaphore(%arg16 : memref<!tpu.dma_semaphore, #tpu.memory_space<semaphore_mem>>) src(%arg8 : memref<32x768xf32, #tpu.memory_space<vmem>>) dst(%dma_wait3A_1174 : memref<32x768xf32, #tpu.memory_space<hbm>>)
    %dma_start3A_1175 = arith.constant 13 : i32
    %dma_start3A_1176 = arith.constant 0 : i32
    %dma_start3A_1177 = tpu.memref_slice %arg6[%dma_start3A_1175, %dma_start3A_1176] : memref<16x32xi32, #tpu.memory_space<vmem>> -> memref<1x32xi32, #tpu.memory_space<vmem>>
    %dma_start3A_1178 = tpu.memref_squeeze %dma_start3A_1177 : memref<1x32xi32, #tpu.memory_space<vmem>> -> memref<32xi32, #tpu.memory_space<vmem>>
    %dma_start3A_1179 = arith.constant 0 : i32
    %dma_start3A_1180 = arith.constant 0 : i32
    %dma_start3A_1181 = tpu.memref_slice %arg3[%dma_start3A_1179, %dma_start3A_1180] : memref<4098x768xf32, #tpu.memory_space<hbm>> -> memref<4098x768xf32, #tpu.memory_space<hbm>>
    tpu.enqueue_indirect_dma source(%dma_start3A_1181 : memref<4098x768xf32, #tpu.memory_space<hbm>>) target(%arg8 : memref<32x768xf32, #tpu.memory_space<vmem>>) offsets(%dma_start3A_1178 : memref<32xi32, #tpu.memory_space<vmem>>) semaphore(%arg12 : memref<!tpu.dma_semaphore, #tpu.memory_space<semaphore_mem>>)
    %dma_wait3A_1182 = arith.constant 12 : i32
    %dma_wait3A_1183 = arith.constant 0 : i32
    %dma_wait3A_1184 = tpu.memref_slice %arg6[%dma_wait3A_1182, %dma_wait3A_1183] : memref<16x32xi32, #tpu.memory_space<vmem>> -> memref<1x32xi32, #tpu.memory_space<vmem>>
    %dma_wait3A_1185 = tpu.memref_squeeze %dma_wait3A_1184 : memref<1x32xi32, #tpu.memory_space<vmem>> -> memref<32xi32, #tpu.memory_space<vmem>>
    %dma_wait3A_1186 = arith.constant 0 : i32
    %dma_wait3A_1187 = arith.constant 0 : i32
    %dma_wait3A_1188 = tpu.memref_slice %arg3[%dma_wait3A_1186, %dma_wait3A_1187] : memref<4098x768xf32, #tpu.memory_space<hbm>> -> memref<4098x768xf32, #tpu.memory_space<hbm>>
    tpu.wait_indirect_dma semaphore(%arg11 : memref<!tpu.dma_semaphore, #tpu.memory_space<semaphore_mem>>) src(%dma_wait3A_1188 : memref<4098x768xf32, #tpu.memory_space<hbm>>) dst(%arg7 : memref<32x768xf32, #tpu.memory_space<vmem>>)
    %add3A_1189 = arith.constant 384 : i32
    %add3A_1190 = arith.addi %mul3A_50, %add3A_1189 : i32
    %dma_start3A_1191 = arith.constant 0 : i32
    %dma_start3A_1192 = tpu.memref_slice %arg4[%add3A_1190, %dma_start3A_1191] : memref<16384x768xf32, #tpu.memory_space<hbm>> -> memref<32x768xf32, #tpu.memory_space<hbm>>
    %dma_start3A_1193 = arith.constant 0 : i32
    %dma_start3A_1194 = tpu.memref_slice %arg4[%add3A_1190, %dma_start3A_1193] : memref<16384x768xf32, #tpu.memory_space<hbm>> -> memref<32x768xf32, #tpu.memory_space<hbm>>
    tpu.enqueue_dma source(%arg7 : memref<32x768xf32, #tpu.memory_space<vmem>>) target(%dma_start3A_1194 : memref<32x768xf32, #tpu.memory_space<hbm>>) target_semaphore(%arg15 : memref<!tpu.dma_semaphore, #tpu.memory_space<semaphore_mem>>)
    %add3A_1195 = arith.constant 448 : i32
    %add3A_1196 = arith.addi %mul3A_52, %add3A_1195 : i32
    %get3A_1197 = arith.index_cast %add3A_1196 : i32 to index
    %get3A_1198 = tpu.vector_load %arg5[%get3A_1197] {strides = array<i32>} : memref<4096xi32, #tpu.memory_space<vmem>>, vector<16xi32>,
    %eq3A_1199 = arith.constant 1 : i32
    %eq3A_1200 = vector.broadcast %eq3A_1199 : i32 to vector<16xi32>
    %eq3A_1201 = arith.cmpi eq, %get3A_1198, %eq3A_1200 : vector<16xi32>
    %jit3A_1202 = arith.constant 0 : i32
    %jit3A_1203 = arith.constant 1 : i32
    %broadcast_in_dim3A_1204 = vector.broadcast %jit3A_1202 : i32 to vector<16xi32>
    %broadcast_in_dim3A_1205 = vector.broadcast %jit3A_1203 : i32 to vector<16xi32>
    %select_n3A_1206 = arith.select %eq3A_1201, %broadcast_in_dim3A_1204, %broadcast_in_dim3A_1205 : vector<16xi1>, vector<16xi32>
    %broadcast_in_dim3A_1207 = arith.constant true
    %broadcast_in_dim3A_1208 = vector.broadcast %broadcast_in_dim3A_1207 : i1 to vector<16xi1>
    %masked_cumsum3A_1209 = tpu.scan <sum>, %select_n3A_1206 masked %broadcast_in_dim3A_1208 : vector<16xi32>, vector<16xi1> -> vector<16xi32>
    %add3A_1210 = vector.broadcast %add3A_1170 : i32 to vector<16xi32>
    %add3A_1211 = arith.addi %add3A_1210, %masked_cumsum3A_1209 : vector<16xi32>
    %mul3A_1212 = arith.muli %add3A_1211, %select_n3A_1206 : vector<16xi32>
    %add3A_1213 = arith.constant 1 : i32
    %add3A_1214 = vector.broadcast %add3A_1213 : i32 to vector<16xi32>
    %add3A_1215 = arith.addi %mul3A_1212, %add3A_1214 : vector<16xi32>
    %swap3A_1216 = arith.constant 14 : i32
    %swap3A_1217 = arith.index_cast %swap3A_1216 : i32 to index
    %swap3A_1218 = arith.constant 0 : index
    %swap3A_1219 = tpu.vector_load %arg6[%swap3A_1217, %swap3A_1218] {strides = array<i32>} : memref<16x32xi32, #tpu.memory_space<vmem>>, vector<16xi32>,
    tpu.vector_store %arg6[%swap3A_1217, %swap3A_1218], %add3A_1215 {strides = array<i32>} : memref<16x32xi32, #tpu.memory_space<vmem>>, vector<16xi32>,
    %reduce_sum3A_1220 = arith.constant true
    %reduce_sum3A_1221 = vector.broadcast %reduce_sum3A_1220 : i1 to vector<16xi1>
    %reduce_sum3A_1222 = tpu.scan <sum>, %select_n3A_1206 masked %reduce_sum3A_1221 : vector<16xi32>, vector<16xi1> -> vector<16xi32>
    %reduce_sum3A_1223 = vector.extract %reduce_sum3A_1222[15] : i32 from vector<16xi32>
    %add3A_1224 = arith.addi %add3A_1170, %reduce_sum3A_1223 : i32
    %add3A_1225 = arith.constant 464 : i32
    %add3A_1226 = arith.addi %mul3A_52, %add3A_1225 : i32
    %get3A_1227 = arith.index_cast %add3A_1226 : i32 to index
    %get3A_1228 = tpu.vector_load %arg5[%get3A_1227] {strides = array<i32>} : memref<4096xi32, #tpu.memory_space<vmem>>, vector<16xi32>,
    %eq3A_1229 = arith.constant 1 : i32
    %eq3A_1230 = vector.broadcast %eq3A_1229 : i32 to vector<16xi32>
    %eq3A_1231 = arith.cmpi eq, %get3A_1228, %eq3A_1230 : vector<16xi32>
    %jit3A_1232 = arith.constant 0 : i32
    %jit3A_1233 = arith.constant 1 : i32
    %broadcast_in_dim3A_1234 = vector.broadcast %jit3A_1232 : i32 to vector<16xi32>
    %broadcast_in_dim3A_1235 = vector.broadcast %jit3A_1233 : i32 to vector<16xi32>
    %select_n3A_1236 = arith.select %eq3A_1231, %broadcast_in_dim3A_1234, %broadcast_in_dim3A_1235 : vector<16xi1>, vector<16xi32>
    %broadcast_in_dim3A_1237 = arith.constant true
    %broadcast_in_dim3A_1238 = vector.broadcast %broadcast_in_dim3A_1237 : i1 to vector<16xi1>
    %masked_cumsum3A_1239 = tpu.scan <sum>, %select_n3A_1236 masked %broadcast_in_dim3A_1238 : vector<16xi32>, vector<16xi1> -> vector<16xi32>
    %add3A_1240 = vector.broadcast %add3A_1224 : i32 to vector<16xi32>
    %add3A_1241 = arith.addi %add3A_1240, %masked_cumsum3A_1239 : vector<16xi32>
    %mul3A_1242 = arith.muli %add3A_1241, %select_n3A_1236 : vector<16xi32>
    %add3A_1243 = arith.constant 1 : i32
    %add3A_1244 = vector.broadcast %add3A_1243 : i32 to vector<16xi32>
    %add3A_1245 = arith.addi %mul3A_1242, %add3A_1244 : vector<16xi32>
    %swap3A_1246 = arith.constant 14 : i32
    %swap3A_1247 = arith.index_cast %swap3A_1246 : i32 to index
    %swap3A_1248 = arith.constant 16 : index
    %swap3A_1249 = tpu.vector_load %arg6[%swap3A_1247, %swap3A_1248] {strides = array<i32>} : memref<16x32xi32, #tpu.memory_space<vmem>>, vector<16xi32>,
    tpu.vector_store %arg6[%swap3A_1247, %swap3A_1248], %add3A_1245 {strides = array<i32>} : memref<16x32xi32, #tpu.memory_space<vmem>>, vector<16xi32>,
    %reduce_sum3A_1250 = arith.constant true
    %reduce_sum3A_1251 = vector.broadcast %reduce_sum3A_1250 : i1 to vector<16xi1>
    %reduce_sum3A_1252 = tpu.scan <sum>, %select_n3A_1236 masked %reduce_sum3A_1251 : vector<16xi32>, vector<16xi1> -> vector<16xi32>
    %reduce_sum3A_1253 = vector.extract %reduce_sum3A_1252[15] : i32 from vector<16xi32>
    %add3A_1254 = arith.addi %add3A_1224, %reduce_sum3A_1253 : i32
    %dma_wait3A_1255 = arith.constant 0 : i32
    %dma_wait3A_1256 = tpu.memref_slice %arg4[%add3A_1022, %dma_wait3A_1255] : memref<16384x768xf32, #tpu.memory_space<hbm>> -> memref<32x768xf32, #tpu.memory_space<hbm>>
    %dma_wait3A_1257 = arith.constant 0 : i32
    %dma_wait3A_1258 = tpu.memref_slice %arg4[%add3A_1022, %dma_wait3A_1257] : memref<16384x768xf32, #tpu.memory_space<hbm>> -> memref<32x768xf32, #tpu.memory_space<hbm>>
    tpu.wait_dma2 semaphore(%arg17 : memref<!tpu.dma_semaphore, #tpu.memory_space<semaphore_mem>>) src(%arg9 : memref<32x768xf32, #tpu.memory_space<vmem>>) dst(%dma_wait3A_1258 : memref<32x768xf32, #tpu.memory_space<hbm>>)
    %dma_start3A_1259 = arith.constant 14 : i32
    %dma_start3A_1260 = arith.constant 0 : i32
    %dma_start3A_1261 = tpu.memref_slice %arg6[%dma_start3A_1259, %dma_start3A_1260] : memref<16x32xi32, #tpu.memory_space<vmem>> -> memref<1x32xi32, #tpu.memory_space<vmem>>
    %dma_start3A_1262 = tpu.memref_squeeze %dma_start3A_1261 : memref<1x32xi32, #tpu.memory_space<vmem>> -> memref<32xi32, #tpu.memory_space<vmem>>
    %dma_start3A_1263 = arith.constant 0 : i32
    %dma_start3A_1264 = arith.constant 0 : i32
    %dma_start3A_1265 = tpu.memref_slice %arg3[%dma_start3A_1263, %dma_start3A_1264] : memref<4098x768xf32, #tpu.memory_space<hbm>> -> memref<4098x768xf32, #tpu.memory_space<hbm>>
    tpu.enqueue_indirect_dma source(%dma_start3A_1265 : memref<4098x768xf32, #tpu.memory_space<hbm>>) target(%arg9 : memref<32x768xf32, #tpu.memory_space<vmem>>) offsets(%dma_start3A_1262 : memref<32xi32, #tpu.memory_space<vmem>>) semaphore(%arg13 : memref<!tpu.dma_semaphore, #tpu.memory_space<semaphore_mem>>)
    %dma_wait3A_1266 = arith.constant 13 : i32
    %dma_wait3A_1267 = arith.constant 0 : i32
    %dma_wait3A_1268 = tpu.memref_slice %arg6[%dma_wait3A_1266, %dma_wait3A_1267] : memref<16x32xi32, #tpu.memory_space<vmem>> -> memref<1x32xi32, #tpu.memory_space<vmem>>
    %dma_wait3A_1269 = tpu.memref_squeeze %dma_wait3A_1268 : memref<1x32xi32, #tpu.memory_space<vmem>> -> memref<32xi32, #tpu.memory_space<vmem>>
    %dma_wait3A_1270 = arith.constant 0 : i32
    %dma_wait3A_1271 = arith.constant 0 : i32
    %dma_wait3A_1272 = tpu.memref_slice %arg3[%dma_wait3A_1270, %dma_wait3A_1271] : memref<4098x768xf32, #tpu.memory_space<hbm>> -> memref<4098x768xf32, #tpu.memory_space<hbm>>
    tpu.wait_indirect_dma semaphore(%arg12 : memref<!tpu.dma_semaphore, #tpu.memory_space<semaphore_mem>>) src(%dma_wait3A_1272 : memref<4098x768xf32, #tpu.memory_space<hbm>>) dst(%arg8 : memref<32x768xf32, #tpu.memory_space<vmem>>)
    %add3A_1273 = arith.constant 416 : i32
    %add3A_1274 = arith.addi %mul3A_50, %add3A_1273 : i32
    %dma_start3A_1275 = arith.constant 0 : i32
    %dma_start3A_1276 = tpu.memref_slice %arg4[%add3A_1274, %dma_start3A_1275] : memref<16384x768xf32, #tpu.memory_space<hbm>> -> memref<32x768xf32, #tpu.memory_space<hbm>>
    %dma_start3A_1277 = arith.constant 0 : i32
    %dma_start3A_1278 = tpu.memref_slice %arg4[%add3A_1274, %dma_start3A_1277] : memref<16384x768xf32, #tpu.memory_space<hbm>> -> memref<32x768xf32, #tpu.memory_space<hbm>>
    tpu.enqueue_dma source(%arg8 : memref<32x768xf32, #tpu.memory_space<vmem>>) target(%dma_start3A_1278 : memref<32x768xf32, #tpu.memory_space<hbm>>) target_semaphore(%arg16 : memref<!tpu.dma_semaphore, #tpu.memory_space<semaphore_mem>>)
    %add3A_1279 = arith.constant 480 : i32
    %add3A_1280 = arith.addi %mul3A_52, %add3A_1279 : i32
    %get3A_1281 = arith.index_cast %add3A_1280 : i32 to index
    %get3A_1282 = tpu.vector_load %arg5[%get3A_1281] {strides = array<i32>} : memref<4096xi32, #tpu.memory_space<vmem>>, vector<16xi32>,
    %eq3A_1283 = arith.constant 1 : i32
    %eq3A_1284 = vector.broadcast %eq3A_1283 : i32 to vector<16xi32>
    %eq3A_1285 = arith.cmpi eq, %get3A_1282, %eq3A_1284 : vector<16xi32>
    %jit3A_1286 = arith.constant 0 : i32
    %jit3A_1287 = arith.constant 1 : i32
    %broadcast_in_dim3A_1288 = vector.broadcast %jit3A_1286 : i32 to vector<16xi32>
    %broadcast_in_dim3A_1289 = vector.broadcast %jit3A_1287 : i32 to vector<16xi32>
    %select_n3A_1290 = arith.select %eq3A_1285, %broadcast_in_dim3A_1288, %broadcast_in_dim3A_1289 : vector<16xi1>, vector<16xi32>
    %broadcast_in_dim3A_1291 = arith.constant true
    %broadcast_in_dim3A_1292 = vector.broadcast %broadcast_in_dim3A_1291 : i1 to vector<16xi1>
    %masked_cumsum3A_1293 = tpu.scan <sum>, %select_n3A_1290 masked %broadcast_in_dim3A_1292 : vector<16xi32>, vector<16xi1> -> vector<16xi32>
    %add3A_1294 = vector.broadcast %add3A_1254 : i32 to vector<16xi32>
    %add3A_1295 = arith.addi %add3A_1294, %masked_cumsum3A_1293 : vector<16xi32>
    %mul3A_1296 = arith.muli %add3A_1295, %select_n3A_1290 : vector<16xi32>
    %add3A_1297 = arith.constant 1 : i32
    %add3A_1298 = vector.broadcast %add3A_1297 : i32 to vector<16xi32>
    %add3A_1299 = arith.addi %mul3A_1296, %add3A_1298 : vector<16xi32>
    %swap3A_1300 = arith.constant 15 : i32
    %swap3A_1301 = arith.index_cast %swap3A_1300 : i32 to index
    %swap3A_1302 = arith.constant 0 : index
    %swap3A_1303 = tpu.vector_load %arg6[%swap3A_1301, %swap3A_1302] {strides = array<i32>} : memref<16x32xi32, #tpu.memory_space<vmem>>, vector<16xi32>,
    tpu.vector_store %arg6[%swap3A_1301, %swap3A_1302], %add3A_1299 {strides = array<i32>} : memref<16x32xi32, #tpu.memory_space<vmem>>, vector<16xi32>,
    %reduce_sum3A_1304 = arith.constant true
    %reduce_sum3A_1305 = vector.broadcast %reduce_sum3A_1304 : i1 to vector<16xi1>
    %reduce_sum3A_1306 = tpu.scan <sum>, %select_n3A_1290 masked %reduce_sum3A_1305 : vector<16xi32>, vector<16xi1> -> vector<16xi32>
    %reduce_sum3A_1307 = vector.extract %reduce_sum3A_1306[15] : i32 from vector<16xi32>
    %add3A_1308 = arith.addi %add3A_1254, %reduce_sum3A_1307 : i32
    %add3A_1309 = arith.constant 496 : i32
    %add3A_1310 = arith.addi %mul3A_52, %add3A_1309 : i32
    %get3A_1311 = arith.index_cast %add3A_1310 : i32 to index
    %get3A_1312 = tpu.vector_load %arg5[%get3A_1311] {strides = array<i32>} : memref<4096xi32, #tpu.memory_space<vmem>>, vector<16xi32>,
    %eq3A_1313 = arith.constant 1 : i32
    %eq3A_1314 = vector.broadcast %eq3A_1313 : i32 to vector<16xi32>
    %eq3A_1315 = arith.cmpi eq, %get3A_1312, %eq3A_1314 : vector<16xi32>
    %jit3A_1316 = arith.constant 0 : i32
    %jit3A_1317 = arith.constant 1 : i32
    %broadcast_in_dim3A_1318 = vector.broadcast %jit3A_1316 : i32 to vector<16xi32>
    %broadcast_in_dim3A_1319 = vector.broadcast %jit3A_1317 : i32 to vector<16xi32>
    %select_n3A_1320 = arith.select %eq3A_1315, %broadcast_in_dim3A_1318, %broadcast_in_dim3A_1319 : vector<16xi1>, vector<16xi32>
    %broadcast_in_dim3A_1321 = arith.constant true
    %broadcast_in_dim3A_1322 = vector.broadcast %broadcast_in_dim3A_1321 : i1 to vector<16xi1>
    %masked_cumsum3A_1323 = tpu.scan <sum>, %select_n3A_1320 masked %broadcast_in_dim3A_1322 : vector<16xi32>, vector<16xi1> -> vector<16xi32>
    %add3A_1324 = vector.broadcast %add3A_1308 : i32 to vector<16xi32>
    %add3A_1325 = arith.addi %add3A_1324, %masked_cumsum3A_1323 : vector<16xi32>
    %mul3A_1326 = arith.muli %add3A_1325, %select_n3A_1320 : vector<16xi32>
    %add3A_1327 = arith.constant 1 : i32
    %add3A_1328 = vector.broadcast %add3A_1327 : i32 to vector<16xi32>
    %add3A_1329 = arith.addi %mul3A_1326, %add3A_1328 : vector<16xi32>
    %swap3A_1330 = arith.constant 15 : i32
    %swap3A_1331 = arith.index_cast %swap3A_1330 : i32 to index
    %swap3A_1332 = arith.constant 16 : index
    %swap3A_1333 = tpu.vector_load %arg6[%swap3A_1331, %swap3A_1332] {strides = array<i32>} : memref<16x32xi32, #tpu.memory_space<vmem>>, vector<16xi32>,
    tpu.vector_store %arg6[%swap3A_1331, %swap3A_1332], %add3A_1329 {strides = array<i32>} : memref<16x32xi32, #tpu.memory_space<vmem>>, vector<16xi32>,
    %reduce_sum3A_1334 = arith.constant true
    %reduce_sum3A_1335 = vector.broadcast %reduce_sum3A_1334 : i1 to vector<16xi1>
    %reduce_sum3A_1336 = tpu.scan <sum>, %select_n3A_1320 masked %reduce_sum3A_1335 : vector<16xi32>, vector<16xi1> -> vector<16xi32>
    %reduce_sum3A_1337 = vector.extract %reduce_sum3A_1336[15] : i32 from vector<16xi32>
    %add3A_1338 = arith.addi %add3A_1308, %reduce_sum3A_1337 : i32
    %dma_wait3A_1339 = arith.constant 0 : i32
    %dma_wait3A_1340 = tpu.memref_slice %arg4[%add3A_1106, %dma_wait3A_1339] : memref<16384x768xf32, #tpu.memory_space<hbm>> -> memref<32x768xf32, #tpu.memory_space<hbm>>
    %dma_wait3A_1341 = arith.constant 0 : i32
    %dma_wait3A_1342 = tpu.memref_slice %arg4[%add3A_1106, %dma_wait3A_1341] : memref<16384x768xf32, #tpu.memory_space<hbm>> -> memref<32x768xf32, #tpu.memory_space<hbm>>
    tpu.wait_dma2 semaphore(%arg18 : memref<!tpu.dma_semaphore, #tpu.memory_space<semaphore_mem>>) src(%arg10 : memref<32x768xf32, #tpu.memory_space<vmem>>) dst(%dma_wait3A_1342 : memref<32x768xf32, #tpu.memory_space<hbm>>)
    %dma_start3A_1343 = arith.constant 15 : i32
    %dma_start3A_1344 = arith.constant 0 : i32
    %dma_start3A_1345 = tpu.memref_slice %arg6[%dma_start3A_1343, %dma_start3A_1344] : memref<16x32xi32, #tpu.memory_space<vmem>> -> memref<1x32xi32, #tpu.memory_space<vmem>>
    %dma_start3A_1346 = tpu.memref_squeeze %dma_start3A_1345 : memref<1x32xi32, #tpu.memory_space<vmem>> -> memref<32xi32, #tpu.memory_space<vmem>>
    %dma_start3A_1347 = arith.constant 0 : i32
    %dma_start3A_1348 = arith.constant 0 : i32
    %dma_start3A_1349 = tpu.memref_slice %arg3[%dma_start3A_1347, %dma_start3A_1348] : memref<4098x768xf32, #tpu.memory_space<hbm>> -> memref<4098x768xf32, #tpu.memory_space<hbm>>
    tpu.enqueue_indirect_dma source(%dma_start3A_1349 : memref<4098x768xf32, #tpu.memory_space<hbm>>) target(%arg10 : memref<32x768xf32, #tpu.memory_space<vmem>>) offsets(%dma_start3A_1346 : memref<32xi32, #tpu.memory_space<vmem>>) semaphore(%arg14 : memref<!tpu.dma_semaphore, #tpu.memory_space<semaphore_mem>>)
    %dma_wait3A_1350 = arith.constant 14 : i32
    %dma_wait3A_1351 = arith.constant 0 : i32
    %dma_wait3A_1352 = tpu.memref_slice %arg6[%dma_wait3A_1350, %dma_wait3A_1351] : memref<16x32xi32, #tpu.memory_space<vmem>> -> memref<1x32xi32, #tpu.memory_space<vmem>>
    %dma_wait3A_1353 = tpu.memref_squeeze %dma_wait3A_1352 : memref<1x32xi32, #tpu.memory_space<vmem>> -> memref<32xi32, #tpu.memory_space<vmem>>
    %dma_wait3A_1354 = arith.constant 0 : i32
    %dma_wait3A_1355 = arith.constant 0 : i32
    %dma_wait3A_1356 = tpu.memref_slice %arg3[%dma_wait3A_1354, %dma_wait3A_1355] : memref<4098x768xf32, #tpu.memory_space<hbm>> -> memref<4098x768xf32, #tpu.memory_space<hbm>>
    tpu.wait_indirect_dma semaphore(%arg13 : memref<!tpu.dma_semaphore, #tpu.memory_space<semaphore_mem>>) src(%dma_wait3A_1356 : memref<4098x768xf32, #tpu.memory_space<hbm>>) dst(%arg9 : memref<32x768xf32, #tpu.memory_space<vmem>>)
    %add3A_1357 = arith.constant 448 : i32
    %add3A_1358 = arith.addi %mul3A_50, %add3A_1357 : i32
    %dma_start3A_1359 = arith.constant 0 : i32
    %dma_start3A_1360 = tpu.memref_slice %arg4[%add3A_1358, %dma_start3A_1359] : memref<16384x768xf32, #tpu.memory_space<hbm>> -> memref<32x768xf32, #tpu.memory_space<hbm>>
    %dma_start3A_1361 = arith.constant 0 : i32
    %dma_start3A_1362 = tpu.memref_slice %arg4[%add3A_1358, %dma_start3A_1361] : memref<16384x768xf32, #tpu.memory_space<hbm>> -> memref<32x768xf32, #tpu.memory_space<hbm>>
    tpu.enqueue_dma source(%arg9 : memref<32x768xf32, #tpu.memory_space<vmem>>) target(%dma_start3A_1362 : memref<32x768xf32, #tpu.memory_space<hbm>>) target_semaphore(%arg17 : memref<!tpu.dma_semaphore, #tpu.memory_space<semaphore_mem>>)
    %dma_wait3A_1363 = arith.constant 15 : i32
    %dma_wait3A_1364 = arith.constant 0 : i32
    %dma_wait3A_1365 = tpu.memref_slice %arg6[%dma_wait3A_1363, %dma_wait3A_1364] : memref<16x32xi32, #tpu.memory_space<vmem>> -> memref<1x32xi32, #tpu.memory_space<vmem>>
    %dma_wait3A_1366 = tpu.memref_squeeze %dma_wait3A_1365 : memref<1x32xi32, #tpu.memory_space<vmem>> -> memref<32xi32, #tpu.memory_space<vmem>>
    %dma_wait3A_1367 = arith.constant 0 : i32
    %dma_wait3A_1368 = arith.constant 0 : i32
    %dma_wait3A_1369 = tpu.memref_slice %arg3[%dma_wait3A_1367, %dma_wait3A_1368] : memref<4098x768xf32, #tpu.memory_space<hbm>> -> memref<4098x768xf32, #tpu.memory_space<hbm>>
    tpu.wait_indirect_dma semaphore(%arg14 : memref<!tpu.dma_semaphore, #tpu.memory_space<semaphore_mem>>) src(%dma_wait3A_1369 : memref<4098x768xf32, #tpu.memory_space<hbm>>) dst(%arg10 : memref<32x768xf32, #tpu.memory_space<vmem>>)
    %add3A_1370 = arith.constant 480 : i32
    %add3A_1371 = arith.addi %mul3A_50, %add3A_1370 : i32
    %dma_start3A_1372 = arith.constant 0 : i32
    %dma_start3A_1373 = tpu.memref_slice %arg4[%add3A_1371, %dma_start3A_1372] : memref<16384x768xf32, #tpu.memory_space<hbm>> -> memref<32x768xf32, #tpu.memory_space<hbm>>
    %dma_start3A_1374 = arith.constant 0 : i32
    %dma_start3A_1375 = tpu.memref_slice %arg4[%add3A_1371, %dma_start3A_1374] : memref<16384x768xf32, #tpu.memory_space<hbm>> -> memref<32x768xf32, #tpu.memory_space<hbm>>
    tpu.enqueue_dma source(%arg10 : memref<32x768xf32, #tpu.memory_space<vmem>>) target(%dma_start3A_1375 : memref<32x768xf32, #tpu.memory_space<hbm>>) target_semaphore(%arg18 : memref<!tpu.dma_semaphore, #tpu.memory_space<semaphore_mem>>)
    %dma_wait3A_1376 = arith.constant 0 : i32
    %dma_wait3A_1377 = tpu.memref_slice %arg4[%add3A_1190, %dma_wait3A_1376] : memref<16384x768xf32, #tpu.memory_space<hbm>> -> memref<32x768xf32, #tpu.memory_space<hbm>>
    %dma_wait3A_1378 = arith.constant 0 : i32
    %dma_wait3A_1379 = tpu.memref_slice %arg4[%add3A_1190, %dma_wait3A_1378] : memref<16384x768xf32, #tpu.memory_space<hbm>> -> memref<32x768xf32, #tpu.memory_space<hbm>>
    tpu.wait_dma2 semaphore(%arg15 : memref<!tpu.dma_semaphore, #tpu.memory_space<semaphore_mem>>) src(%arg7 : memref<32x768xf32, #tpu.memory_space<vmem>>) dst(%dma_wait3A_1379 : memref<32x768xf32, #tpu.memory_space<hbm>>)
    %dma_wait3A_1380 = arith.constant 0 : i32
    %dma_wait3A_1381 = tpu.memref_slice %arg4[%add3A_1274, %dma_wait3A_1380] : memref<16384x768xf32, #tpu.memory_space<hbm>> -> memref<32x768xf32, #tpu.memory_space<hbm>>
    %dma_wait3A_1382 = arith.constant 0 : i32
    %dma_wait3A_1383 = tpu.memref_slice %arg4[%add3A_1274, %dma_wait3A_1382] : memref<16384x768xf32, #tpu.memory_space<hbm>> -> memref<32x768xf32, #tpu.memory_space<hbm>>
    tpu.wait_dma2 semaphore(%arg16 : memref<!tpu.dma_semaphore, #tpu.memory_space<semaphore_mem>>) src(%arg8 : memref<32x768xf32, #tpu.memory_space<vmem>>) dst(%dma_wait3A_1383 : memref<32x768xf32, #tpu.memory_space<hbm>>)
    %dma_wait3A_1384 = arith.constant 0 : i32
    %dma_wait3A_1385 = tpu.memref_slice %arg4[%add3A_1358, %dma_wait3A_1384] : memref<16384x768xf32, #tpu.memory_space<hbm>> -> memref<32x768xf32, #tpu.memory_space<hbm>>
    %dma_wait3A_1386 = arith.constant 0 : i32
    %dma_wait3A_1387 = tpu.memref_slice %arg4[%add3A_1358, %dma_wait3A_1386] : memref<16384x768xf32, #tpu.memory_space<hbm>> -> memref<32x768xf32, #tpu.memory_space<hbm>>
    tpu.wait_dma2 semaphore(%arg17 : memref<!tpu.dma_semaphore, #tpu.memory_space<semaphore_mem>>) src(%arg9 : memref<32x768xf32, #tpu.memory_space<vmem>>) dst(%dma_wait3A_1387 : memref<32x768xf32, #tpu.memory_space<hbm>>)
    %dma_wait3A_1388 = arith.constant 0 : i32
    %dma_wait3A_1389 = tpu.memref_slice %arg4[%add3A_1371, %dma_wait3A_1388] : memref<16384x768xf32, #tpu.memory_space<hbm>> -> memref<32x768xf32, #tpu.memory_space<hbm>>
    %dma_wait3A_1390 = arith.constant 0 : i32
    %dma_wait3A_1391 = tpu.memref_slice %arg4[%add3A_1371, %dma_wait3A_1390] : memref<16384x768xf32, #tpu.memory_space<hbm>> -> memref<32x768xf32, #tpu.memory_space<hbm>>
    tpu.wait_dma2 semaphore(%arg18 : memref<!tpu.dma_semaphore, #tpu.memory_space<semaphore_mem>>) src(%arg10 : memref<32x768xf32, #tpu.memory_space<vmem>>) dst(%dma_wait3A_1391 : memref<32x768xf32, #tpu.memory_space<hbm>>)
    return
  }
}

</mosaic_0001>

<sc_bundles>
// kernel: _sc_gather.3.cloned.1.call-start
scs
__scs_entry_jumppad:
0x0: {  	(pc) =	sbr.rel $0x88, $3  }
0x1: {  	(tag) =	ssettag $0x0;
	lr =	simm.s32 $0x1  }
0x2: {  	[smem:$0x3F9F] =	sst lr;
	_ =	strace $0xD0000000  }
0x3: {  	_ = 	snop  }
0x4: {  	_ = 	snop  }
0x5: {  	_ = 	snop  }
0x6: {  	_ = 	snop  }
0x7: {  	_ = 	snop  }
__scs_overlays_trampoline_lowered:
0x8: {  	[smem:$0x3FAE] =	sst s0  }
0x9: {  	[smem:$0x3FAF] =	sst s1  }
0xa: {  	[smem:$0x3FB0] =	sst s2  }
0xb: {  	[smem:$0x3FB1] =	sst s3  }
0xc: {  	[smem:$0x3FB2] =	sst s4  }
0xd: {  	[smem:$0x3FB3] =	sst s5  }
0xe: {  	[smem:$0x3FB4] =	sst s6  }
0xf: {  	[smem:$0x3FB5] =	sst s7  }
0x10: {  	[smem:$0x3FB6] =	sst s8  }
0x11: {  	[smem:$0x3FB7] =	sst s9;
	s0 =	simm.s32 @!p0 $0x0  }
0x12: {  	s1 =	sld [smem:$0x3F9D];
	s0 =	simm.s32 @p0 $0x1  }
0x13: {  	[smem:$0x3FB8] =	sst s0;
	s0 =	simm.s32 @!p1 $0x0  }
0x14: {  	s2 =	sld [smem:$0x3F9C];
	s0 =	simm.s32 @p1 $0x1  }
0x15: {  	[smem:$0x3FB9] =	sst s0;
	s0 =	simm.s32 @!p2 $0x0  }
0x16: {  	s3 =	sld [smem:$0x3FDB];
	s0 =	simm.s32 @p2 $0x1  }
0x17: {  	s4 =	simm.s32 $0x1BF5;
	[smem:$0x3FBB] =	sst s0  }
0x18: {  	s0 =	sld [smem:$0x3F9E];
	_ =	swait.ge [sflag:s4], $0x0  }
0x19: {  	s7 =	sld [smem:$0x3F9F]  }
0x1a: {  	s8 =	sadd.s32 $0xFFFFE003, lr  }
0x1b: {  	s9 =	sadd.s32 $0xFFFFFEF7, lr;
	s5 =	simm.s32 $0xFFFFFFFF;
	p2 =	slt.u32 s8, $0xFFFFF086  }
0x1c: {  	p1 =	slt.u32 s9, $0xF7A;
	s5 =	simm.s32 @!p2 $0x0  }
0x1d: {  	s5 =	simm.s32 @p1 $0x1;
	p0 =	seq.s32 s7, s2  }
0x1e: {  	s7 =	smul.u32 @!p0 $0xF7A, s2;
	p2 =	seq.s32 @!p0 s5, $0x0  }
0x1f: {  	s9 =	smul.u32 $0xF7A, s1;
	s8 =	simm.s32 @!p0 $0x1BF5;
	p2 =	por !p2, p0  }
0x20: {  	[sflag:s8] =	ssyncset.s32 @!p0 $0xFFFFF086;
	s6 =	sadd.s32 @!p0 s3, s7;
	s7 =	simm.s32 @!p0 $0x108  }
0x21: {  	s3 =	sadd.s32 s3, s9;
	s6 =	sadd.s32 @!p0 $0x88, s6;
	s7 =	simm.s32 @p2 $0x1082  }
0x22: {  	[simem:s7], [sflag:s8] =	dma.local @!p0 [hbm:s6], $0xF7A  }
0x23: {  	s9 =	sor.u32 $0xD0000000, s2;
	s6 =	simm.s32 $0x108;
	_ =	swait.ge @!p0 [sflag:s8], $0x0  }
0x24: {  	s3 =	sadd.s32 $0x88, s3;
	s6 =	simm.s32 @!p1 $0x1082;
	[sflag:s4] =	ssyncset.s32 $0xFFFFF086  }
0x25: {  	[simem:s6], [sflag:s4] =	dma.local [hbm:s3], $0xF7A  }
0x26: {  	[smem:$0x3F9F] =	sst s1;
	(tag) =	ssettag s2;
	_ =	strace s9  }
0x27: {  	s1 =	sld [smem:$0x3FAF]  }
0x28: {  	s2 =	sld [smem:$0x3FB0]  }
0x29: {  	s4 =	sld [smem:$0x3FB2]  }
0x2a: {  	p0 =	seq.s32 s5, $0x0;
	s5 =	sld [smem:$0x3FB3]  }
0x2b: {  	s6 =	sld [smem:$0x3FB4]  }
0x2c: {  	s7 =	sld [smem:$0x3FB5]  }
0x2d: {  	s3 =	simm.s32 $0x108;
	s8 =	sld [smem:$0x3FB6]  }
0x2e: {  	s3 =	simm.s32 @!p0 $0x1082;
	s9 =	sld [smem:$0x3FB7]  }
0x2f: {  	lr =	sadd.s32 s0, s3;
	s0 =	sld [smem:$0x3FAE]  }
0x30: {  	s3 =	sld [smem:$0x3FB1]  }
0x31: {  	[smem:$0x3FBA] =	sst s10  }
0x32: {  	s10 =	sld [smem:$0x3FB8];
	_ =	sdelay $0x3  }
0x33: {  	p0 =	seq.s32 s10, $0x1;
	s10 =	sld [smem:$0x3FBA];
	_ =	sdelay $0x3  }
0x34: {  	[smem:$0x3FBA] =	sst s10  }
0x35: {  	s10 =	sld [smem:$0x3FB9];
	_ =	sdelay $0x3  }
0x36: {  	p1 =	seq.s32 s10, $0x1;
	s10 =	sld [smem:$0x3FBA];
	_ =	sdelay $0x3  }
0x37: {  	[smem:$0x3FBA] =	sst s10  }
0x38: {  	s10 =	sld [smem:$0x3FBB]  }
0x39: {  	_ = 	snop;
	(pc) =	sbr.ind lr, $3  }
0x3a: {  	_ = 	snop  }
0x3b: {  	_ = 	snop  }
0x3c: {  	p2 =	seq.s32 s10, $0x1;
	s10 =	sld [smem:$0x3FBA]  }
0x3d: {  	_ =	shalt  }
0x3e: {  	_ =	shalt  }
0x3f: {  	_ =	shalt  }
0x40: {  	_ =	shalt  }
0x41: {  	_ =	shalt  }
0x42: {  	_ =	shalt  }
0x43: {  	_ =	shalt  }
0x44: {  	_ =	shalt  }
0x45: {  	_ =	shalt  }
0x46: {  	_ =	shalt  }
0x47: {  	_ =	shalt  }
0x48: {  	_ =	shalt  }
0x49: {  	_ =	shalt  }
0x4a: {  	_ =	shalt  }
0x4b: {  	_ =	shalt  }
0x4c: {  	_ =	shalt  }
0x4d: {  	_ =	shalt  }
0x4e: {  	_ =	shalt  }
0x4f: {  	_ =	shalt  }
0x50: {  	_ =	shalt  }
0x51: {  	_ =	shalt  }
0x52: {  	_ =	shalt  }
0x53: {  	_ =	shalt  }
0x54: {  	_ =	shalt  }
0x55: {  	_ =	shalt  }
0x56: {  	_ =	shalt  }
0x57: {  	_ =	shalt  }
0x58: {  	_ =	shalt  }
0x59: {  	_ =	shalt  }
0x5a: {  	_ =	shalt  }
0x5b: {  	_ =	shalt  }
0x5c: {  	_ =	shalt  }
0x5d: {  	_ =	shalt  }
0x5e: {  	_ =	shalt  }
0x5f: {  	_ =	shalt  }
0x60: {  	_ =	shalt  }
0x61: {  	_ =	shalt  }
0x62: {  	_ =	shalt  }
0x63: {  	_ =	shalt  }
0x64: {  	_ =	shalt  }
0x65: {  	_ =	shalt  }
0x66: {  	_ =	shalt  }
0x67: {  	_ =	shalt  }
0x68: {  	_ =	shalt  }
0x69: {  	_ =	shalt  }
0x6a: {  	_ =	shalt  }
0x6b: {  	_ =	shalt  }
0x6c: {  	_ =	shalt  }
0x6d: {  	_ =	shalt  }
0x6e: {  	_ =	shalt  }
0x6f: {  	_ =	shalt  }
0x70: {  	_ =	shalt  }
0x71: {  	_ =	shalt  }
0x72: {  	_ =	shalt  }
0x73: {  	_ =	shalt  }
0x74: {  	_ =	shalt  }
0x75: {  	_ =	shalt  }
0x76: {  	_ =	shalt  }
0x77: {  	_ =	shalt  }
0x78: {  	_ =	shalt  }
0x79: {  	_ =	shalt  }
0x7a: {  	_ =	shalt  }
0x7b: {  	_ =	shalt  }
0x7c: {  	_ =	shalt  }
0x7d: {  	_ =	shalt  }
0x7e: {  	_ =	shalt  }
0x7f: {  	_ =	shalt  }
0x80: {  	_ =	shalt  }
0x81: {  	_ =	shalt  }
0x82: {  	_ =	shalt  }
0x83: {  	_ =	shalt  }
0x84: {  	_ =	shalt  }
0x85: {  	_ =	shalt  }
0x86: {  	_ =	shalt  }
0x87: {  	_ =	shalt  }
.Lfunc_end0:
.L_simem_size_0:
called_computation_lowered:
.L_overlay_start_0:
0x88: {  	s2 =	sld [smem:$0x3FD9]  }
0x89: {  	s3 =	sld [smem:$0x3FFE];
	_ =	sdelay $0x1  }
0x8a: {  	s1 =	srdreg.scid  }
0x8b: {  	s0 =	sand.u32 $0x1, s1  }
0x8c: {  	s18 =	sshll.u32 s0, $0xA;
	s2 =	sadd.s32 s3, s2  }
0x8d: {  	s2 =	sadd.s32 s2, s18  }
0x8e: {  	[smem:$0x3FC6] =	sst s2  }
0x8f: {  	_ = 	snop  }
0x90: {  	s2 =	sld [smem:$0x3FC9]  }
0x91: {  	s19 =	sld [smem:$0x3FC8]  }
0x92: {  	s4 =	sld [smem:$0x3FD0];
	(tm) =	ssettm $0x1  }
0x93: {  	s5 =	sld [smem:$0x3FFB];
	_ =	sdelay $0x3  }
0x94: {  	_ =	strace s5  }
0x95: {  	s5 =	sld [smem:$0x3FFC];
	_ =	sdelay $0x3  }
0x96: {  	_ =	strace s5  }
0x97: {  	s5 =	sld [smem:$0x3FFD];
	_ =	sdelay $0x3  }
0x98: {  	_ =	strace s5  }
0x99: {  	_ =	strace $0x8FFFFFFF  }
0x9a: {  	s20 =	sld [smem:$0x3FDB];
	_ =	sdelay $0x1  }
0x9b: {  	s6 =	simm.s32 $_scs_section_size  }
0x9c: {  	s7 =	simm.s32 $_size__tile_overlayer_lowered;
	s8 =	simm.s32 $_tile_overlayer_lowered  }
0x9d: {  	s23 =	simm.s32 $0x1BFF;
	s22 =	sshll.u32 s8, $0x1;
	s5 =	sadd.s32 s6, s20  }
0x9e: {  	s9 =	simm.s32 $0x0;
	s21 =	sshll.u32 s7, $0x1;
	s7 =	sadd.s32 s22, s5  }
0x9f: {  	[timem:s9], [sflag:s23] =	dma.local [hbm:s7], s21  }
0xa0: {  	_ =	swait.ge [sflag:s23], s21  }
0xa1: {  	s6 =	ssub.s32 $0x0, s21;
	[sflag:s23] =	ssyncset.done $0x0  }
0xa2: {  	[sflag:s23] =	ssyncadd.s32 s6;
	_ =	sdelay $0x1  }
0xa3: {  	s24 =	simm.s32 $0x1B8B  }
0xa4: {  	_ =	swait.ge [sflag:s24], $0x1  }
0xa5: {  	[sflag:s24] =	ssyncset.done $0x0  }
0xa6: {  	s25 =	simm.s32 $0x1B8E;
	[sflag:s24] =	ssyncadd.s32 $0xFFFFFFFF  }
0xa7: {  	s26 =	simm.s32 $execute0_lowered;
	[smem:$0x3FD2] =	sst s25  }
0xa8: {  	s6 =	sshll.u32 s26, $0x1;
	_ =	strace $0x80000046;
	[dreg:$0x1] =	wrdreg $0xFFFFFFFF  }
0xa9: {  	s28 =	simm.s32 $_size_execute0_lowered;
	s5 =	sadd.s32 s5, s6;
	[dreg:$0x0] =	wrdreg $0x0  }
0xaa: {  	s6 =	sshll.u32 s28, $0x1;
	[dreg:$0x2] =	wrdreg s5  }
0xab: {  	[dreg:$0x3] =	wrdreg s6  }
0xac: {  	[dreg:$0x4] =	wrdreg $0xC0  }
0xad: {  	_ =	task [dreg:s9], $0x5FFFF  }
0xae: {  	[dreg:$0x1] =	wrdreg $0xFFFFFFFF  }
0xaf: {  	[dreg:$0x0] =	wrdreg $0x60  }
0xb0: {  	[dreg:$0x2] =	wrdreg s2  }
0xb1: {  	[dreg:$0x3] =	wrdreg s19  }
0xb2: {  	[dreg:$0x4] =	wrdreg s4  }
0xb3: {  	[dreg:$0x5] =	wrdreg $0x9  }
0xb4: {  	_ =	task.clear_ibuf [dreg:s9], $0x6FFFF;
	_ =	strace $0x90000046  }
0xb5: {  	s29 =	simm.s32 $0x9;
	_ =	strace $0x80000048  }
0xb6: {  	_ =	swait.ge [sflag:s29], $0x1  }
0xb7: {  	[sflag:s29] =	ssyncadd.s32 $0xFFFFFFFF  }
0xb8: {  	_ =	strace $0x90000048  }
0xb9: {  	_ =	sfence  }
0xba: {  	s30 =	sld [smem:$0x0];
	_ =	sdelay $0x2  }
0xbb: {  	s31 =	sshll.u32 s1, $0xD;
	s1 =	sshrl.u32 s1, $0x2  }
0xbc: {  	s3 =	sand.u32 $0x4000, s31;
	s1 =	sadd.s32 s1, s30  }
0xbd: {  	s0 =	sor.u32 s3, s0;
	s1 =	sshll.u32 s1, $0x11  }
0xbe: {  	s0 =	sor.u32 s1, s0  }
0xbf: {  	s0 =	sadd.s32 $0x8F2B, s0  }
0xc0: {  	[sflag:s0] =	ssyncadd.remote.s32 $0x1  }
0xc1: {  	_ =	sfence.sel $0xFFFF  }
0xc2: {  	[dreg:$0x0] =	wrdreg $0xFFFFFFFF;
	(pc) =	sbr.abs _section_cstart, $3  }
0xc3: {  	[dreg:$0x1] =	wrdreg $0xFFFFFFFF  }
0xc4: {  	_ =	task.clear_ibuf [dreg:s9], $0x2FFFF;
	_ =	strace $0x9FFFFFFF  }
0xc5: {  	(tm) =	ssettm $0x7FFFFFFF  }
tec
execute0_lowered:
.L_overlay_start_1:
0x0: {  	(tag) =	ssettag $0x1  }
0x1: {  	s0 =	rddreg [dreg:$0x0]  }
0x2: {  	s1 =	rddreg [dreg:$0x1];
	s4 =	srdreg.scid  }
0x3: {  	s2 =	rddreg [dreg:$0x2];
	s11 =	stileid.u32;
	s4 =	sand.u32 $0x1, s4  }
0x4: {  	s3 =	simm.s32 $0x0;
	s7 =	sshll.u32 s11, $0x1;
	s5 =	ssub.s32 $0x2, s4  }
0x5: {  	s13 =	sshll.u32 s11, $0x7;
	s12 =	sor.u32 s4, s7;
	s6 =	sshrl.u32 s5, $0x1  }
0x6: {  	s10 =	smul.u32 $0xC000, s12;
	s8 =	ssub.s32 s5, s6;
	s5 =	sand.u32 $0x600, s13  }
0x7: {  	[smem:$0x7FF] =	sst s3;
	s0 =	sadd.s32 s0, s5  }
0x8: {  	_ =	strace $0x80000047;
	s10 =	sadd.s32 s2, s10;
	[dreg:$0x4] =	wrdreg s0  }
0x9: {  	s9 =	sand.u32 $0x7, s12;
	s30 =	smax.u32 s8, $0x1;
	[dreg:$0x5] =	wrdreg s10  }
0xa: {  	s14 =	smul.u32 $0x60000, s12;
	s12 =	sadd.s32 $0xC00, s10;
	[dreg:$0x16] =	wrdreg s30  }
0xb: {  	s31 =	simm.s32 $0x2;
	s15 =	sadd.s32 $0x1800, s10;
	[dreg:$0x6] =	wrdreg s12  }
0xc: {  	s23 =	sand.u32 $0x3, s11;
	s16 =	sadd.s32 $0x2400, s10;
	[dreg:$0x7] =	wrdreg s15  }
0xd: {  	s0 =	sshrl.u32 s14, $0x3;
	s17 =	sadd.s32 $0x3000, s10;
	[dreg:$0x8] =	wrdreg s16  }
0xe: {  	s18 =	sadd.s32 $0x3C00, s10;
	[dreg:$0x9] =	wrdreg s17;
	s0 =	sadd.s32 s2, s0  }
0xf: {  	s11 =	simm.s32 $0x0;
	[dreg:$0xa] =	wrdreg s18;
	s19 =	sadd.s32 $0x4800, s0  }
0x10: {  	s7 =	sadd.s32 $0x200, s1;
	s20 =	sadd.s32 $0x5400, s0;
	[dreg:$0xb] =	wrdreg s19  }
0x11: {  	s4 =	sshll.u32 s4, $0x3;
	s21 =	sadd.s32 $0x6000, s0;
	[dreg:$0xc] =	wrdreg s20  }
0x12: {  	s6 =	sadd.s32 $0x100, s1;
	s22 =	sadd.s32 $0x6C00, s0;
	[dreg:$0xd] =	wrdreg s21  }
0x13: {  	p0 =	seq.s32 s9, $0x0;
	s24 =	sadd.s32 $0x7800, s0;
	[dreg:$0xe] =	wrdreg s22  }
0x14: {  	s5 =	sshll.u32 s9, $0x9;
	s25 =	sadd.s32 $0x8400, s0;
	[dreg:$0xf] =	wrdreg s24  }
0x15: {  	s2 =	sshll.u32 s23, $0x4;
	s26 =	sadd.s32 $0x9000, s0;
	[dreg:$0x10] =	wrdreg s25  }
0x16: {  	s9 =	simm.s32 $0x7;
	s2 =	sor.u32 s4, s2;
	[dreg:$0x11] =	wrdreg s26  }
.Ltmp0:
0x17: {  	s28 =	sadd.s32 $0x9C00, s0;
	[dreg:$0x12] =	wrdreg s2;
	(pc) =	sbr.rel .LBB2_1-.Ltmp0, $4  }
0x18: {  	s10 =	simm.s32 $0x8;
	s29 =	sadd.s32 $0xA800, s0;
	[dreg:$0x13] =	wrdreg s28  }
0x19: {  	v3 =	vlaneseq.u32;
	s15 =	simm.s32 $0x1;
	s0 =	sadd.s32 $0xB400, s0;
	[dreg:$0x14] =	wrdreg s29  }
0x1a: {  	vm0 =	vmmov $0xffff;
	v0 =	vimm.s32 $0x0;
	v2 =	vshrl.u32 v3, $0x3;
	s4 =	simm.s32 $0x6;
	[dreg:$0x15] =	wrdreg s0;
	s22 =	simm.s32 $0x3  }
0x1b: {  	v1 =	vand.u32 $0x7, v3;
	v3 =	vor.u32 $0x8, v3;
	v2 =	vmul.u32 $0x8, v2;
	s0 =	simm.s32 $0x5;
	s2 =	simm.s32 $0x4;
	s21 =	simm.s32 $0x13800  }
.LBB2_4:
0x1c: {  	v8 =	vsel vm1, $0x1, v0;
	vm1 =	vne.s32 v6, $0x1  }
0x1d: {  	v6 =	vadd.s32 v8, v7;
	v7 =	vsel vm1, $0x1, v0;
	vm1 =	vne.s32 v5, $0x1  }
0x1e: {  	v5 =	vadd.s32 v7, v6;
	v6 =	vsel vm1, $0x1, v0;
	vm1 =	vne.s32 v4, $0x1  }
0x1f: {  	v4 =	vadd.s32 v6, v5;
	v5 =	vsel vm1, $0x1, v0  }
0x20: {  	v4 =	vadd.s32 v5, v4  }
.LBB2_5:
0x21: {  	v5 =	vld [tilespmem:s5+$0x0];
	_ =	sdelay $0x4  }
0x22: {  	vm1 =	vne.s32 v5, $0x1  }
0x23: {  	(xrf0) =	vadd.scan.msk.s32 $0xffff, v4;
	v4 =	vsel vm1, $0x1, v0  }
0x24: {  	(xrf0) =	vadd.scan.msk.s32 $0xffff, v4;
	_ =	sdelay $0x4  }
0x25: {  	v4, _, _ =	vpop (xrf0)  }
0x26: {  	(v2sf) =	vpush v4, $0xF;
	v5, _, _ =	vpop (xrf0)  }
0x27: {  	(v2sf) =	vpush v5, $0xF  }
0x28: {  	v4 =	vadd.s32 $0x1, v4  }
0x29: {  	v4 =	vbroadcast v4, $0xF;
	_ =	sdelay $0x1  }
0x2a: {  	v4 =	vadd.s32 v5, v4  }
0x2b: {  	v4 =	vnsel vm1, $0x1, v4  }
0x2c: {  	[tilespmem:$0x1000] =	vst v4  }
0x2d: {  	v5 =	vld [tilespmem:s5+$0x10];
	_ =	sdelay $0x4  }
0x2e: {  	vm1 =	vne.s32 v5, $0x1  }
0x2f: {  	v6 =	vshrl.u32 v4, $0x3;
	v5 =	vsel vm1, $0x1, v0  }
0x30: {  	(xrf0) =	vadd.scan.msk.s32 $0xffff, v5;
	v5 =	vmul.u32 $0x30, v6;
	s12 =	spop (v2sf)  }
0x31: {  	v4 =	vand.u32 $0x7, v4;
	s13 =	spop (v2sf)  }
0x32: {  	v4 =	vor.u32 v4, v5;
	s12 =	sadd.s32 s12, s13  }
0x33: {  	v18 =	vperm.xlane v4, v1;
	v5 =	vmov s12  }
0x34: {  	v5 =	vadd.s32 $0x1, v5  }
0x35: {  	v6 =	vadd.s32 v2, v18;
	v5 =	vbroadcast v5, $0x0  }
0x36: {  	v7, _, _ =	vpop (xrf0)  }
0x37: {  	v5 =	vadd.s32 v7, v5  }
0x38: {  	v5 =	vnsel vm1, $0x1, v5  }
0x39: {  	s8 =	simm.s32 $0x1800;
	v4 =	vperm.xlane v4, v3;
	[tilespmem:$0x1010] =	vst v5  }
0x3a: {  	[tilespmem:s8], [sflag:$0x1] =	stream.indirect_vreg.gather [hbm4b:s1+s3], $0x80, v6, vm0, $0xb8;
	[tilespmem:$0x19800] =	vst v63  }
0x3b: {  	s20 =	simm.s32 $0x2000;
	v4 =	vadd.s32 v2, v4  }
0x3c: {  	[tilespmem:s20], [sflag:$0x1] =	stream.indirect_vreg.gather [hbm4b:s6+s3], $0x80, v6, vm0, $0xb8;
	[tilespmem:$0x19800] =	vst v63  }
0x3d: {  	s23 =	simm.s32 $0x2800  }
0x3e: {  	[tilespmem:s23], [sflag:$0x1] =	stream.indirect_vreg.gather [hbm4b:s7+s3], $0x80, v6, vm0, $0xb8;
	[tilespmem:$0x19800] =	vst v63  }
0x3f: {  	s24 =	simm.s32 $0x3000  }
0x40: {  	[tilespmem:s24], [sflag:$0x1] =	stream.indirect_vreg.gather [hbm4b:s1+s3], $0x80, v4, vm0, $0xb8;
	[tilespmem:$0x19800] =	vst v63  }
0x41: {  	s25 =	simm.s32 $0x3800  }
0x42: {  	[tilespmem:s25], [sflag:$0x1] =	stream.indirect_vreg.gather [hbm4b:s6+s3], $0x80, v4, vm0, $0xb8;
	[tilespmem:$0x19800] =	vst v63  }
0x43: {  	s26 =	simm.s32 $0x4000  }
0x44: {  	[tilespmem:s26], [sflag:$0x1] =	stream.indirect_vreg.gather [hbm4b:s7+s3], $0x80, v4, vm0, $0xb8;
	[tilespmem:$0x19800] =	vst v63  }
0x45: {  	v4 =	vld [tilespmem:$0x1010];
	_ =	sdelay $0x4  }
0x46: {  	v5 =	vshrl.u32 v4, $0x3  }
0x47: {  	v5 =	vmul.u32 $0x30, v5  }
0x48: {  	v4 =	vand.u32 $0x7, v4  }
0x49: {  	v4 =	vor.u32 v4, v5  }
0x4a: {  	v5 =	vperm.xlane v4, v1;
	_ =	sdelay $0x1  }
0x4b: {  	v5 =	vadd.s32 v2, v5;
	_ =	sdelay $0x3  }
0x4c: {  	s28 =	simm.s32 $0x4800;
	v4 =	vperm.xlane v4, v3  }
0x4d: {  	[tilespmem:s28], [sflag:$0x1] =	stream.indirect_vreg.gather [hbm4b:s1+s3], $0x80, v5, vm0, $0xb8;
	[tilespmem:$0x19800] =	vst v63  }
0x4e: {  	s30 =	simm.s32 $0x5000;
	v4 =	vadd.s32 v2, v4  }
0x4f: {  	[tilespmem:s30], [sflag:$0x1] =	stream.indirect_vreg.gather [hbm4b:s6+s3], $0x80, v5, vm0, $0xb8;
	[tilespmem:$0x19800] =	vst v63  }
0x50: {  	s13 =	simm.s32 $0x5800  }
0x51: {  	[tilespmem:s13], [sflag:$0x1] =	stream.indirect_vreg.gather [hbm4b:s7+s3], $0x80, v5, vm0, $0xb8;
	[tilespmem:$0x19800] =	vst v63  }
0x52: {  	s14 =	simm.s32 $0x6000  }
0x53: {  	[tilespmem:s14], [sflag:$0x1] =	stream.indirect_vreg.gather [hbm4b:s1+s3], $0x80, v4, vm0, $0xb8;
	[tilespmem:$0x19800] =	vst v63  }
0x54: {  	s17 =	simm.s32 $0x6800  }
0x55: {  	(v2sf) =	vpush v7, $0xF;
	[tilespmem:s17], [sflag:$0x1] =	stream.indirect_vreg.gather [hbm4b:s6+s3], $0x80, v4, vm0, $0xb8;
	[tilespmem:$0x19800] =	vst v63  }
0x56: {  	s18 =	simm.s32 $0x7000  }
0x57: {  	[tilespmem:s18], [sflag:$0x1] =	stream.indirect_vreg.gather [hbm4b:s7+s3], $0x80, v4, vm0, $0xb8;
	[tilespmem:$0x19800] =	vst v63  }
0x58: {  	v4 =	vld [tilespmem:s5+$0x20];
	_ =	sdelay $0x4  }
0x59: {  	vm1 =	vne.s32 v4, $0x1  }
0x5a: {  	v4 =	vsel vm1, $0x1, v0  }
0x5b: {  	(xrf0) =	vadd.scan.msk.s32 $0xffff, v4;
	_ =	sdelay $0x4  }
0x5c: {  	s19 =	spop (v2sf)  }
0x5d: {  	s12 =	sadd.s32 s12, s19;
	v4, _, _ =	vpop (xrf0)  }
0x5e: {  	v5 =	vmov s12;
	(v2sf) =	vpush v4, $0xF  }
0x5f: {  	v5 =	vadd.s32 $0x1, v5  }
0x60: {  	v5 =	vbroadcast v5, $0x0;
	_ =	sdelay $0x1  }
0x61: {  	v4 =	vadd.s32 v4, v5  }
0x62: {  	v4 =	vnsel vm1, $0x1, v4  }
0x63: {  	[tilespmem:$0x1080] =	vst v4  }
0x64: {  	v5 =	vld [tilespmem:s5+$0x30];
	_ =	sdelay $0x4  }
0x65: {  	vm1 =	vne.s32 v5, $0x1  }
0x66: {  	v19 =	vshrl.u32 v4, $0x3;
	v5 =	vsel vm1, $0x1, v0  }
0x67: {  	(xrf0) =	vadd.scan.msk.s32 $0xffff, v5;
	v5 =	vmul.u32 $0x30, v19  }
0x68: {  	v4 =	vand.u32 $0x7, v4;
	s20 =	spop (v2sf)  }
0x69: {  	v4 =	vor.u32 v4, v5;
	s12 =	sadd.s32 s12, s20  }
0x6a: {  	v20 =	vperm.xlane v4, v1;
	v5 =	vmov s12  }
0x6b: {  	v5 =	vadd.s32 $0x1, v5  }
0x6c: {  	v6 =	vadd.s32 v2, v20;
	v5 =	vbroadcast v5, $0x0  }
0x6d: {  	v21, _, _ =	vpop (xrf0)  }
0x6e: {  	v5 =	vadd.s32 v21, v5  }
0x6f: {  	v5 =	vnsel vm1, $0x1, v5  }
0x70: {  	s23 =	simm.s32 $0x7800;
	v4 =	vperm.xlane v4, v3;
	[tilespmem:$0x1090] =	vst v5  }
0x71: {  	[tilespmem:s23], [sflag:$0x2] =	stream.indirect_vreg.gather [hbm4b:s1+s3], $0x80, v6, vm0, $0xb8;
	[tilespmem:$0x19800] =	vst v63  }
0x72: {  	s24 =	simm.s32 $0x8000;
	v4 =	vadd.s32 v2, v4  }
0x73: {  	[tilespmem:s24], [sflag:$0x2] =	stream.indirect_vreg.gather [hbm4b:s6+s3], $0x80, v6, vm0, $0xb8;
	[tilespmem:$0x19800] =	vst v63  }
0x74: {  	s25 =	simm.s32 $0x8800  }
0x75: {  	[tilespmem:s25], [sflag:$0x2] =	stream.indirect_vreg.gather [hbm4b:s7+s3], $0x80, v6, vm0, $0xb8;
	[tilespmem:$0x19800] =	vst v63  }
0x76: {  	s26 =	simm.s32 $0x9000  }
0x77: {  	[tilespmem:s26], [sflag:$0x2] =	stream.indirect_vreg.gather [hbm4b:s1+s3], $0x80, v4, vm0, $0xb8;
	[tilespmem:$0x19800] =	vst v63  }
0x78: {  	s28 =	simm.s32 $0x9800  }
0x79: {  	[tilespmem:s28], [sflag:$0x2] =	stream.indirect_vreg.gather [hbm4b:s6+s3], $0x80, v4, vm0, $0xb8;
	[tilespmem:$0x19800] =	vst v63  }
0x7a: {  	s30 =	simm.s32 $0xA000  }
0x7b: {  	[tilespmem:s30], [sflag:$0x2] =	stream.indirect_vreg.gather [hbm4b:s7+s3], $0x80, v4, vm0, $0xb8;
	[tilespmem:$0x19800] =	vst v63  }
0x7c: {  	v4 =	vld [tilespmem:$0x1090];
	_ =	sdelay $0x4  }
0x7d: {  	v5 =	vshrl.u32 v4, $0x3  }
0x7e: {  	v5 =	vmul.u32 $0x30, v5  }
0x7f: {  	v4 =	vand.u32 $0x7, v4  }
0x80: {  	v4 =	vor.u32 v4, v5  }
0x81: {  	v5 =	vperm.xlane v4, v1;
	_ =	sdelay $0x1  }
0x82: {  	v5 =	vadd.s32 v2, v5;
	_ =	sdelay $0x3  }
0x83: {  	s13 =	simm.s32 $0xA800;
	v4 =	vperm.xlane v4, v3  }
0x84: {  	[tilespmem:s13], [sflag:$0x2] =	stream.indirect_vreg.gather [hbm4b:s1+s3], $0x80, v5, vm0, $0xb8;
	[tilespmem:$0x19800] =	vst v63  }
0x85: {  	s14 =	simm.s32 $0xB000;
	v4 =	vadd.s32 v2, v4  }
0x86: {  	[tilespmem:s14], [sflag:$0x2] =	stream.indirect_vreg.gather [hbm4b:s6+s3], $0x80, v5, vm0, $0xb8;
	[tilespmem:$0x19800] =	vst v63  }
0x87: {  	s24 =	simm.s32 $0xB800  }
0x88: {  	[tilespmem:s24], [sflag:$0x2] =	stream.indirect_vreg.gather [hbm4b:s7+s3], $0x80, v5, vm0, $0xb8;
	[tilespmem:$0x19800] =	vst v63  }
0x89: {  	s26 =	simm.s32 $0xC000  }
0x8a: {  	[tilespmem:s26], [sflag:$0x2] =	stream.indirect_vreg.gather [hbm4b:s1+s3], $0x80, v4, vm0, $0xb8;
	[tilespmem:$0x19800] =	vst v63  }
0x8b: {  	s13 =	simm.s32 $0xC800  }
0x8c: {  	[tilespmem:s13], [sflag:$0x2] =	stream.indirect_vreg.gather [hbm4b:s6+s3], $0x80, v4, vm0, $0xb8;
	[tilespmem:$0x19800] =	vst v63  }
0x8d: {  	s14 =	simm.s32 $0xD000  }
0x8e: {  	[tilespmem:s14], [sflag:$0x2] =	stream.indirect_vreg.gather [hbm4b:s7+s3], $0x80, v4, vm0, $0xb8;
	[tilespmem:$0x19800] =	vst v63  }
0x8f: {  	_ =	swait.ge [sflag:s15], $0x6000  }
0x90: {  	[sflag:s15] =	ssyncset.done $0x0;
	(v2sf) =	vpush v21, $0xF  }
0x91: {  	s16 =	simm.s32 $0x1800;
	s24 =	rddreg [dreg:$0x5];
	[sflag:s15] =	ssyncadd.s32 $0xFFFFA000  }
0x92: {  	[hbm4b:s24+s3] =	stream.linear.scatter [tilespmem:s16], [sflag:$0x5], $0x6000, $0x38;
	[tilespmem:$0x19800] =	vst v63  }
0x93: {  	v4 =	vld [tilespmem:s5+$0x40];
	_ =	sdelay $0x4  }
0x94: {  	vm1 =	vne.s32 v4, $0x1  }
0x95: {  	v4 =	vsel vm1, $0x1, v0  }
0x96: {  	(xrf0) =	vadd.scan.msk.s32 $0xffff, v4;
	_ =	sdelay $0x4  }
0x97: {  	s26 =	spop (v2sf)  }
0x98: {  	s12 =	sadd.s32 s12, s26;
	v4, _, _ =	vpop (xrf0)  }
0x99: {  	v5 =	vmov s12;
	(v2sf) =	vpush v4, $0xF  }
0x9a: {  	v5 =	vadd.s32 $0x1, v5  }
0x9b: {  	v5 =	vbroadcast v5, $0x0;
	_ =	sdelay $0x1  }
0x9c: {  	v4 =	vadd.s32 v4, v5  }
0x9d: {  	v4 =	vnsel vm1, $0x1, v4  }
0x9e: {  	[tilespmem:$0x1100] =	vst v4  }
0x9f: {  	v5 =	vld [tilespmem:s5+$0x50];
	_ =	sdelay $0x4  }
0xa0: {  	vm1 =	vne.s32 v5, $0x1  }
0xa1: {  	v22 =	vshrl.u32 v4, $0x3;
	v5 =	vsel vm1, $0x1, v0  }
0xa2: {  	(xrf0) =	vadd.scan.msk.s32 $0xffff, v5;
	v5 =	vmul.u32 $0x30, v22  }
0xa3: {  	v4 =	vand.u32 $0x7, v4;
	s8 =	spop (v2sf)  }
0xa4: {  	s12 =	sadd.s32 s12, s8;
	v4 =	vor.u32 v4, v5  }
0xa5: {  	v5 =	vmov s12;
	v23 =	vperm.xlane v4, v1  }
0xa6: {  	v5 =	vadd.s32 $0x1, v5  }
0xa7: {  	v5 =	vbroadcast v5, $0x0;
	v6 =	vadd.s32 v2, v23  }
0xa8: {  	v24, _, _ =	vpop (xrf0)  }
0xa9: {  	v5 =	vadd.s32 v24, v5  }
0xaa: {  	v5 =	vnsel vm1, $0x1, v5  }
0xab: {  	s13 =	simm.s32 $0xD800;
	v4 =	vperm.xlane v4, v3;
	[tilespmem:$0x1110] =	vst v5  }
0xac: {  	[tilespmem:s13], [sflag:$0x3] =	stream.indirect_vreg.gather [hbm4b:s1+s3], $0x80, v6, vm0, $0xb8;
	[tilespmem:$0x19800] =	vst v63  }
0xad: {  	s14 =	simm.s32 $0xE000;
	v4 =	vadd.s32 v2, v4  }
0xae: {  	[tilespmem:s14], [sflag:$0x3] =	stream.indirect_vreg.gather [hbm4b:s6+s3], $0x80, v6, vm0, $0xb8;
	[tilespmem:$0x19800] =	vst v63  }
0xaf: {  	s16 =	simm.s32 $0xE800  }
0xb0: {  	[tilespmem:s16], [sflag:$0x3] =	stream.indirect_vreg.gather [hbm4b:s7+s3], $0x80, v6, vm0, $0xb8;
	[tilespmem:$0x19800] =	vst v63  }
0xb1: {  	s26 =	simm.s32 $0xF000  }
0xb2: {  	[tilespmem:s26], [sflag:$0x3] =	stream.indirect_vreg.gather [hbm4b:s1+s3], $0x80, v4, vm0, $0xb8;
	[tilespmem:$0x19800] =	vst v63  }
0xb3: {  	s13 =	simm.s32 $0xF800  }
0xb4: {  	[tilespmem:s13], [sflag:$0x3] =	stream.indirect_vreg.gather [hbm4b:s6+s3], $0x80, v4, vm0, $0xb8;
	[tilespmem:$0x19800] =	vst v63  }
0xb5: {  	s14 =	simm.s32 $0x10000  }
0xb6: {  	[tilespmem:s14], [sflag:$0x3] =	stream.indirect_vreg.gather [hbm4b:s7+s3], $0x80, v4, vm0, $0xb8;
	[tilespmem:$0x19800] =	vst v63  }
0xb7: {  	v4 =	vld [tilespmem:$0x1110];
	_ =	sdelay $0x4  }
0xb8: {  	v5 =	vshrl.u32 v4, $0x3  }
0xb9: {  	v5 =	vmul.u32 $0x30, v5  }
0xba: {  	v4 =	vand.u32 $0x7, v4  }
0xbb: {  	v4 =	vor.u32 v4, v5  }
0xbc: {  	v5 =	vperm.xlane v4, v1;
	_ =	sdelay $0x1  }
0xbd: {  	v5 =	vadd.s32 v2, v5;
	_ =	sdelay $0x3  }
0xbe: {  	s16 =	simm.s32 $0x10800;
	v4 =	vperm.xlane v4, v3  }
0xbf: {  	[tilespmem:s16], [sflag:$0x3] =	stream.indirect_vreg.gather [hbm4b:s1+s3], $0x80, v5, vm0, $0xb8;
	[tilespmem:$0x19800] =	vst v63  }
0xc0: {  	s26 =	simm.s32 $0x11000;
	v4 =	vadd.s32 v2, v4  }
0xc1: {  	[tilespmem:s26], [sflag:$0x3] =	stream.indirect_vreg.gather [hbm4b:s6+s3], $0x80, v5, vm0, $0xb8;
	[tilespmem:$0x19800] =	vst v63  }
0xc2: {  	s13 =	simm.s32 $0x11800  }
0xc3: {  	[tilespmem:s13], [sflag:$0x3] =	stream.indirect_vreg.gather [hbm4b:s7+s3], $0x80, v5, vm0, $0xb8;
	[tilespmem:$0x19800] =	vst v63  }
0xc4: {  	s14 =	simm.s32 $0x12000  }
0xc5: {  	[tilespmem:s14], [sflag:$0x3] =	stream.indirect_vreg.gather [hbm4b:s1+s3], $0x80, v4, vm0, $0xb8;
	[tilespmem:$0x19800] =	vst v63  }
0xc6: {  	s16 =	simm.s32 $0x12800  }
0xc7: {  	[tilespmem:s16], [sflag:$0x3] =	stream.indirect_vreg.gather [hbm4b:s6+s3], $0x80, v4, vm0, $0xb8;
	[tilespmem:$0x19800] =	vst v63  }
0xc8: {  	s26 =	simm.s32 $0x13000  }
0xc9: {  	[tilespmem:s26], [sflag:$0x3] =	stream.indirect_vreg.gather [hbm4b:s7+s3], $0x80, v4, vm0, $0xb8;
	[tilespmem:$0x19800] =	vst v63  }
0xca: {  	_ =	swait.ge [sflag:s31], $0x6000  }
0xcb: {  	[sflag:s31] =	ssyncset.done $0x0;
	(v2sf) =	vpush v24, $0xF  }
0xcc: {  	s18 =	simm.s32 $0x7800;
	s8 =	rddreg [dreg:$0x6];
	[sflag:s31] =	ssyncadd.s32 $0xFFFFA000  }
0xcd: {  	[hbm4b:s8+s3] =	stream.linear.scatter [tilespmem:s18], [sflag:$0x6], $0x6000, $0x38;
	[tilespmem:$0x19800] =	vst v63  }
0xce: {  	v4 =	vld [tilespmem:s5+$0x60];
	_ =	sdelay $0x4  }
0xcf: {  	vm1 =	vne.s32 v4, $0x1  }
0xd0: {  	v4 =	vsel vm1, $0x1, v0  }
0xd1: {  	(xrf0) =	vadd.scan.msk.s32 $0xffff, v4;
	_ =	sdelay $0x4  }
0xd2: {  	s14 =	spop (v2sf)  }
0xd3: {  	s12 =	sadd.s32 s12, s14;
	v4, _, _ =	vpop (xrf0)  }
0xd4: {  	v5 =	vmov s12;
	(v2sf) =	vpush v4, $0xF  }
0xd5: {  	v5 =	vadd.s32 $0x1, v5  }
0xd6: {  	v5 =	vbroadcast v5, $0x0;
	_ =	sdelay $0x1  }
0xd7: {  	v4 =	vadd.s32 v4, v5  }
0xd8: {  	v4 =	vnsel vm1, $0x1, v4  }
0xd9: {  	[tilespmem:$0x1180] =	vst v4  }
0xda: {  	v5 =	vld [tilespmem:s5+$0x70];
	_ =	sdelay $0x4  }
0xdb: {  	vm1 =	vne.s32 v5, $0x1  }
0xdc: {  	v25 =	vshrl.u32 v4, $0x3;
	v5 =	vsel vm1, $0x1, v0  }
0xdd: {  	(xrf0) =	vadd.scan.msk.s32 $0xffff, v5;
	v5 =	vmul.u32 $0x30, v25  }
0xde: {  	v4 =	vand.u32 $0x7, v4;
	s16 =	spop (v2sf)  }
0xdf: {  	s12 =	sadd.s32 s12, s16;
	v4 =	vor.u32 v4, v5  }
0xe0: {  	v5 =	vmov s12;
	v26 =	vperm.xlane v4, v1  }
0xe1: {  	v5 =	vadd.s32 $0x1, v5  }
0xe2: {  	v5 =	vbroadcast v5, $0x0;
	v6 =	vadd.s32 v2, v26  }
0xe3: {  	v27, _, _ =	vpop (xrf0)  }
0xe4: {  	v5 =	vadd.s32 v27, v5  }
0xe5: {  	v5 =	vnsel vm1, $0x1, v5  }
0xe6: {  	v4 =	vperm.xlane v4, v3;
	[tilespmem:$0x1190] =	vst v5  }
0xe7: {  	[tilespmem:s21], [sflag:$0x4] =	stream.indirect_vreg.gather [hbm4b:s1+s3], $0x80, v6, vm0, $0xb8;
	[tilespmem:$0x19800] =	vst v63  }
0xe8: {  	s18 =	simm.s32 $0x14000;
	v4 =	vadd.s32 v2, v4  }
0xe9: {  	[tilespmem:s18], [sflag:$0x4] =	stream.indirect_vreg.gather [hbm4b:s6+s3], $0x80, v6, vm0, $0xb8;
	[tilespmem:$0x19800] =	vst v63  }
0xea: {  	s8 =	simm.s32 $0x14800  }
0xeb: {  	[tilespmem:s8], [sflag:$0x4] =	stream.indirect_vreg.gather [hbm4b:s7+s3], $0x80, v6, vm0, $0xb8;
	[tilespmem:$0x19800] =	vst v63  }
0xec: {  	s14 =	simm.s32 $0x15000  }
0xed: {  	[tilespmem:s14], [sflag:$0x4] =	stream.indirect_vreg.gather [hbm4b:s1+s3], $0x80, v4, vm0, $0xb8;
	[tilespmem:$0x19800] =	vst v63  }
0xee: {  	s16 =	simm.s32 $0x15800  }
0xef: {  	[tilespmem:s16], [sflag:$0x4] =	stream.indirect_vreg.gather [hbm4b:s6+s3], $0x80, v4, vm0, $0xb8;
	[tilespmem:$0x19800] =	vst v63  }
0xf0: {  	s18 =	simm.s32 $0x16000  }
0xf1: {  	[tilespmem:s18], [sflag:$0x4] =	stream.indirect_vreg.gather [hbm4b:s7+s3], $0x80, v4, vm0, $0xb8;
	[tilespmem:$0x19800] =	vst v63  }
0xf2: {  	v4 =	vld [tilespmem:$0x1190];
	_ =	sdelay $0x4  }
0xf3: {  	v5 =	vshrl.u32 v4, $0x3  }
0xf4: {  	v5 =	vmul.u32 $0x30, v5  }
0xf5: {  	v4 =	vand.u32 $0x7, v4  }
0xf6: {  	v4 =	vor.u32 v4, v5  }
0xf7: {  	v5 =	vperm.xlane v4, v1;
	_ =	sdelay $0x1  }
0xf8: {  	v5 =	vadd.s32 v2, v5;
	_ =	sdelay $0x3  }
0xf9: {  	s8 =	simm.s32 $0x16800;
	v4 =	vperm.xlane v4, v3  }
0xfa: {  	[tilespmem:s8], [sflag:$0x4] =	stream.indirect_vreg.gather [hbm4b:s1+s3], $0x80, v5, vm0, $0xb8;
	[tilespmem:$0x19800] =	vst v63  }
0xfb: {  	s14 =	simm.s32 $0x17000;
	v4 =	vadd.s32 v2, v4  }
0xfc: {  	[tilespmem:s14], [sflag:$0x4] =	stream.indirect_vreg.gather [hbm4b:s6+s3], $0x80, v5, vm0, $0xb8;
	[tilespmem:$0x19800] =	vst v63  }
0xfd: {  	s16 =	simm.s32 $0x17800  }
0xfe: {  	[tilespmem:s16], [sflag:$0x4] =	stream.indirect_vreg.gather [hbm4b:s7+s3], $0x80, v5, vm0, $0xb8;
	[tilespmem:$0x19800] =	vst v63  }
0xff: {  	s18 =	simm.s32 $0x18000  }
0x100: {  	[tilespmem:s18], [sflag:$0x4] =	stream.indirect_vreg.gather [hbm4b:s1+s3], $0x80, v4, vm0, $0xb8;
	[tilespmem:$0x19800] =	vst v63  }
0x101: {  	s8 =	simm.s32 $0x18800  }
0x102: {  	[tilespmem:s8], [sflag:$0x4] =	stream.indirect_vreg.gather [hbm4b:s6+s3], $0x80, v4, vm0, $0xb8;
	[tilespmem:$0x19800] =	vst v63  }
0x103: {  	s14 =	simm.s32 $0x19000  }
0x104: {  	[tilespmem:s14], [sflag:$0x4] =	stream.indirect_vreg.gather [hbm4b:s7+s3], $0x80, v4, vm0, $0xb8;
	[tilespmem:$0x19800] =	vst v63  }
0x105: {  	_ =	swait.ge [sflag:s22], $0x6000  }
0x106: {  	[sflag:s22] =	ssyncset.done $0x0;
	(v2sf) =	vpush v27, $0xF  }
0x107: {  	s24 =	simm.s32 $0xD800;
	s16 =	rddreg [dreg:$0x7];
	[sflag:s22] =	ssyncadd.s32 $0xFFFFA000  }
0x108: {  	[hbm4b:s16+s3] =	stream.linear.scatter [tilespmem:s24], [sflag:$0x7], $0x6000, $0x38;
	[tilespmem:$0x19800] =	vst v63  }
0x109: {  	v4 =	vld [tilespmem:s5+$0x80];
	_ =	sdelay $0x4  }
0x10a: {  	vm1 =	vne.s32 v4, $0x1  }
0x10b: {  	v4 =	vsel vm1, $0x1, v0  }
0x10c: {  	(xrf0) =	vadd.scan.msk.s32 $0xffff, v4;
	_ =	sdelay $0x4  }
0x10d: {  	s18 =	spop (v2sf)  }
0x10e: {  	s12 =	sadd.s32 s12, s18;
	v4, _, _ =	vpop (xrf0)  }
0x10f: {  	v5 =	vmov s12;
	(v2sf) =	vpush v4, $0xF  }
0x110: {  	v5 =	vadd.s32 $0x1, v5  }
0x111: {  	v5 =	vbroadcast v5, $0x0;
	_ =	sdelay $0x1  }
0x112: {  	v4 =	vadd.s32 v4, v5  }
0x113: {  	v4 =	vnsel vm1, $0x1, v4  }
0x114: {  	[tilespmem:$0x1200] =	vst v4  }
0x115: {  	v5 =	vld [tilespmem:s5+$0x90];
	_ =	sdelay $0x4  }
0x116: {  	vm1 =	vne.s32 v5, $0x1  }
0x117: {  	v5 =	vsel vm1, $0x1, v0  }
0x118: {  	(xrf0) =	vadd.scan.msk.s32 $0xffff, v5  }
0x119: {  	v5 =	vshrl.u32 v4, $0x3;
	s24 =	spop (v2sf)  }
0x11a: {  	v5 =	vmul.u32 $0x30, v5;
	s12 =	sadd.s32 s12, s24  }
0x11b: {  	v28 =	vmov s12  }
0x11c: {  	v4 =	vand.u32 $0x7, v4;
	v6 =	vadd.s32 $0x1, v28  }
0x11d: {  	v4 =	vor.u32 v4, v5;
	v6 =	vbroadcast v6, $0x0  }
0x11e: {  	v29 =	vperm.xlane v4, v1;
	v5, _, _ =	vpop (xrf0)  }
0x11f: {  	v6 =	vadd.s32 v5, v6  }
0x120: {  	v7 =	vadd.s32 v2, v29;
	v6 =	vnsel vm1, $0x1, v6  }
0x121: {  	[tilespmem:$0x1210] =	vst v6  }
0x122: {  	_ =	swait.ge [sflag:s0], $0x6000  }
0x123: {  	[sflag:s0] =	ssyncset.done $0x0  }
0x124: {  	s16 =	simm.s32 $0x1800;
	v4 =	vperm.xlane v4, v3;
	[sflag:s0] =	ssyncadd.s32 $0xFFFFA000  }
0x125: {  	[tilespmem:s16], [sflag:$0x1] =	stream.indirect_vreg.gather [hbm4b:s1+s3], $0x80, v7, vm0, $0xb8;
	[tilespmem:$0x19800] =	vst v63  }
0x126: {  	s29 =	simm.s32 $0x2000;
	v4 =	vadd.s32 v2, v4  }
0x127: {  	[tilespmem:s29], [sflag:$0x1] =	stream.indirect_vreg.gather [hbm4b:s6+s3], $0x80, v7, vm0, $0xb8;
	[tilespmem:$0x19800] =	vst v63  }
0x128: {  	s18 =	simm.s32 $0x2800  }
0x129: {  	[tilespmem:s18], [sflag:$0x1] =	stream.indirect_vreg.gather [hbm4b:s7+s3], $0x80, v7, vm0, $0xb8;
	[tilespmem:$0x19800] =	vst v63  }
0x12a: {  	s14 =	simm.s32 $0x3000  }
0x12b: {  	[tilespmem:s14], [sflag:$0x1] =	stream.indirect_vreg.gather [hbm4b:s1+s3], $0x80, v4, vm0, $0xb8;
	[tilespmem:$0x19800] =	vst v63  }
0x12c: {  	s24 =	simm.s32 $0x3800  }
0x12d: {  	[tilespmem:s24], [sflag:$0x1] =	stream.indirect_vreg.gather [hbm4b:s6+s3], $0x80, v4, vm0, $0xb8;
	[tilespmem:$0x19800] =	vst v63  }
0x12e: {  	s29 =	simm.s32 $0x4000  }
0x12f: {  	[tilespmem:s29], [sflag:$0x1] =	stream.indirect_vreg.gather [hbm4b:s7+s3], $0x80, v4, vm0, $0xb8;
	[tilespmem:$0x19800] =	vst v63  }
0x130: {  	v4 =	vld [tilespmem:$0x1210];
	_ =	sdelay $0x4  }
0x131: {  	v30 =	vshrl.u32 v4, $0x3  }
0x132: {  	v6 =	vmul.u32 $0x30, v30  }
0x133: {  	v4 =	vand.u32 $0x7, v4  }
0x134: {  	v4 =	vor.u32 v4, v6  }
0x135: {  	v6 =	vperm.xlane v4, v1;
	_ =	sdelay $0x1  }
0x136: {  	v6 =	vadd.s32 v2, v6;
	_ =	sdelay $0x3  }
0x137: {  	s14 =	simm.s32 $0x4800;
	v4 =	vperm.xlane v4, v3  }
0x138: {  	[tilespmem:s14], [sflag:$0x1] =	stream.indirect_vreg.gather [hbm4b:s1+s3], $0x80, v6, vm0, $0xb8;
	[tilespmem:$0x19800] =	vst v63  }
0x139: {  	s24 =	simm.s32 $0x5000;
	v4 =	vadd.s32 v2, v4  }
0x13a: {  	[tilespmem:s24], [sflag:$0x1] =	stream.indirect_vreg.gather [hbm4b:s6+s3], $0x80, v6, vm0, $0xb8;
	[tilespmem:$0x19800] =	vst v63  }
0x13b: {  	s29 =	simm.s32 $0x5800  }
0x13c: {  	[tilespmem:s29], [sflag:$0x1] =	stream.indirect_vreg.gather [hbm4b:s7+s3], $0x80, v6, vm0, $0xb8;
	[tilespmem:$0x19800] =	vst v63  }
0x13d: {  	s14 =	simm.s32 $0x6000  }
0x13e: {  	[tilespmem:s14], [sflag:$0x1] =	stream.indirect_vreg.gather [hbm4b:s1+s3], $0x80, v4, vm0, $0xb8;
	[tilespmem:$0x19800] =	vst v63  }
0x13f: {  	s24 =	simm.s32 $0x6800  }
0x140: {  	[tilespmem:s24], [sflag:$0x1] =	stream.indirect_vreg.gather [hbm4b:s6+s3], $0x80, v4, vm0, $0xb8;
	[tilespmem:$0x19800] =	vst v63  }
0x141: {  	s29 =	simm.s32 $0x7000  }
0x142: {  	[tilespmem:s29], [sflag:$0x1] =	stream.indirect_vreg.gather [hbm4b:s7+s3], $0x80, v4, vm0, $0xb8;
	[tilespmem:$0x19800] =	vst v63  }
0x143: {  	_ =	swait.ge [sflag:s2], $0x6000  }
0x144: {  	[sflag:s2] =	ssyncset.done $0x0;
	(v2sf) =	vpush v5, $0xF  }
0x145: {  	s14 =	rddreg [dreg:$0x8];
	[sflag:s2] =	ssyncadd.s32 $0xFFFFA000  }
0x146: {  	[hbm4b:s14+s3] =	stream.linear.scatter [tilespmem:s21], [sflag:$0x8], $0x6000, $0x38;
	[tilespmem:$0x19800] =	vst v63  }
0x147: {  	v4 =	vld [tilespmem:s5+$0xA0];
	_ =	sdelay $0x4  }
0x148: {  	vm1 =	vne.s32 v4, $0x1  }
0x149: {  	v4 =	vsel vm1, $0x1, v0  }
0x14a: {  	(xrf0) =	vadd.scan.msk.s32 $0xffff, v4;
	_ =	sdelay $0x4  }
0x14b: {  	s24 =	spop (v2sf)  }
0x14c: {  	s12 =	sadd.s32 s12, s24;
	v4, _, _ =	vpop (xrf0)  }
0x14d: {  	v5 =	vmov s12;
	(v2sf) =	vpush v4, $0xF  }
0x14e: {  	v5 =	vadd.s32 $0x1, v5  }
0x14f: {  	v5 =	vbroadcast v5, $0x0;
	_ =	sdelay $0x1  }
0x150: {  	v4 =	vadd.s32 v4, v5  }
0x151: {  	v4 =	vnsel vm1, $0x1, v4  }
0x152: {  	[tilespmem:$0x1280] =	vst v4  }
0x153: {  	v5 =	vld [tilespmem:s5+$0xB0];
	_ =	sdelay $0x4  }
0x154: {  	vm1 =	vne.s32 v5, $0x1  }
0x155: {  	v5 =	vsel vm1, $0x1, v0  }
0x156: {  	(xrf0) =	vadd.scan.msk.s32 $0xffff, v5  }
0x157: {  	v5 =	vshrl.u32 v4, $0x3;
	s29 =	spop (v2sf)  }
0x158: {  	v5 =	vmul.u32 $0x30, v5;
	s12 =	sadd.s32 s12, s29  }
0x159: {  	v31 =	vmov s12  }
0x15a: {  	v4 =	vand.u32 $0x7, v4;
	v6 =	vadd.s32 $0x1, v31  }
0x15b: {  	v4 =	vor.u32 v4, v5;
	v6 =	vbroadcast v6, $0x0  }
0x15c: {  	v32 =	vperm.xlane v4, v1;
	v5, _, _ =	vpop (xrf0)  }
0x15d: {  	v6 =	vadd.s32 v5, v6  }
0x15e: {  	v7 =	vadd.s32 v2, v32;
	v6 =	vnsel vm1, $0x1, v6  }
0x15f: {  	[tilespmem:$0x1290] =	vst v6  }
0x160: {  	_ =	swait.ge [sflag:s4], $0x6000  }
0x161: {  	[sflag:s4] =	ssyncset.done $0x0  }
0x162: {  	s26 =	simm.s32 $0x7800;
	v4 =	vperm.xlane v4, v3;
	[sflag:s4] =	ssyncadd.s32 $0xFFFFA000  }
0x163: {  	[tilespmem:s26], [sflag:$0x2] =	stream.indirect_vreg.gather [hbm4b:s1+s3], $0x80, v7, vm0, $0xb8;
	[tilespmem:$0x19800] =	vst v63  }
0x164: {  	s17 =	simm.s32 $0x8000;
	v4 =	vadd.s32 v2, v4  }
0x165: {  	[tilespmem:s17], [sflag:$0x2] =	stream.indirect_vreg.gather [hbm4b:s6+s3], $0x80, v7, vm0, $0xb8;
	[tilespmem:$0x19800] =	vst v63  }
0x166: {  	s19 =	simm.s32 $0x8800  }
0x167: {  	[tilespmem:s19], [sflag:$0x2] =	stream.indirect_vreg.gather [hbm4b:s7+s3], $0x80, v7, vm0, $0xb8;
	[tilespmem:$0x19800] =	vst v63  }
0x168: {  	s20 =	simm.s32 $0x9000  }
0x169: {  	[tilespmem:s20], [sflag:$0x2] =	stream.indirect_vreg.gather [hbm4b:s1+s3], $0x80, v4, vm0, $0xb8;
	[tilespmem:$0x19800] =	vst v63  }
0x16a: {  	s23 =	simm.s32 $0x9800  }
0x16b: {  	[tilespmem:s23], [sflag:$0x2] =	stream.indirect_vreg.gather [hbm4b:s6+s3], $0x80, v4, vm0, $0xb8;
	[tilespmem:$0x19800] =	vst v63  }
0x16c: {  	s25 =	simm.s32 $0xA000  }
0x16d: {  	[tilespmem:s25], [sflag:$0x2] =	stream.indirect_vreg.gather [hbm4b:s7+s3], $0x80, v4, vm0, $0xb8;
	[tilespmem:$0x19800] =	vst v63  }
0x16e: {  	v4 =	vld [tilespmem:$0x1290];
	_ =	sdelay $0x4  }
0x16f: {  	v33 =	vshrl.u32 v4, $0x3  }
0x170: {  	v6 =	vmul.u32 $0x30, v33  }
0x171: {  	v4 =	vand.u32 $0x7, v4  }
0x172: {  	v4 =	vor.u32 v4, v6  }
0x173: {  	v6 =	vperm.xlane v4, v1;
	_ =	sdelay $0x1  }
0x174: {  	v6 =	vadd.s32 v2, v6;
	_ =	sdelay $0x3  }
0x175: {  	s28 =	simm.s32 $0xA800;
	v4 =	vperm.xlane v4, v3  }
0x176: {  	[tilespmem:s28], [sflag:$0x2] =	stream.indirect_vreg.gather [hbm4b:s1+s3], $0x80, v6, vm0, $0xb8;
	[tilespmem:$0x19800] =	vst v63  }
0x177: {  	s30 =	simm.s32 $0xB000;
	v4 =	vadd.s32 v2, v4  }
0x178: {  	[tilespmem:s30], [sflag:$0x2] =	stream.indirect_vreg.gather [hbm4b:s6+s3], $0x80, v6, vm0, $0xb8;
	[tilespmem:$0x19800] =	vst v63  }
0x179: {  	s28 =	simm.s32 $0xB800  }
0x17a: {  	[tilespmem:s28], [sflag:$0x2] =	stream.indirect_vreg.gather [hbm4b:s7+s3], $0x80, v6, vm0, $0xb8;
	[tilespmem:$0x19800] =	vst v63  }
0x17b: {  	s25 =	simm.s32 $0xC000  }
0x17c: {  	[tilespmem:s25], [sflag:$0x2] =	stream.indirect_vreg.gather [hbm4b:s1+s3], $0x80, v4, vm0, $0xb8;
	[tilespmem:$0x19800] =	vst v63  }
0x17d: {  	s29 =	simm.s32 $0xC800  }
0x17e: {  	[tilespmem:s29], [sflag:$0x2] =	stream.indirect_vreg.gather [hbm4b:s6+s3], $0x80, v4, vm0, $0xb8;
	[tilespmem:$0x19800] =	vst v63  }
0x17f: {  	s24 =	simm.s32 $0xD000  }
0x180: {  	[tilespmem:s24], [sflag:$0x2] =	stream.indirect_vreg.gather [hbm4b:s7+s3], $0x80, v4, vm0, $0xb8;
	[tilespmem:$0x19800] =	vst v63  }
0x181: {  	_ =	swait.ge [sflag:s15], $0x6000  }
0x182: {  	[sflag:s15] =	ssyncset.done $0x0;
	(v2sf) =	vpush v5, $0xF  }
0x183: {  	s30 =	rddreg [dreg:$0x9];
	[sflag:s15] =	ssyncadd.s32 $0xFFFFA000  }
0x184: {  	[hbm4b:s30+s3] =	stream.linear.scatter [tilespmem:s16], [sflag:$0x5], $0x6000, $0x38;
	[tilespmem:$0x19800] =	vst v63  }
0x185: {  	v4 =	vld [tilespmem:s5+$0xC0];
	_ =	sdelay $0x4  }
0x186: {  	vm1 =	vne.s32 v4, $0x1  }
0x187: {  	v4 =	vsel vm1, $0x1, v0  }
0x188: {  	(xrf0) =	vadd.scan.msk.s32 $0xffff, v4;
	_ =	sdelay $0x4  }
0x189: {  	s17 =	spop (v2sf)  }
0x18a: {  	s12 =	sadd.s32 s12, s17;
	v4, _, _ =	vpop (xrf0)  }
0x18b: {  	v5 =	vmov s12;
	(v2sf) =	vpush v4, $0xF  }
0x18c: {  	v5 =	vadd.s32 $0x1, v5  }
0x18d: {  	v5 =	vbroadcast v5, $0x0;
	_ =	sdelay $0x1  }
0x18e: {  	v4 =	vadd.s32 v4, v5  }
0x18f: {  	v4 =	vnsel vm1, $0x1, v4  }
0x190: {  	[tilespmem:$0x1300] =	vst v4  }
0x191: {  	v5 =	vld [tilespmem:s5+$0xD0];
	_ =	sdelay $0x4  }
0x192: {  	vm1 =	vne.s32 v5, $0x1  }
0x193: {  	v5 =	vsel vm1, $0x1, v0  }
0x194: {  	(xrf0) =	vadd.scan.msk.s32 $0xffff, v5  }
0x195: {  	v5 =	vshrl.u32 v4, $0x3;
	s20 =	spop (v2sf)  }
0x196: {  	v5 =	vmul.u32 $0x30, v5;
	s12 =	sadd.s32 s12, s20  }
0x197: {  	v34 =	vmov s12  }
0x198: {  	v4 =	vand.u32 $0x7, v4;
	v6 =	vadd.s32 $0x1, v34  }
0x199: {  	v4 =	vor.u32 v4, v5;
	v6 =	vbroadcast v6, $0x0  }
0x19a: {  	v35 =	vperm.xlane v4, v1;
	v5, _, _ =	vpop (xrf0)  }
0x19b: {  	v6 =	vadd.s32 v5, v6  }
0x19c: {  	v7 =	vadd.s32 v2, v35;
	v6 =	vnsel vm1, $0x1, v6  }
0x19d: {  	[tilespmem:$0x1310] =	vst v6  }
0x19e: {  	_ =	swait.ge [sflag:s9], $0x6000  }
0x19f: {  	[sflag:s9] =	ssyncset.done $0x0  }
0x1a0: {  	s8 =	simm.s32 $0xD800;
	v4 =	vperm.xlane v4, v3;
	[sflag:s9] =	ssyncadd.s32 $0xFFFFA000  }
0x1a1: {  	[tilespmem:s8], [sflag:$0x3] =	stream.indirect_vreg.gather [hbm4b:s1+s3], $0x80, v7, vm0, $0xb8;
	[tilespmem:$0x19800] =	vst v63  }
0x1a2: {  	s30 =	simm.s32 $0xE000;
	v4 =	vadd.s32 v2, v4  }
0x1a3: {  	[tilespmem:s30], [sflag:$0x3] =	stream.indirect_vreg.gather [hbm4b:s6+s3], $0x80, v7, vm0, $0xb8;
	[tilespmem:$0x19800] =	vst v63  }
0x1a4: {  	s8 =	simm.s32 $0xE800  }
0x1a5: {  	[tilespmem:s8], [sflag:$0x3] =	stream.indirect_vreg.gather [hbm4b:s7+s3], $0x80, v7, vm0, $0xb8;
	[tilespmem:$0x19800] =	vst v63  }
0x1a6: {  	s16 =	simm.s32 $0xF000  }
0x1a7: {  	[tilespmem:s16], [sflag:$0x3] =	stream.indirect_vreg.gather [hbm4b:s1+s3], $0x80, v4, vm0, $0xb8;
	[tilespmem:$0x19800] =	vst v63  }
0x1a8: {  	s26 =	simm.s32 $0xF800  }
0x1a9: {  	[tilespmem:s26], [sflag:$0x3] =	stream.indirect_vreg.gather [hbm4b:s6+s3], $0x80, v4, vm0, $0xb8;
	[tilespmem:$0x19800] =	vst v63  }
0x1aa: {  	s23 =	simm.s32 $0x10000  }
0x1ab: {  	[tilespmem:s23], [sflag:$0x3] =	stream.indirect_vreg.gather [hbm4b:s7+s3], $0x80, v4, vm0, $0xb8;
	[tilespmem:$0x19800] =	vst v63  }
0x1ac: {  	v4 =	vld [tilespmem:$0x1310];
	_ =	sdelay $0x4  }
0x1ad: {  	v36 =	vshrl.u32 v4, $0x3  }
0x1ae: {  	v6 =	vmul.u32 $0x30, v36  }
0x1af: {  	v4 =	vand.u32 $0x7, v4  }
0x1b0: {  	v4 =	vor.u32 v4, v6  }
0x1b1: {  	v6 =	vperm.xlane v4, v1;
	_ =	sdelay $0x1  }
0x1b2: {  	v6 =	vadd.s32 v2, v6;
	_ =	sdelay $0x3  }
0x1b3: {  	s20 =	simm.s32 $0x10800;
	v4 =	vperm.xlane v4, v3  }
0x1b4: {  	[tilespmem:s20], [sflag:$0x3] =	stream.indirect_vreg.gather [hbm4b:s1+s3], $0x80, v6, vm0, $0xb8;
	[tilespmem:$0x19800] =	vst v63  }
0x1b5: {  	s23 =	simm.s32 $0x11000;
	v4 =	vadd.s32 v2, v4  }
0x1b6: {  	[tilespmem:s23], [sflag:$0x3] =	stream.indirect_vreg.gather [hbm4b:s6+s3], $0x80, v6, vm0, $0xb8;
	[tilespmem:$0x19800] =	vst v63  }
0x1b7: {  	s20 =	simm.s32 $0x11800  }
0x1b8: {  	[tilespmem:s20], [sflag:$0x3] =	stream.indirect_vreg.gather [hbm4b:s7+s3], $0x80, v6, vm0, $0xb8;
	[tilespmem:$0x19800] =	vst v63  }
0x1b9: {  	s23 =	simm.s32 $0x12000  }
0x1ba: {  	[tilespmem:s23], [sflag:$0x3] =	stream.indirect_vreg.gather [hbm4b:s1+s3], $0x80, v4, vm0, $0xb8;
	[tilespmem:$0x19800] =	vst v63  }
0x1bb: {  	s23 =	simm.s32 $0x12800  }
0x1bc: {  	[tilespmem:s23], [sflag:$0x3] =	stream.indirect_vreg.gather [hbm4b:s6+s3], $0x80, v4, vm0, $0xb8;
	[tilespmem:$0x19800] =	vst v63  }
0x1bd: {  	s20 =	simm.s32 $0x13000  }
0x1be: {  	[tilespmem:s20], [sflag:$0x3] =	stream.indirect_vreg.gather [hbm4b:s7+s3], $0x80, v4, vm0, $0xb8;
	[tilespmem:$0x19800] =	vst v63  }
0x1bf: {  	_ =	swait.ge [sflag:s31], $0x6000  }
0x1c0: {  	[sflag:s31] =	ssyncset.done $0x0;
	(v2sf) =	vpush v5, $0xF  }
0x1c1: {  	s14 =	simm.s32 $0x7800;
	s20 =	rddreg [dreg:$0xa];
	[sflag:s31] =	ssyncadd.s32 $0xFFFFA000  }
0x1c2: {  	[hbm4b:s20+s3] =	stream.linear.scatter [tilespmem:s14], [sflag:$0x6], $0x6000, $0x38;
	[tilespmem:$0x19800] =	vst v63  }
0x1c3: {  	v4 =	vld [tilespmem:s5+$0xE0];
	_ =	sdelay $0x4  }
0x1c4: {  	vm1 =	vne.s32 v4, $0x1  }
0x1c5: {  	v4 =	vsel vm1, $0x1, v0  }
0x1c6: {  	(xrf0) =	vadd.scan.msk.s32 $0xffff, v4;
	_ =	sdelay $0x4  }
0x1c7: {  	s14 =	spop (v2sf)  }
0x1c8: {  	s12 =	sadd.s32 s12, s14;
	v4, _, _ =	vpop (xrf0)  }
0x1c9: {  	v5 =	vmov s12;
	(v2sf) =	vpush v4, $0xF  }
0x1ca: {  	v5 =	vadd.s32 $0x1, v5  }
0x1cb: {  	v5 =	vbroadcast v5, $0x0;
	_ =	sdelay $0x1  }
0x1cc: {  	v4 =	vadd.s32 v4, v5  }
0x1cd: {  	v4 =	vnsel vm1, $0x1, v4  }
0x1ce: {  	[tilespmem:$0x1380] =	vst v4  }
0x1cf: {  	v5 =	vld [tilespmem:s5+$0xF0];
	_ =	sdelay $0x4  }
0x1d0: {  	vm1 =	vne.s32 v5, $0x1  }
0x1d1: {  	v5 =	vsel vm1, $0x1, v0  }
0x1d2: {  	(xrf0) =	vadd.scan.msk.s32 $0xffff, v5  }
0x1d3: {  	v5 =	vshrl.u32 v4, $0x3;
	s14 =	spop (v2sf)  }
0x1d4: {  	v5 =	vmul.u32 $0x30, v5;
	s12 =	sadd.s32 s12, s14  }
0x1d5: {  	v37 =	vmov s12  }
0x1d6: {  	v4 =	vand.u32 $0x7, v4;
	v6 =	vadd.s32 $0x1, v37  }
0x1d7: {  	v4 =	vor.u32 v4, v5;
	v6 =	vbroadcast v6, $0x0  }
0x1d8: {  	v38 =	vperm.xlane v4, v1;
	v5, _, _ =	vpop (xrf0)  }
0x1d9: {  	v6 =	vadd.s32 v5, v6  }
0x1da: {  	v7 =	vadd.s32 v2, v38;
	v6 =	vnsel vm1, $0x1, v6  }
0x1db: {  	[tilespmem:$0x1390] =	vst v6  }
0x1dc: {  	_ =	swait.ge [sflag:s10], $0x6000  }
0x1dd: {  	[sflag:s10] =	ssyncset.done $0x0  }
0x1de: {  	v4 =	vperm.xlane v4, v3;
	[sflag:s10] =	ssyncadd.s32 $0xFFFFA000  }
0x1df: {  	[tilespmem:s21], [sflag:$0x4] =	stream.indirect_vreg.gather [hbm4b:s1+s3], $0x80, v7, vm0, $0xb8;
	[tilespmem:$0x19800] =	vst v63  }
0x1e0: {  	s14 =	simm.s32 $0x14000;
	v4 =	vadd.s32 v2, v4  }
0x1e1: {  	[tilespmem:s14], [sflag:$0x4] =	stream.indirect_vreg.gather [hbm4b:s6+s3], $0x80, v7, vm0, $0xb8;
	[tilespmem:$0x19800] =	vst v63  }
0x1e2: {  	s14 =	simm.s32 $0x14800  }
0x1e3: {  	[tilespmem:s14], [sflag:$0x4] =	stream.indirect_vreg.gather [hbm4b:s7+s3], $0x80, v7, vm0, $0xb8;
	[tilespmem:$0x19800] =	vst v63  }
0x1e4: {  	s14 =	simm.s32 $0x15000  }
0x1e5: {  	[tilespmem:s14], [sflag:$0x4] =	stream.indirect_vreg.gather [hbm4b:s1+s3], $0x80, v4, vm0, $0xb8;
	[tilespmem:$0x19800] =	vst v63  }
0x1e6: {  	s14 =	simm.s32 $0x15800  }
0x1e7: {  	[tilespmem:s14], [sflag:$0x4] =	stream.indirect_vreg.gather [hbm4b:s6+s3], $0x80, v4, vm0, $0xb8;
	[tilespmem:$0x19800] =	vst v63  }
0x1e8: {  	s14 =	simm.s32 $0x16000  }
0x1e9: {  	[tilespmem:s14], [sflag:$0x4] =	stream.indirect_vreg.gather [hbm4b:s7+s3], $0x80, v4, vm0, $0xb8;
	[tilespmem:$0x19800] =	vst v63  }
0x1ea: {  	v4 =	vld [tilespmem:$0x1390];
	_ =	sdelay $0x4  }
0x1eb: {  	v39 =	vshrl.u32 v4, $0x3  }
0x1ec: {  	v6 =	vmul.u32 $0x30, v39  }
0x1ed: {  	v4 =	vand.u32 $0x7, v4  }
0x1ee: {  	v4 =	vor.u32 v4, v6  }
0x1ef: {  	v6 =	vperm.xlane v4, v1;
	_ =	sdelay $0x1  }
0x1f0: {  	v6 =	vadd.s32 v2, v6;
	_ =	sdelay $0x3  }
0x1f1: {  	s14 =	simm.s32 $0x16800;
	v4 =	vperm.xlane v4, v3  }
0x1f2: {  	[tilespmem:s14], [sflag:$0x4] =	stream.indirect_vreg.gather [hbm4b:s1+s3], $0x80, v6, vm0, $0xb8;
	[tilespmem:$0x19800] =	vst v63  }
0x1f3: {  	v4 =	vadd.s32 v2, v4;
	s14 =	simm.s32 $0x17000  }
0x1f4: {  	[tilespmem:s14], [sflag:$0x4] =	stream.indirect_vreg.gather [hbm4b:s6+s3], $0x80, v6, vm0, $0xb8;
	[tilespmem:$0x19800] =	vst v63  }
0x1f5: {  	s14 =	simm.s32 $0x17800  }
0x1f6: {  	[tilespmem:s14], [sflag:$0x4] =	stream.indirect_vreg.gather [hbm4b:s7+s3], $0x80, v6, vm0, $0xb8;
	[tilespmem:$0x19800] =	vst v63  }
0x1f7: {  	s14 =	simm.s32 $0x18000  }
0x1f8: {  	[tilespmem:s14], [sflag:$0x4] =	stream.indirect_vreg.gather [hbm4b:s1+s3], $0x80, v4, vm0, $0xb8;
	[tilespmem:$0x19800] =	vst v63  }
0x1f9: {  	s14 =	simm.s32 $0x18800  }
0x1fa: {  	[tilespmem:s14], [sflag:$0x4] =	stream.indirect_vreg.gather [hbm4b:s6+s3], $0x80, v4, vm0, $0xb8;
	[tilespmem:$0x19800] =	vst v63  }
0x1fb: {  	s14 =	simm.s32 $0x19000  }
0x1fc: {  	[tilespmem:s14], [sflag:$0x4] =	stream.indirect_vreg.gather [hbm4b:s7+s3], $0x80, v4, vm0, $0xb8;
	[tilespmem:$0x19800] =	vst v63  }
0x1fd: {  	_ =	swait.ge [sflag:s22], $0x6000  }
0x1fe: {  	[sflag:s22] =	ssyncset.done $0x0;
	(v2sf) =	vpush v5, $0xF  }
0x1ff: {  	s17 =	simm.s32 $0xD800;
	s14 =	rddreg [dreg:$0xb];
	[sflag:s22] =	ssyncadd.s32 $0xFFFFA000  }
0x200: {  	[hbm4b:s14+s3] =	stream.linear.scatter [tilespmem:s17], [sflag:$0x7], $0x6000, $0x38;
	[tilespmem:$0x19800] =	vst v63  }
0x201: {  	v4 =	vld [tilespmem:s5+$0x100];
	_ =	sdelay $0x4  }
0x202: {  	vm1 =	vne.s32 v4, $0x1  }
0x203: {  	v4 =	vsel vm1, $0x1, v0  }
0x204: {  	(xrf0) =	vadd.scan.msk.s32 $0xffff, v4;
	_ =	sdelay $0x4  }
0x205: {  	s17 =	spop (v2sf)  }
0x206: {  	s12 =	sadd.s32 s12, s17;
	v4, _, _ =	vpop (xrf0)  }
0x207: {  	v5 =	vmov s12;
	(v2sf) =	vpush v4, $0xF  }
0x208: {  	v5 =	vadd.s32 $0x1, v5  }
0x209: {  	v5 =	vbroadcast v5, $0x0;
	_ =	sdelay $0x1  }
0x20a: {  	v4 =	vadd.s32 v4, v5  }
0x20b: {  	v4 =	vnsel vm1, $0x1, v4  }
0x20c: {  	[tilespmem:$0x1400] =	vst v4  }
0x20d: {  	v5 =	vld [tilespmem:s5+$0x110];
	_ =	sdelay $0x4  }
0x20e: {  	vm1 =	vne.s32 v5, $0x1  }
0x20f: {  	v5 =	vsel vm1, $0x1, v0  }
0x210: {  	(xrf0) =	vadd.scan.msk.s32 $0xffff, v5  }
0x211: {  	v5 =	vshrl.u32 v4, $0x3;
	s17 =	spop (v2sf)  }
0x212: {  	v5 =	vmul.u32 $0x30, v5;
	s12 =	sadd.s32 s12, s17  }
0x213: {  	v40 =	vmov s12  }
0x214: {  	v4 =	vand.u32 $0x7, v4;
	v6 =	vadd.s32 $0x1, v40  }
0x215: {  	v4 =	vor.u32 v4, v5;
	v6 =	vbroadcast v6, $0x0  }
0x216: {  	v41 =	vperm.xlane v4, v1;
	v5, _, _ =	vpop (xrf0)  }
0x217: {  	v6 =	vadd.s32 v5, v6  }
0x218: {  	v7 =	vadd.s32 v2, v41;
	v6 =	vnsel vm1, $0x1, v6  }
0x219: {  	[tilespmem:$0x1410] =	vst v6  }
0x21a: {  	_ =	swait.ge [sflag:s0], $0x6000  }
0x21b: {  	[sflag:s0] =	ssyncset.done $0x0  }
0x21c: {  	s19 =	simm.s32 $0x1800;
	v4 =	vperm.xlane v4, v3;
	[sflag:s0] =	ssyncadd.s32 $0xFFFFA000  }
0x21d: {  	[tilespmem:s19], [sflag:$0x1] =	stream.indirect_vreg.gather [hbm4b:s1+s3], $0x80, v7, vm0, $0xb8;
	[tilespmem:$0x19800] =	vst v63  }
0x21e: {  	s17 =	simm.s32 $0x2000;
	v4 =	vadd.s32 v2, v4  }
0x21f: {  	[tilespmem:s17], [sflag:$0x1] =	stream.indirect_vreg.gather [hbm4b:s6+s3], $0x80, v7, vm0, $0xb8;
	[tilespmem:$0x19800] =	vst v63  }
0x220: {  	_ = 	snop  }
0x221: {  	[tilespmem:s18], [sflag:$0x1] =	stream.indirect_vreg.gather [hbm4b:s7+s3], $0x80, v7, vm0, $0xb8;
	[tilespmem:$0x19800] =	vst v63  }
0x222: {  	s17 =	simm.s32 $0x3000  }
0x223: {  	[tilespmem:s17], [sflag:$0x1] =	stream.indirect_vreg.gather [hbm4b:s1+s3], $0x80, v4, vm0, $0xb8;
	[tilespmem:$0x19800] =	vst v63  }
0x224: {  	s17 =	simm.s32 $0x3800  }
0x225: {  	[tilespmem:s17], [sflag:$0x1] =	stream.indirect_vreg.gather [hbm4b:s6+s3], $0x80, v4, vm0, $0xb8;
	[tilespmem:$0x19800] =	vst v63  }
0x226: {  	s17 =	simm.s32 $0x4000  }
0x227: {  	[tilespmem:s17], [sflag:$0x1] =	stream.indirect_vreg.gather [hbm4b:s7+s3], $0x80, v4, vm0, $0xb8;
	[tilespmem:$0x19800] =	vst v63  }
0x228: {  	v4 =	vld [tilespmem:$0x1410];
	_ =	sdelay $0x4  }
0x229: {  	v42 =	vshrl.u32 v4, $0x3  }
0x22a: {  	v6 =	vmul.u32 $0x30, v42  }
0x22b: {  	v4 =	vand.u32 $0x7, v4  }
0x22c: {  	v4 =	vor.u32 v4, v6  }
0x22d: {  	v6 =	vperm.xlane v4, v1;
	_ =	sdelay $0x1  }
0x22e: {  	v6 =	vadd.s32 v2, v6;
	_ =	sdelay $0x3  }
0x22f: {  	s17 =	simm.s32 $0x4800;
	v4 =	vperm.xlane v4, v3  }
0x230: {  	[tilespmem:s17], [sflag:$0x1] =	stream.indirect_vreg.gather [hbm4b:s1+s3], $0x80, v6, vm0, $0xb8;
	[tilespmem:$0x19800] =	vst v63  }
0x231: {  	v4 =	vadd.s32 v2, v4;
	s17 =	simm.s32 $0x5000  }
0x232: {  	[tilespmem:s17], [sflag:$0x1] =	stream.indirect_vreg.gather [hbm4b:s6+s3], $0x80, v6, vm0, $0xb8;
	[tilespmem:$0x19800] =	vst v63  }
0x233: {  	s17 =	simm.s32 $0x5800  }
0x234: {  	[tilespmem:s17], [sflag:$0x1] =	stream.indirect_vreg.gather [hbm4b:s7+s3], $0x80, v6, vm0, $0xb8;
	[tilespmem:$0x19800] =	vst v63  }
0x235: {  	s17 =	simm.s32 $0x6000  }
0x236: {  	[tilespmem:s17], [sflag:$0x1] =	stream.indirect_vreg.gather [hbm4b:s1+s3], $0x80, v4, vm0, $0xb8;
	[tilespmem:$0x19800] =	vst v63  }
0x237: {  	s17 =	simm.s32 $0x6800  }
0x238: {  	[tilespmem:s17], [sflag:$0x1] =	stream.indirect_vreg.gather [hbm4b:s6+s3], $0x80, v4, vm0, $0xb8;
	[tilespmem:$0x19800] =	vst v63  }
0x239: {  	s17 =	simm.s32 $0x7000  }
0x23a: {  	[tilespmem:s17], [sflag:$0x1] =	stream.indirect_vreg.gather [hbm4b:s7+s3], $0x80, v4, vm0, $0xb8;
	[tilespmem:$0x19800] =	vst v63  }
0x23b: {  	_ =	swait.ge [sflag:s2], $0x6000  }
0x23c: {  	[sflag:s2] =	ssyncset.done $0x0;
	(v2sf) =	vpush v5, $0xF  }
0x23d: {  	s17 =	rddreg [dreg:$0xc];
	[sflag:s2] =	ssyncadd.s32 $0xFFFFA000  }
0x23e: {  	[hbm4b:s17+s3] =	stream.linear.scatter [tilespmem:s21], [sflag:$0x8], $0x6000, $0x38;
	[tilespmem:$0x19800] =	vst v63  }
0x23f: {  	v4 =	vld [tilespmem:s5+$0x120];
	_ =	sdelay $0x4  }
0x240: {  	vm1 =	vne.s32 v4, $0x1  }
0x241: {  	v4 =	vsel vm1, $0x1, v0  }
0x242: {  	(xrf0) =	vadd.scan.msk.s32 $0xffff, v4;
	_ =	sdelay $0x4  }
0x243: {  	s17 =	spop (v2sf)  }
0x244: {  	s12 =	sadd.s32 s12, s17;
	v4, _, _ =	vpop (xrf0)  }
0x245: {  	v5 =	vmov s12;
	(v2sf) =	vpush v4, $0xF  }
0x246: {  	v5 =	vadd.s32 $0x1, v5  }
0x247: {  	v5 =	vbroadcast v5, $0x0;
	_ =	sdelay $0x1  }
0x248: {  	v4 =	vadd.s32 v4, v5  }
0x249: {  	v4 =	vnsel vm1, $0x1, v4  }
0x24a: {  	[tilespmem:$0x1480] =	vst v4  }
0x24b: {  	v5 =	vld [tilespmem:s5+$0x130];
	_ =	sdelay $0x4  }
0x24c: {  	vm1 =	vne.s32 v5, $0x1  }
0x24d: {  	v5 =	vsel vm1, $0x1, v0  }
0x24e: {  	(xrf0) =	vadd.scan.msk.s32 $0xffff, v5  }
0x24f: {  	v5 =	vshrl.u32 v4, $0x3;
	s17 =	spop (v2sf)  }
0x250: {  	v5 =	vmul.u32 $0x30, v5;
	s12 =	sadd.s32 s12, s17  }
0x251: {  	v43 =	vmov s12  }
0x252: {  	v4 =	vand.u32 $0x7, v4;
	v6 =	vadd.s32 $0x1, v43  }
0x253: {  	v4 =	vor.u32 v4, v5;
	v6 =	vbroadcast v6, $0x0  }
0x254: {  	v44 =	vperm.xlane v4, v1;
	v5, _, _ =	vpop (xrf0)  }
0x255: {  	v6 =	vadd.s32 v5, v6  }
0x256: {  	v7 =	vadd.s32 v2, v44;
	v6 =	vnsel vm1, $0x1, v6  }
0x257: {  	[tilespmem:$0x1490] =	vst v6  }
0x258: {  	_ =	swait.ge [sflag:s4], $0x6000  }
0x259: {  	[sflag:s4] =	ssyncset.done $0x0  }
0x25a: {  	s20 =	simm.s32 $0x7800;
	v4 =	vperm.xlane v4, v3;
	[sflag:s4] =	ssyncadd.s32 $0xFFFFA000  }
0x25b: {  	[tilespmem:s20], [sflag:$0x2] =	stream.indirect_vreg.gather [hbm4b:s1+s3], $0x80, v7, vm0, $0xb8;
	[tilespmem:$0x19800] =	vst v63  }
0x25c: {  	s17 =	simm.s32 $0x8000;
	v4 =	vadd.s32 v2, v4  }
0x25d: {  	[tilespmem:s17], [sflag:$0x2] =	stream.indirect_vreg.gather [hbm4b:s6+s3], $0x80, v7, vm0, $0xb8;
	[tilespmem:$0x19800] =	vst v63  }
0x25e: {  	s17 =	simm.s32 $0x8800  }
0x25f: {  	[tilespmem:s17], [sflag:$0x2] =	stream.indirect_vreg.gather [hbm4b:s7+s3], $0x80, v7, vm0, $0xb8;
	[tilespmem:$0x19800] =	vst v63  }
0x260: {  	s17 =	simm.s32 $0x9000  }
0x261: {  	[tilespmem:s17], [sflag:$0x2] =	stream.indirect_vreg.gather [hbm4b:s1+s3], $0x80, v4, vm0, $0xb8;
	[tilespmem:$0x19800] =	vst v63  }
0x262: {  	s17 =	simm.s32 $0x9800  }
0x263: {  	[tilespmem:s17], [sflag:$0x2] =	stream.indirect_vreg.gather [hbm4b:s6+s3], $0x80, v4, vm0, $0xb8;
	[tilespmem:$0x19800] =	vst v63  }
0x264: {  	s17 =	simm.s32 $0xA000  }
0x265: {  	[tilespmem:s17], [sflag:$0x2] =	stream.indirect_vreg.gather [hbm4b:s7+s3], $0x80, v4, vm0, $0xb8;
	[tilespmem:$0x19800] =	vst v63  }
0x266: {  	v4 =	vld [tilespmem:$0x1490];
	_ =	sdelay $0x4  }
0x267: {  	v45 =	vshrl.u32 v4, $0x3  }
0x268: {  	v6 =	vmul.u32 $0x30, v45  }
0x269: {  	v4 =	vand.u32 $0x7, v4  }
0x26a: {  	v4 =	vor.u32 v4, v6  }
0x26b: {  	v6 =	vperm.xlane v4, v1;
	_ =	sdelay $0x1  }
0x26c: {  	v6 =	vadd.s32 v2, v6;
	_ =	sdelay $0x3  }
0x26d: {  	s17 =	simm.s32 $0xA800;
	v4 =	vperm.xlane v4, v3  }
0x26e: {  	[tilespmem:s17], [sflag:$0x2] =	stream.indirect_vreg.gather [hbm4b:s1+s3], $0x80, v6, vm0, $0xb8;
	[tilespmem:$0x19800] =	vst v63  }
0x26f: {  	v4 =	vadd.s32 v2, v4;
	s17 =	simm.s32 $0xB000  }
0x270: {  	[tilespmem:s17], [sflag:$0x2] =	stream.indirect_vreg.gather [hbm4b:s6+s3], $0x80, v6, vm0, $0xb8;
	[tilespmem:$0x19800] =	vst v63  }
0x271: {  	_ = 	snop  }
0x272: {  	[tilespmem:s28], [sflag:$0x2] =	stream.indirect_vreg.gather [hbm4b:s7+s3], $0x80, v6, vm0, $0xb8;
	[tilespmem:$0x19800] =	vst v63  }
0x273: {  	_ = 	snop  }
0x274: {  	[tilespmem:s25], [sflag:$0x2] =	stream.indirect_vreg.gather [hbm4b:s1+s3], $0x80, v4, vm0, $0xb8;
	[tilespmem:$0x19800] =	vst v63  }
0x275: {  	_ = 	snop  }
0x276: {  	[tilespmem:s29], [sflag:$0x2] =	stream.indirect_vreg.gather [hbm4b:s6+s3], $0x80, v4, vm0, $0xb8;
	[tilespmem:$0x19800] =	vst v63  }
0x277: {  	_ = 	snop  }
0x278: {  	[tilespmem:s24], [sflag:$0x2] =	stream.indirect_vreg.gather [hbm4b:s7+s3], $0x80, v4, vm0, $0xb8;
	[tilespmem:$0x19800] =	vst v63  }
0x279: {  	_ =	swait.ge [sflag:s15], $0x6000  }
0x27a: {  	[sflag:s15] =	ssyncset.done $0x0;
	(v2sf) =	vpush v5, $0xF  }
0x27b: {  	s19 =	simm.s32 $0x1800;
	s28 =	rddreg [dreg:$0xd];
	[sflag:s15] =	ssyncadd.s32 $0xFFFFA000  }
0x27c: {  	[hbm4b:s28+s3] =	stream.linear.scatter [tilespmem:s19], [sflag:$0x5], $0x6000, $0x38;
	[tilespmem:$0x19800] =	vst v63  }
0x27d: {  	v4 =	vld [tilespmem:s5+$0x140];
	_ =	sdelay $0x4  }
0x27e: {  	vm1 =	vne.s32 v4, $0x1  }
0x27f: {  	v4 =	vsel vm1, $0x1, v0  }
0x280: {  	(xrf0) =	vadd.scan.msk.s32 $0xffff, v4;
	_ =	sdelay $0x4  }
0x281: {  	s17 =	spop (v2sf)  }
0x282: {  	s12 =	sadd.s32 s12, s17;
	v4, _, _ =	vpop (xrf0)  }
0x283: {  	v5 =	vmov s12;
	(v2sf) =	vpush v4, $0xF  }
0x284: {  	v5 =	vadd.s32 $0x1, v5  }
0x285: {  	v5 =	vbroadcast v5, $0x0;
	_ =	sdelay $0x1  }
0x286: {  	v4 =	vadd.s32 v4, v5  }
0x287: {  	v4 =	vnsel vm1, $0x1, v4  }
0x288: {  	[tilespmem:$0x1500] =	vst v4  }
0x289: {  	v5 =	vld [tilespmem:s5+$0x150];
	_ =	sdelay $0x4  }
0x28a: {  	vm1 =	vne.s32 v5, $0x1  }
0x28b: {  	v5 =	vsel vm1, $0x1, v0  }
0x28c: {  	(xrf0) =	vadd.scan.msk.s32 $0xffff, v5  }
0x28d: {  	v5 =	vshrl.u32 v4, $0x3;
	s28 =	spop (v2sf)  }
0x28e: {  	v5 =	vmul.u32 $0x30, v5;
	s12 =	sadd.s32 s12, s28  }
0x28f: {  	v46 =	vmov s12  }
0x290: {  	v4 =	vand.u32 $0x7, v4;
	v6 =	vadd.s32 $0x1, v46  }
0x291: {  	v4 =	vor.u32 v4, v5;
	v6 =	vbroadcast v6, $0x0  }
0x292: {  	v47 =	vperm.xlane v4, v1;
	v5, _, _ =	vpop (xrf0)  }
0x293: {  	v6 =	vadd.s32 v5, v6  }
0x294: {  	v7 =	vadd.s32 v2, v47;
	v6 =	vnsel vm1, $0x1, v6  }
0x295: {  	[tilespmem:$0x1510] =	vst v6  }
0x296: {  	_ =	swait.ge [sflag:s9], $0x6000  }
0x297: {  	[sflag:s9] =	ssyncset.done $0x0  }
0x298: {  	s14 =	simm.s32 $0xD800;
	v4 =	vperm.xlane v4, v3;
	[sflag:s9] =	ssyncadd.s32 $0xFFFFA000  }
0x299: {  	[tilespmem:s14], [sflag:$0x3] =	stream.indirect_vreg.gather [hbm4b:s1+s3], $0x80, v7, vm0, $0xb8;
	[tilespmem:$0x19800] =	vst v63  }
0x29a: {  	v4 =	vadd.s32 v2, v4  }
0x29b: {  	[tilespmem:s30], [sflag:$0x3] =	stream.indirect_vreg.gather [hbm4b:s6+s3], $0x80, v7, vm0, $0xb8;
	[tilespmem:$0x19800] =	vst v63  }
0x29c: {  	_ = 	snop  }
0x29d: {  	[tilespmem:s8], [sflag:$0x3] =	stream.indirect_vreg.gather [hbm4b:s7+s3], $0x80, v7, vm0, $0xb8;
	[tilespmem:$0x19800] =	vst v63  }
0x29e: {  	_ = 	snop  }
0x29f: {  	[tilespmem:s16], [sflag:$0x3] =	stream.indirect_vreg.gather [hbm4b:s1+s3], $0x80, v4, vm0, $0xb8;
	[tilespmem:$0x19800] =	vst v63  }
0x2a0: {  	_ = 	snop  }
0x2a1: {  	[tilespmem:s26], [sflag:$0x3] =	stream.indirect_vreg.gather [hbm4b:s6+s3], $0x80, v4, vm0, $0xb8;
	[tilespmem:$0x19800] =	vst v63  }
0x2a2: {  	s17 =	simm.s32 $0x10000  }
0x2a3: {  	[tilespmem:s17], [sflag:$0x3] =	stream.indirect_vreg.gather [hbm4b:s7+s3], $0x80, v4, vm0, $0xb8;
	[tilespmem:$0x19800] =	vst v63  }
0x2a4: {  	v4 =	vld [tilespmem:$0x1510];
	_ =	sdelay $0x4  }
0x2a5: {  	v48 =	vshrl.u32 v4, $0x3  }
0x2a6: {  	v6 =	vmul.u32 $0x30, v48  }
0x2a7: {  	v4 =	vand.u32 $0x7, v4  }
0x2a8: {  	v4 =	vor.u32 v4, v6  }
0x2a9: {  	v6 =	vperm.xlane v4, v1;
	_ =	sdelay $0x1  }
0x2aa: {  	v6 =	vadd.s32 v2, v6;
	_ =	sdelay $0x3  }
0x2ab: {  	s30 =	simm.s32 $0x10800;
	v4 =	vperm.xlane v4, v3  }
0x2ac: {  	[tilespmem:s30], [sflag:$0x3] =	stream.indirect_vreg.gather [hbm4b:s1+s3], $0x80, v6, vm0, $0xb8;
	[tilespmem:$0x19800] =	vst v63  }
0x2ad: {  	s17 =	simm.s32 $0x11000;
	v4 =	vadd.s32 v2, v4  }
0x2ae: {  	[tilespmem:s17], [sflag:$0x3] =	stream.indirect_vreg.gather [hbm4b:s6+s3], $0x80, v6, vm0, $0xb8;
	[tilespmem:$0x19800] =	vst v63  }
0x2af: {  	s30 =	simm.s32 $0x11800  }
0x2b0: {  	[tilespmem:s30], [sflag:$0x3] =	stream.indirect_vreg.gather [hbm4b:s7+s3], $0x80, v6, vm0, $0xb8;
	[tilespmem:$0x19800] =	vst v63  }
0x2b1: {  	s30 =	simm.s32 $0x12000  }
0x2b2: {  	[tilespmem:s30], [sflag:$0x3] =	stream.indirect_vreg.gather [hbm4b:s1+s3], $0x80, v4, vm0, $0xb8;
	[tilespmem:$0x19800] =	vst v63  }
0x2b3: {  	_ = 	snop  }
0x2b4: {  	[tilespmem:s23], [sflag:$0x3] =	stream.indirect_vreg.gather [hbm4b:s6+s3], $0x80, v4, vm0, $0xb8;
	[tilespmem:$0x19800] =	vst v63  }
0x2b5: {  	s30 =	simm.s32 $0x13000  }
0x2b6: {  	[tilespmem:s30], [sflag:$0x3] =	stream.indirect_vreg.gather [hbm4b:s7+s3], $0x80, v4, vm0, $0xb8;
	[tilespmem:$0x19800] =	vst v63  }
0x2b7: {  	_ =	swait.ge [sflag:s31], $0x6000  }
0x2b8: {  	[sflag:s31] =	ssyncset.done $0x0;
	(v2sf) =	vpush v5, $0xF  }
0x2b9: {  	s20 =	simm.s32 $0x7800;
	s30 =	rddreg [dreg:$0xe];
	[sflag:s31] =	ssyncadd.s32 $0xFFFFA000  }
0x2ba: {  	[hbm4b:s30+s3] =	stream.linear.scatter [tilespmem:s20], [sflag:$0x6], $0x6000, $0x38;
	[tilespmem:$0x19800] =	vst v63  }
0x2bb: {  	v4 =	vld [tilespmem:s5+$0x160];
	_ =	sdelay $0x4  }
0x2bc: {  	vm1 =	vne.s32 v4, $0x1  }
0x2bd: {  	v4 =	vsel vm1, $0x1, v0  }
0x2be: {  	(xrf0) =	vadd.scan.msk.s32 $0xffff, v4;
	_ =	sdelay $0x4  }
0x2bf: {  	s30 =	spop (v2sf)  }
0x2c0: {  	s12 =	sadd.s32 s12, s30;
	v4, _, _ =	vpop (xrf0)  }
0x2c1: {  	v5 =	vmov s12;
	(v2sf) =	vpush v4, $0xF  }
0x2c2: {  	v5 =	vadd.s32 $0x1, v5  }
0x2c3: {  	v5 =	vbroadcast v5, $0x0;
	_ =	sdelay $0x1  }
0x2c4: {  	v4 =	vadd.s32 v4, v5  }
0x2c5: {  	v4 =	vnsel vm1, $0x1, v4  }
0x2c6: {  	[tilespmem:$0x1580] =	vst v4  }
0x2c7: {  	v5 =	vld [tilespmem:s5+$0x170];
	_ =	sdelay $0x4  }
0x2c8: {  	vm1 =	vne.s32 v5, $0x1  }
0x2c9: {  	v5 =	vsel vm1, $0x1, v0  }
0x2ca: {  	(xrf0) =	vadd.scan.msk.s32 $0xffff, v5  }
0x2cb: {  	v5 =	vshrl.u32 v4, $0x3;
	s30 =	spop (v2sf)  }
0x2cc: {  	v5 =	vmul.u32 $0x30, v5;
	s12 =	sadd.s32 s12, s30  }
0x2cd: {  	v49 =	vmov s12  }
0x2ce: {  	v4 =	vand.u32 $0x7, v4;
	v6 =	vadd.s32 $0x1, v49  }
0x2cf: {  	v4 =	vor.u32 v4, v5;
	v6 =	vbroadcast v6, $0x0  }
0x2d0: {  	v50 =	vperm.xlane v4, v1;
	v5, _, _ =	vpop (xrf0)  }
0x2d1: {  	v6 =	vadd.s32 v5, v6  }
0x2d2: {  	v7 =	vadd.s32 v2, v50;
	v6 =	vnsel vm1, $0x1, v6  }
0x2d3: {  	[tilespmem:$0x1590] =	vst v6  }
0x2d4: {  	_ =	swait.ge [sflag:s10], $0x6000  }
0x2d5: {  	[sflag:s10] =	ssyncset.done $0x0  }
0x2d6: {  	v4 =	vperm.xlane v4, v3;
	[sflag:s10] =	ssyncadd.s32 $0xFFFFA000  }
0x2d7: {  	[tilespmem:s21], [sflag:$0x4] =	stream.indirect_vreg.gather [hbm4b:s1+s3], $0x80, v7, vm0, $0xb8;
	[tilespmem:$0x19800] =	vst v63  }
0x2d8: {  	s30 =	simm.s32 $0x14000;
	v4 =	vadd.s32 v2, v4  }
0x2d9: {  	[tilespmem:s30], [sflag:$0x4] =	stream.indirect_vreg.gather [hbm4b:s6+s3], $0x80, v7, vm0, $0xb8;
	[tilespmem:$0x19800] =	vst v63  }
0x2da: {  	s13 =	simm.s32 $0x14800  }
0x2db: {  	[tilespmem:s13], [sflag:$0x4] =	stream.indirect_vreg.gather [hbm4b:s7+s3], $0x80, v7, vm0, $0xb8;
	[tilespmem:$0x19800] =	vst v63  }
0x2dc: {  	s13 =	simm.s32 $0x15000  }
0x2dd: {  	[tilespmem:s13], [sflag:$0x4] =	stream.indirect_vreg.gather [hbm4b:s1+s3], $0x80, v4, vm0, $0xb8;
	[tilespmem:$0x19800] =	vst v63  }
0x2de: {  	s13 =	simm.s32 $0x15800  }
0x2df: {  	[tilespmem:s13], [sflag:$0x4] =	stream.indirect_vreg.gather [hbm4b:s6+s3], $0x80, v4, vm0, $0xb8;
	[tilespmem:$0x19800] =	vst v63  }
0x2e0: {  	s13 =	simm.s32 $0x16000  }
0x2e1: {  	[tilespmem:s13], [sflag:$0x4] =	stream.indirect_vreg.gather [hbm4b:s7+s3], $0x80, v4, vm0, $0xb8;
	[tilespmem:$0x19800] =	vst v63  }
0x2e2: {  	v4 =	vld [tilespmem:$0x1590];
	_ =	sdelay $0x4  }
0x2e3: {  	v51 =	vshrl.u32 v4, $0x3  }
0x2e4: {  	v6 =	vmul.u32 $0x30, v51  }
0x2e5: {  	v4 =	vand.u32 $0x7, v4  }
0x2e6: {  	v4 =	vor.u32 v4, v6  }
0x2e7: {  	v6 =	vperm.xlane v4, v1;
	_ =	sdelay $0x1  }
0x2e8: {  	v6 =	vadd.s32 v2, v6;
	_ =	sdelay $0x3  }
0x2e9: {  	s13 =	simm.s32 $0x16800;
	v4 =	vperm.xlane v4, v3  }
0x2ea: {  	[tilespmem:s13], [sflag:$0x4] =	stream.indirect_vreg.gather [hbm4b:s1+s3], $0x80, v6, vm0, $0xb8;
	[tilespmem:$0x19800] =	vst v63  }
0x2eb: {  	v4 =	vadd.s32 v2, v4;
	s13 =	simm.s32 $0x17000  }
0x2ec: {  	[tilespmem:s13], [sflag:$0x4] =	stream.indirect_vreg.gather [hbm4b:s6+s3], $0x80, v6, vm0, $0xb8;
	[tilespmem:$0x19800] =	vst v63  }
0x2ed: {  	s13 =	simm.s32 $0x17800  }
0x2ee: {  	[tilespmem:s13], [sflag:$0x4] =	stream.indirect_vreg.gather [hbm4b:s7+s3], $0x80, v6, vm0, $0xb8;
	[tilespmem:$0x19800] =	vst v63  }
0x2ef: {  	s13 =	simm.s32 $0x18000  }
0x2f0: {  	[tilespmem:s13], [sflag:$0x4] =	stream.indirect_vreg.gather [hbm4b:s1+s3], $0x80, v4, vm0, $0xb8;
	[tilespmem:$0x19800] =	vst v63  }
0x2f1: {  	s13 =	simm.s32 $0x18800  }
0x2f2: {  	[tilespmem:s13], [sflag:$0x4] =	stream.indirect_vreg.gather [hbm4b:s6+s3], $0x80, v4, vm0, $0xb8;
	[tilespmem:$0x19800] =	vst v63  }
0x2f3: {  	s13 =	simm.s32 $0x19000  }
0x2f4: {  	[tilespmem:s13], [sflag:$0x4] =	stream.indirect_vreg.gather [hbm4b:s7+s3], $0x80, v4, vm0, $0xb8;
	[tilespmem:$0x19800] =	vst v63  }
0x2f5: {  	_ =	swait.ge [sflag:s22], $0x6000  }
0x2f6: {  	[sflag:s22] =	ssyncset.done $0x0;
	(v2sf) =	vpush v5, $0xF  }
0x2f7: {  	s13 =	rddreg [dreg:$0xf];
	[sflag:s22] =	ssyncadd.s32 $0xFFFFA000  }
0x2f8: {  	[hbm4b:s13+s3] =	stream.linear.scatter [tilespmem:s14], [sflag:$0x7], $0x6000, $0x38;
	[tilespmem:$0x19800] =	vst v63  }
0x2f9: {  	v4 =	vld [tilespmem:s5+$0x180];
	_ =	sdelay $0x4  }
0x2fa: {  	vm1 =	vne.s32 v4, $0x1  }
0x2fb: {  	v4 =	vsel vm1, $0x1, v0  }
0x2fc: {  	(xrf0) =	vadd.scan.msk.s32 $0xffff, v4;
	_ =	sdelay $0x4  }
0x2fd: {  	s13 =	spop (v2sf)  }
0x2fe: {  	s12 =	sadd.s32 s12, s13;
	v4, _, _ =	vpop (xrf0)  }
0x2ff: {  	v5 =	vmov s12;
	(v2sf) =	vpush v4, $0xF  }
0x300: {  	v5 =	vadd.s32 $0x1, v5  }
0x301: {  	v5 =	vbroadcast v5, $0x0;
	_ =	sdelay $0x1  }
0x302: {  	v4 =	vadd.s32 v4, v5  }
0x303: {  	v4 =	vnsel vm1, $0x1, v4  }
0x304: {  	[tilespmem:$0x1600] =	vst v4  }
0x305: {  	v5 =	vld [tilespmem:s5+$0x190];
	_ =	sdelay $0x4  }
0x306: {  	vm1 =	vne.s32 v5, $0x1  }
0x307: {  	v5 =	vsel vm1, $0x1, v0  }
0x308: {  	(xrf0) =	vadd.scan.msk.s32 $0xffff, v5  }
0x309: {  	v5 =	vshrl.u32 v4, $0x3;
	s13 =	spop (v2sf)  }
0x30a: {  	v5 =	vmul.u32 $0x30, v5;
	s12 =	sadd.s32 s12, s13  }
0x30b: {  	v52 =	vmov s12  }
0x30c: {  	v4 =	vand.u32 $0x7, v4;
	v6 =	vadd.s32 $0x1, v52  }
0x30d: {  	v4 =	vor.u32 v4, v5;
	v6 =	vbroadcast v6, $0x0  }
0x30e: {  	v53 =	vperm.xlane v4, v1;
	v5, _, _ =	vpop (xrf0)  }
0x30f: {  	v6 =	vadd.s32 v5, v6  }
0x310: {  	v7 =	vadd.s32 v2, v53;
	v6 =	vnsel vm1, $0x1, v6  }
0x311: {  	[tilespmem:$0x1610] =	vst v6  }
0x312: {  	_ =	swait.ge [sflag:s0], $0x6000  }
0x313: {  	[sflag:s0] =	ssyncset.done $0x0  }
0x314: {  	v4 =	vperm.xlane v4, v3;
	[sflag:s0] =	ssyncadd.s32 $0xFFFFA000  }
0x315: {  	[tilespmem:s19], [sflag:$0x1] =	stream.indirect_vreg.gather [hbm4b:s1+s3], $0x80, v7, vm0, $0xb8;
	[tilespmem:$0x19800] =	vst v63  }
0x316: {  	s13 =	simm.s32 $0x2000;
	v4 =	vadd.s32 v2, v4  }
0x317: {  	[tilespmem:s13], [sflag:$0x1] =	stream.indirect_vreg.gather [hbm4b:s6+s3], $0x80, v7, vm0, $0xb8;
	[tilespmem:$0x19800] =	vst v63  }
0x318: {  	s18 =	simm.s32 $0x2800  }
0x319: {  	[tilespmem:s18], [sflag:$0x1] =	stream.indirect_vreg.gather [hbm4b:s7+s3], $0x80, v7, vm0, $0xb8;
	[tilespmem:$0x19800] =	vst v63  }
0x31a: {  	s18 =	simm.s32 $0x3000  }
0x31b: {  	[tilespmem:s18], [sflag:$0x1] =	stream.indirect_vreg.gather [hbm4b:s1+s3], $0x80, v4, vm0, $0xb8;
	[tilespmem:$0x19800] =	vst v63  }
0x31c: {  	s18 =	simm.s32 $0x3800  }
0x31d: {  	[tilespmem:s18], [sflag:$0x1] =	stream.indirect_vreg.gather [hbm4b:s6+s3], $0x80, v4, vm0, $0xb8;
	[tilespmem:$0x19800] =	vst v63  }
0x31e: {  	s18 =	simm.s32 $0x4000  }
0x31f: {  	[tilespmem:s18], [sflag:$0x1] =	stream.indirect_vreg.gather [hbm4b:s7+s3], $0x80, v4, vm0, $0xb8;
	[tilespmem:$0x19800] =	vst v63  }
0x320: {  	v4 =	vld [tilespmem:$0x1610];
	_ =	sdelay $0x4  }
0x321: {  	v54 =	vshrl.u32 v4, $0x3  }
0x322: {  	v6 =	vmul.u32 $0x30, v54  }
0x323: {  	v4 =	vand.u32 $0x7, v4  }
0x324: {  	v4 =	vor.u32 v4, v6  }
0x325: {  	v6 =	vperm.xlane v4, v1;
	_ =	sdelay $0x1  }
0x326: {  	v6 =	vadd.s32 v2, v6;
	_ =	sdelay $0x3  }
0x327: {  	s18 =	simm.s32 $0x4800;
	v4 =	vperm.xlane v4, v3  }
0x328: {  	[tilespmem:s18], [sflag:$0x1] =	stream.indirect_vreg.gather [hbm4b:s1+s3], $0x80, v6, vm0, $0xb8;
	[tilespmem:$0x19800] =	vst v63  }
0x329: {  	v4 =	vadd.s32 v2, v4;
	s18 =	simm.s32 $0x5000  }
0x32a: {  	[tilespmem:s18], [sflag:$0x1] =	stream.indirect_vreg.gather [hbm4b:s6+s3], $0x80, v6, vm0, $0xb8;
	[tilespmem:$0x19800] =	vst v63  }
0x32b: {  	s18 =	simm.s32 $0x5800  }
0x32c: {  	[tilespmem:s18], [sflag:$0x1] =	stream.indirect_vreg.gather [hbm4b:s7+s3], $0x80, v6, vm0, $0xb8;
	[tilespmem:$0x19800] =	vst v63  }
0x32d: {  	s18 =	simm.s32 $0x6000  }
0x32e: {  	[tilespmem:s18], [sflag:$0x1] =	stream.indirect_vreg.gather [hbm4b:s1+s3], $0x80, v4, vm0, $0xb8;
	[tilespmem:$0x19800] =	vst v63  }
0x32f: {  	s18 =	simm.s32 $0x6800  }
0x330: {  	[tilespmem:s18], [sflag:$0x1] =	stream.indirect_vreg.gather [hbm4b:s6+s3], $0x80, v4, vm0, $0xb8;
	[tilespmem:$0x19800] =	vst v63  }
0x331: {  	s18 =	simm.s32 $0x7000  }
0x332: {  	[tilespmem:s18], [sflag:$0x1] =	stream.indirect_vreg.gather [hbm4b:s7+s3], $0x80, v4, vm0, $0xb8;
	[tilespmem:$0x19800] =	vst v63  }
0x333: {  	_ =	swait.ge [sflag:s2], $0x6000  }
0x334: {  	[sflag:s2] =	ssyncset.done $0x0;
	(v2sf) =	vpush v5, $0xF  }
0x335: {  	s18 =	rddreg [dreg:$0x10];
	[sflag:s2] =	ssyncadd.s32 $0xFFFFA000  }
0x336: {  	[hbm4b:s18+s3] =	stream.linear.scatter [tilespmem:s21], [sflag:$0x8], $0x6000, $0x38;
	[tilespmem:$0x19800] =	vst v63  }
0x337: {  	v4 =	vld [tilespmem:s5+$0x1A0];
	_ =	sdelay $0x4  }
0x338: {  	vm1 =	vne.s32 v4, $0x1  }
0x339: {  	v4 =	vsel vm1, $0x1, v0  }
0x33a: {  	(xrf0) =	vadd.scan.msk.s32 $0xffff, v4;
	_ =	sdelay $0x4  }
0x33b: {  	s18 =	spop (v2sf)  }
0x33c: {  	s12 =	sadd.s32 s12, s18;
	v4, _, _ =	vpop (xrf0)  }
0x33d: {  	v5 =	vmov s12;
	(v2sf) =	vpush v4, $0xF  }
0x33e: {  	v5 =	vadd.s32 $0x1, v5  }
0x33f: {  	v5 =	vbroadcast v5, $0x0;
	_ =	sdelay $0x1  }
0x340: {  	v4 =	vadd.s32 v4, v5  }
0x341: {  	v4 =	vnsel vm1, $0x1, v4  }
0x342: {  	[tilespmem:$0x1680] =	vst v4  }
0x343: {  	v5 =	vld [tilespmem:s5+$0x1B0];
	_ =	sdelay $0x4  }
0x344: {  	vm1 =	vne.s32 v5, $0x1  }
0x345: {  	v5 =	vsel vm1, $0x1, v0  }
0x346: {  	(xrf0) =	vadd.scan.msk.s32 $0xffff, v5  }
0x347: {  	v5 =	vshrl.u32 v4, $0x3;
	s18 =	spop (v2sf)  }
0x348: {  	v5 =	vmul.u32 $0x30, v5;
	s12 =	sadd.s32 s12, s18  }
0x349: {  	v55 =	vmov s12  }
0x34a: {  	v4 =	vand.u32 $0x7, v4;
	v6 =	vadd.s32 $0x1, v55  }
0x34b: {  	v4 =	vor.u32 v4, v5;
	v6 =	vbroadcast v6, $0x0  }
0x34c: {  	v56 =	vperm.xlane v4, v1;
	v5, _, _ =	vpop (xrf0)  }
0x34d: {  	v6 =	vadd.s32 v5, v6  }
0x34e: {  	v7 =	vadd.s32 v2, v56;
	v6 =	vnsel vm1, $0x1, v6  }
0x34f: {  	[tilespmem:$0x1690] =	vst v6  }
0x350: {  	_ =	swait.ge [sflag:s4], $0x6000  }
0x351: {  	[sflag:s4] =	ssyncset.done $0x0  }
0x352: {  	v4 =	vperm.xlane v4, v3;
	[sflag:s4] =	ssyncadd.s32 $0xFFFFA000  }
0x353: {  	[tilespmem:s20], [sflag:$0x2] =	stream.indirect_vreg.gather [hbm4b:s1+s3], $0x80, v7, vm0, $0xb8;
	[tilespmem:$0x19800] =	vst v63  }
0x354: {  	s18 =	simm.s32 $0x8000;
	v4 =	vadd.s32 v2, v4  }
0x355: {  	[tilespmem:s18], [sflag:$0x2] =	stream.indirect_vreg.gather [hbm4b:s6+s3], $0x80, v7, vm0, $0xb8;
	[tilespmem:$0x19800] =	vst v63  }
0x356: {  	s18 =	simm.s32 $0x8800  }
0x357: {  	[tilespmem:s18], [sflag:$0x2] =	stream.indirect_vreg.gather [hbm4b:s7+s3], $0x80, v7, vm0, $0xb8;
	[tilespmem:$0x19800] =	vst v63  }
0x358: {  	s18 =	simm.s32 $0x9000  }
0x359: {  	[tilespmem:s18], [sflag:$0x2] =	stream.indirect_vreg.gather [hbm4b:s1+s3], $0x80, v4, vm0, $0xb8;
	[tilespmem:$0x19800] =	vst v63  }
0x35a: {  	s18 =	simm.s32 $0x9800  }
0x35b: {  	[tilespmem:s18], [sflag:$0x2] =	stream.indirect_vreg.gather [hbm4b:s6+s3], $0x80, v4, vm0, $0xb8;
	[tilespmem:$0x19800] =	vst v63  }
0x35c: {  	s18 =	simm.s32 $0xA000  }
0x35d: {  	[tilespmem:s18], [sflag:$0x2] =	stream.indirect_vreg.gather [hbm4b:s7+s3], $0x80, v4, vm0, $0xb8;
	[tilespmem:$0x19800] =	vst v63  }
0x35e: {  	v4 =	vld [tilespmem:$0x1690];
	_ =	sdelay $0x4  }
0x35f: {  	v57 =	vshrl.u32 v4, $0x3  }
0x360: {  	v6 =	vmul.u32 $0x30, v57  }
0x361: {  	v4 =	vand.u32 $0x7, v4  }
0x362: {  	v4 =	vor.u32 v4, v6  }
0x363: {  	v6 =	vperm.xlane v4, v1;
	_ =	sdelay $0x1  }
0x364: {  	v6 =	vadd.s32 v2, v6;
	_ =	sdelay $0x3  }
0x365: {  	s18 =	simm.s32 $0xA800;
	v4 =	vperm.xlane v4, v3  }
0x366: {  	[tilespmem:s18], [sflag:$0x2] =	stream.indirect_vreg.gather [hbm4b:s1+s3], $0x80, v6, vm0, $0xb8;
	[tilespmem:$0x19800] =	vst v63  }
0x367: {  	v4 =	vadd.s32 v2, v4;
	s18 =	simm.s32 $0xB000  }
0x368: {  	[tilespmem:s18], [sflag:$0x2] =	stream.indirect_vreg.gather [hbm4b:s6+s3], $0x80, v6, vm0, $0xb8;
	[tilespmem:$0x19800] =	vst v63  }
0x369: {  	s18 =	simm.s32 $0xB800  }
0x36a: {  	[tilespmem:s18], [sflag:$0x2] =	stream.indirect_vreg.gather [hbm4b:s7+s3], $0x80, v6, vm0, $0xb8;
	[tilespmem:$0x19800] =	vst v63  }
0x36b: {  	s25 =	simm.s32 $0xC000  }
0x36c: {  	[tilespmem:s25], [sflag:$0x2] =	stream.indirect_vreg.gather [hbm4b:s1+s3], $0x80, v4, vm0, $0xb8;
	[tilespmem:$0x19800] =	vst v63  }
0x36d: {  	s29 =	simm.s32 $0xC800  }
0x36e: {  	[tilespmem:s29], [sflag:$0x2] =	stream.indirect_vreg.gather [hbm4b:s6+s3], $0x80, v4, vm0, $0xb8;
	[tilespmem:$0x19800] =	vst v63  }
0x36f: {  	s24 =	simm.s32 $0xD000  }
0x370: {  	[tilespmem:s24], [sflag:$0x2] =	stream.indirect_vreg.gather [hbm4b:s7+s3], $0x80, v4, vm0, $0xb8;
	[tilespmem:$0x19800] =	vst v63  }
0x371: {  	_ =	swait.ge [sflag:s15], $0x6000  }
0x372: {  	[sflag:s15] =	ssyncset.done $0x0;
	(v2sf) =	vpush v5, $0xF  }
0x373: {  	s24 =	rddreg [dreg:$0x11];
	[sflag:s15] =	ssyncadd.s32 $0xFFFFA000  }
0x374: {  	[hbm4b:s24+s3] =	stream.linear.scatter [tilespmem:s19], [sflag:$0x5], $0x6000, $0x38;
	[tilespmem:$0x19800] =	vst v63  }
0x375: {  	v4 =	vld [tilespmem:s5+$0x1C0];
	_ =	sdelay $0x4  }
0x376: {  	vm1 =	vne.s32 v4, $0x1  }
0x377: {  	v4 =	vsel vm1, $0x1, v0  }
0x378: {  	(xrf0) =	vadd.scan.msk.s32 $0xffff, v4;
	_ =	sdelay $0x4  }
0x379: {  	s25 =	spop (v2sf)  }
0x37a: {  	s12 =	sadd.s32 s12, s25;
	v4, _, _ =	vpop (xrf0)  }
0x37b: {  	v5 =	vmov s12;
	(v2sf) =	vpush v4, $0xF  }
0x37c: {  	v5 =	vadd.s32 $0x1, v5  }
0x37d: {  	v5 =	vbroadcast v5, $0x0;
	_ =	sdelay $0x1  }
0x37e: {  	v4 =	vadd.s32 v4, v5  }
0x37f: {  	v4 =	vnsel vm1, $0x1, v4  }
0x380: {  	[tilespmem:$0x1700] =	vst v4  }
0x381: {  	v5 =	vld [tilespmem:s5+$0x1D0];
	_ =	sdelay $0x4  }
0x382: {  	vm1 =	vne.s32 v5, $0x1  }
0x383: {  	v5 =	vsel vm1, $0x1, v0  }
0x384: {  	(xrf0) =	vadd.scan.msk.s32 $0xffff, v5  }
0x385: {  	v5 =	vshrl.u32 v4, $0x3;
	s29 =	spop (v2sf)  }
0x386: {  	v5 =	vmul.u32 $0x30, v5;
	s12 =	sadd.s32 s12, s29  }
0x387: {  	v58 =	vmov s12  }
0x388: {  	v4 =	vand.u32 $0x7, v4;
	v6 =	vadd.s32 $0x1, v58  }
0x389: {  	v4 =	vor.u32 v4, v5;
	v6 =	vbroadcast v6, $0x0  }
0x38a: {  	v59 =	vperm.xlane v4, v1;
	v5, _, _ =	vpop (xrf0)  }
0x38b: {  	v6 =	vadd.s32 v5, v6  }
0x38c: {  	v7 =	vadd.s32 v2, v59;
	v6 =	vnsel vm1, $0x1, v6  }
0x38d: {  	[tilespmem:$0x1710] =	vst v6  }
0x38e: {  	_ =	swait.ge [sflag:s9], $0x6000  }
0x38f: {  	[sflag:s9] =	ssyncset.done $0x0  }
0x390: {  	v4 =	vperm.xlane v4, v3;
	[sflag:s9] =	ssyncadd.s32 $0xFFFFA000  }
0x391: {  	[tilespmem:s14], [sflag:$0x3] =	stream.indirect_vreg.gather [hbm4b:s1+s3], $0x80, v7, vm0, $0xb8;
	[tilespmem:$0x19800] =	vst v63  }
0x392: {  	s28 =	simm.s32 $0xE000;
	v4 =	vadd.s32 v2, v4  }
0x393: {  	[tilespmem:s28], [sflag:$0x3] =	stream.indirect_vreg.gather [hbm4b:s6+s3], $0x80, v7, vm0, $0xb8;
	[tilespmem:$0x19800] =	vst v63  }
0x394: {  	s8 =	simm.s32 $0xE800  }
0x395: {  	[tilespmem:s8], [sflag:$0x3] =	stream.indirect_vreg.gather [hbm4b:s7+s3], $0x80, v7, vm0, $0xb8;
	[tilespmem:$0x19800] =	vst v63  }
0x396: {  	s16 =	simm.s32 $0xF000  }
0x397: {  	[tilespmem:s16], [sflag:$0x3] =	stream.indirect_vreg.gather [hbm4b:s1+s3], $0x80, v4, vm0, $0xb8;
	[tilespmem:$0x19800] =	vst v63  }
0x398: {  	s26 =	simm.s32 $0xF800  }
0x399: {  	[tilespmem:s26], [sflag:$0x3] =	stream.indirect_vreg.gather [hbm4b:s6+s3], $0x80, v4, vm0, $0xb8;
	[tilespmem:$0x19800] =	vst v63  }
0x39a: {  	s18 =	simm.s32 $0x10000  }
0x39b: {  	[tilespmem:s18], [sflag:$0x3] =	stream.indirect_vreg.gather [hbm4b:s7+s3], $0x80, v4, vm0, $0xb8;
	[tilespmem:$0x19800] =	vst v63  }
0x39c: {  	v4 =	vld [tilespmem:$0x1710];
	_ =	sdelay $0x4  }
0x39d: {  	v60 =	vshrl.u32 v4, $0x3  }
0x39e: {  	v6 =	vmul.u32 $0x30, v60  }
0x39f: {  	v4 =	vand.u32 $0x7, v4  }
0x3a0: {  	v4 =	vor.u32 v4, v6  }
0x3a1: {  	v6 =	vperm.xlane v4, v1;
	_ =	sdelay $0x1  }
0x3a2: {  	v6 =	vadd.s32 v2, v6;
	_ =	sdelay $0x3  }
0x3a3: {  	s19 =	simm.s32 $0x10800;
	v4 =	vperm.xlane v4, v3  }
0x3a4: {  	[tilespmem:s19], [sflag:$0x3] =	stream.indirect_vreg.gather [hbm4b:s1+s3], $0x80, v6, vm0, $0xb8;
	[tilespmem:$0x19800] =	vst v63  }
0x3a5: {  	s17 =	simm.s32 $0x11000;
	v4 =	vadd.s32 v2, v4  }
0x3a6: {  	[tilespmem:s17], [sflag:$0x3] =	stream.indirect_vreg.gather [hbm4b:s6+s3], $0x80, v6, vm0, $0xb8;
	[tilespmem:$0x19800] =	vst v63  }
0x3a7: {  	s24 =	simm.s32 $0x11800  }
0x3a8: {  	[tilespmem:s24], [sflag:$0x3] =	stream.indirect_vreg.gather [hbm4b:s7+s3], $0x80, v6, vm0, $0xb8;
	[tilespmem:$0x19800] =	vst v63  }
0x3a9: {  	s25 =	simm.s32 $0x12000  }
0x3aa: {  	[tilespmem:s25], [sflag:$0x3] =	stream.indirect_vreg.gather [hbm4b:s1+s3], $0x80, v4, vm0, $0xb8;
	[tilespmem:$0x19800] =	vst v63  }
0x3ab: {  	s23 =	simm.s32 $0x12800  }
0x3ac: {  	[tilespmem:s23], [sflag:$0x3] =	stream.indirect_vreg.gather [hbm4b:s6+s3], $0x80, v4, vm0, $0xb8;
	[tilespmem:$0x19800] =	vst v63  }
0x3ad: {  	s26 =	simm.s32 $0x13000  }
0x3ae: {  	[tilespmem:s26], [sflag:$0x3] =	stream.indirect_vreg.gather [hbm4b:s7+s3], $0x80, v4, vm0, $0xb8;
	[tilespmem:$0x19800] =	vst v63  }
0x3af: {  	_ =	swait.ge [sflag:s31], $0x6000  }
0x3b0: {  	[sflag:s31] =	ssyncset.done $0x0;
	(v2sf) =	vpush v5, $0xF  }
0x3b1: {  	s28 =	rddreg [dreg:$0x13];
	[sflag:s31] =	ssyncadd.s32 $0xFFFFA000  }
0x3b2: {  	[hbm4b:s28+s3] =	stream.linear.scatter [tilespmem:s20], [sflag:$0x6], $0x6000, $0x38;
	[tilespmem:$0x19800] =	vst v63  }
0x3b3: {  	v4 =	vld [tilespmem:s5+$0x1E0];
	_ =	sdelay $0x4  }
0x3b4: {  	vm1 =	vne.s32 v4, $0x1  }
0x3b5: {  	v4 =	vsel vm1, $0x1, v0  }
0x3b6: {  	(xrf0) =	vadd.scan.msk.s32 $0xffff, v4;
	_ =	sdelay $0x4  }
0x3b7: {  	s29 =	spop (v2sf)  }
0x3b8: {  	s12 =	sadd.s32 s12, s29;
	v4, _, _ =	vpop (xrf0)  }
0x3b9: {  	v5 =	vmov s12;
	(v2sf) =	vpush v4, $0xF  }
0x3ba: {  	v5 =	vadd.s32 $0x1, v5  }
0x3bb: {  	v5 =	vbroadcast v5, $0x0;
	_ =	sdelay $0x1  }
0x3bc: {  	v4 =	vadd.s32 v4, v5  }
0x3bd: {  	v4 =	vnsel vm1, $0x1, v4  }
0x3be: {  	[tilespmem:$0x1780] =	vst v4  }
0x3bf: {  	v5 =	vld [tilespmem:s5+$0x1F0];
	_ =	sdelay $0x4  }
0x3c0: {  	vm1 =	vne.s32 v5, $0x1  }
0x3c1: {  	v5 =	vsel vm1, $0x1, v0  }
0x3c2: {  	(xrf0) =	vadd.scan.msk.s32 $0xffff, v5  }
0x3c3: {  	v5 =	vshrl.u32 v4, $0x3;
	s8 =	spop (v2sf)  }
0x3c4: {  	v5 =	vmul.u32 $0x30, v5;
	s12 =	sadd.s32 s12, s8  }
0x3c5: {  	v61 =	vmov s12  }
0x3c6: {  	v4 =	vand.u32 $0x7, v4;
	v6 =	vadd.s32 $0x1, v61  }
0x3c7: {  	v4 =	vor.u32 v4, v5;
	v6 =	vbroadcast v6, $0x0  }
0x3c8: {  	v62 =	vperm.xlane v4, v1;
	v5, _, _ =	vpop (xrf0)  }
0x3c9: {  	v5 =	vadd.s32 v5, v6  }
0x3ca: {  	v63 =	vadd.s32 v2, v62;
	v5 =	vnsel vm1, $0x1, v5  }
0x3cb: {  	[tilespmem:$0x1790] =	vst v5  }
0x3cc: {  	_ =	swait.ge [sflag:s10], $0x6000  }
0x3cd: {  	[sflag:s10] =	ssyncset.done $0x0  }
0x3ce: {  	v4 =	vperm.xlane v4, v3;
	[sflag:s10] =	ssyncadd.s32 $0xFFFFA000  }
0x3cf: {  	[tilespmem:s21], [sflag:$0x4] =	stream.indirect_vreg.gather [hbm4b:s1+s3], $0x80, v63, vm0, $0xb8;
	[tilespmem:$0x19800] =	vst v63  }
0x3d0: {  	s30 =	simm.s32 $0x14000;
	v4 =	vadd.s32 v2, v4  }
0x3d1: {  	[tilespmem:s30], [sflag:$0x4] =	stream.indirect_vreg.gather [hbm4b:s6+s3], $0x80, v63, vm0, $0xb8;
	[tilespmem:$0x19800] =	vst v63  }
0x3d2: {  	s13 =	simm.s32 $0x14800  }
0x3d3: {  	[tilespmem:s13], [sflag:$0x4] =	stream.indirect_vreg.gather [hbm4b:s7+s3], $0x80, v63, vm0, $0xb8;
	[tilespmem:$0x19800] =	vst v63  }
0x3d4: {  	s16 =	simm.s32 $0x15000  }
0x3d5: {  	[tilespmem:s16], [sflag:$0x4] =	stream.indirect_vreg.gather [hbm4b:s1+s3], $0x80, v4, vm0, $0xb8;
	[tilespmem:$0x19800] =	vst v63  }
0x3d6: {  	s17 =	simm.s32 $0x15800  }
0x3d7: {  	[tilespmem:s17], [sflag:$0x4] =	stream.indirect_vreg.gather [hbm4b:s6+s3], $0x80, v4, vm0, $0xb8;
	[tilespmem:$0x19800] =	vst v63  }
0x3d8: {  	s18 =	simm.s32 $0x16000  }
0x3d9: {  	[tilespmem:s18], [sflag:$0x4] =	stream.indirect_vreg.gather [hbm4b:s7+s3], $0x80, v4, vm0, $0xb8;
	[tilespmem:$0x19800] =	vst v63  }
0x3da: {  	v4 =	vld [tilespmem:$0x1790];
	_ =	sdelay $0x4  }
0x3db: {  	v5 =	vshrl.u32 v4, $0x3  }
0x3dc: {  	v5 =	vmul.u32 $0x30, v5  }
0x3dd: {  	v4 =	vand.u32 $0x7, v4  }
0x3de: {  	v4 =	vor.u32 v4, v5  }
0x3df: {  	v5 =	vperm.xlane v4, v1;
	_ =	sdelay $0x1  }
0x3e0: {  	v5 =	vadd.s32 v2, v5;
	_ =	sdelay $0x3  }
0x3e1: {  	s19 =	simm.s32 $0x16800;
	v4 =	vperm.xlane v4, v3  }
0x3e2: {  	[tilespmem:s19], [sflag:$0x4] =	stream.indirect_vreg.gather [hbm4b:s1+s3], $0x80, v5, vm0, $0xb8;
	[tilespmem:$0x19800] =	vst v63  }
0x3e3: {  	s20 =	simm.s32 $0x17000;
	v4 =	vadd.s32 v2, v4  }
0x3e4: {  	[tilespmem:s20], [sflag:$0x4] =	stream.indirect_vreg.gather [hbm4b:s6+s3], $0x80, v5, vm0, $0xb8;
	[tilespmem:$0x19800] =	vst v63  }
0x3e5: {  	s23 =	simm.s32 $0x17800  }
0x3e6: {  	[tilespmem:s23], [sflag:$0x4] =	stream.indirect_vreg.gather [hbm4b:s7+s3], $0x80, v5, vm0, $0xb8;
	[tilespmem:$0x19800] =	vst v63  }
0x3e7: {  	s24 =	simm.s32 $0x18000  }
0x3e8: {  	[tilespmem:s24], [sflag:$0x4] =	stream.indirect_vreg.gather [hbm4b:s1+s3], $0x80, v4, vm0, $0xb8;
	[tilespmem:$0x19800] =	vst v63  }
0x3e9: {  	s25 =	simm.s32 $0x18800  }
0x3ea: {  	[tilespmem:s25], [sflag:$0x4] =	stream.indirect_vreg.gather [hbm4b:s6+s3], $0x80, v4, vm0, $0xb8;
	[tilespmem:$0x19800] =	vst v63  }
0x3eb: {  	s26 =	simm.s32 $0x19000  }
0x3ec: {  	[tilespmem:s26], [sflag:$0x4] =	stream.indirect_vreg.gather [hbm4b:s7+s3], $0x80, v4, vm0, $0xb8;
	[tilespmem:$0x19800] =	vst v63  }
0x3ed: {  	_ =	swait.ge [sflag:s22], $0x6000  }
0x3ee: {  	[sflag:s22] =	ssyncset.done $0x0  }
0x3ef: {  	s28 =	rddreg [dreg:$0x14];
	[sflag:s22] =	ssyncadd.s32 $0xFFFFA000  }
0x3f0: {  	[hbm4b:s28+s3] =	stream.linear.scatter [tilespmem:s14], [sflag:$0x7], $0x6000, $0x38;
	[tilespmem:$0x19800] =	vst v63  }
0x3f1: {  	_ =	swait.ge [sflag:s2], $0x6000  }
0x3f2: {  	[sflag:s2] =	ssyncset.done $0x0  }
0x3f3: {  	s29 =	rddreg [dreg:$0x15];
	[sflag:s2] =	ssyncadd.s32 $0xFFFFA000  }
0x3f4: {  	[hbm4b:s29+s3] =	stream.linear.scatter [tilespmem:s21], [sflag:$0x8], $0x6000, $0x38;
	[tilespmem:$0x19800] =	vst v63  }
0x3f5: {  	_ =	swait.ge [sflag:s0], $0x6000  }
0x3f6: {  	[sflag:s0] =	ssyncset.done $0x0  }
0x3f7: {  	[sflag:s0] =	ssyncadd.s32 $0xFFFFA000  }
0x3f8: {  	_ =	swait.ge [sflag:s4], $0x6000  }
0x3f9: {  	[sflag:s4] =	ssyncset.done $0x0  }
0x3fa: {  	[sflag:s4] =	ssyncadd.s32 $0xFFFFA000  }
0x3fb: {  	_ =	swait.ge [sflag:s9], $0x6000  }
0x3fc: {  	[sflag:s9] =	ssyncset.done $0x0  }
0x3fd: {  	[sflag:s9] =	ssyncadd.s32 $0xFFFFA000  }
0x3fe: {  	_ =	swait.ge [sflag:s10], $0x6000  }
0x3ff: {  	s11 =	sadd.s32 $0x1, s11;
	s30 =	rddreg [dreg:$0x16]  }
0x400: {  	p1 =	sne.s32 s11, s30  }
.Ltmp1:
0x401: {  	_ = 	snop;
	(pc) =	sbr.rel @!p1 .LBB2_6-.Ltmp1, $3  }
0x402: {  	_ =	sdelay $0x1  }
0x403: {  	[sflag:s10] =	ssyncset.done $0x0  }
0x404: {  	[sflag:s10] =	ssyncadd.s32 $0xFFFFA000  }
.LBB2_1:
.Ltmp2:
0x405: {  	s12 =	rddreg [dreg:$0x4];
	s30 =	simm.s32 $0x9;
	(pc) =	sbr.rel @p0 .LBB2_5-.Ltmp2, $4  }
0x406: {  	[tilespmem:s3], [sflag:$0x9] =	stream.linear.gather [hbm4b:s12+s3], $0x1000, $0x38;
	[tilespmem:$0x19800] =	vst v63  }
0x407: {  	_ =	swait.ge [sflag:s30], $0x1000  }
0x408: {  	[sflag:s30] =	ssyncset.done $0x0  }
0x409: {  	s13 =	simm.s32 $0x20;
	v4 =	vimm.s32 $0x0;
	[sflag:s30] =	ssyncadd.s32 $0xFFFFF000  }
0x40a: {  	s12 =	rddreg [dreg:$0x12]  }
0x40b: {  	v7 =	vld [tilespmem:s13+$0xFFFFFFE0];
	p1 =	sne.s32 s12, $0x1  }
.Ltmp3:
0x40c: {  	v6 =	vld [tilespmem:s13+$0xFFFFFFF0];
	(pc) =	sbr.rel @!p1 .LBB2_4-.Ltmp3, $3  }
0x40d: {  	v5 =	vld [tilespmem:s13+$0x0]  }
0x40e: {  	v4 =	vld [tilespmem:s13+$0x10];
	_ =	sdelay $0x1  }
0x40f: {  	s13 =	sadd.s32 $0x40, s13;
	s12 =	sadd.s32 $0xFFFFFFFF, s12;
	vm1 =	vne.s32 v7, $0x1;
	v7 =	vimm.s32 $0x0  }
.LBB2_3:
0x410: {  	v8 =	vld [tilespmem:s13+$0xFFFFFFE0];
	p1 =	sne.s32 s12, $0x1;
	s12 =	sadd.s32 $0xFFFFFFFF, s12;
	v9 =	vsel vm1, $0x1, v0;
	vm1 =	vne.s32 v6, $0x1  }
.Ltmp4:
0x411: {  	v6 =	vld [tilespmem:s13+$0xFFFFFFF0];
	v7 =	vadd.s32 v9, v7;
	v9 =	vsel vm1, $0x1, v0;
	vm1 =	vne.s32 v5, $0x1;
	(pc) =	sbr.rel @p1 .LBB2_3-.Ltmp4, $4  }
0x412: {  	v5 =	vld [tilespmem:s13+$0x0];
	v7 =	vadd.s32 v9, v7;
	v9 =	vsel vm1, $0x1, v0;
	vm1 =	vne.s32 v4, $0x1  }
0x413: {  	v4 =	vld [tilespmem:s13+$0x10];
	v7 =	vadd.s32 v9, v7;
	v9 =	vsel vm1, $0x1, v0  }
0x414: {  	v7 =	vadd.s32 v9, v7  }
0x415: {  	s13 =	sadd.s32 $0x40, s13;
	vm1 =	vne.s32 v8, $0x1  }
.Ltmp5:
0x416: {  	_ = 	snop;
	(pc) =	sbr.rel .LBB2_4-.Ltmp5, $1  }
0x417: {  	_ =	sdelay $0x3  }
.LBB2_6:
0x418: {  	_ =	sfence.sel $0x180000  }
0x419: {  	[bflag:$0x0] =	sbarrier.arrive $0xFFFF  }
0x41a: {  	_ =	strace $0x90000047  }
0x41b: {  	s0 =	stileid.u32;
	[bflag:$0x2] =	sbarrier.arrive $0xFFFF  }
0x41c: {  	p0 =	sne.s32 s0, $0x0;
	s0 =	rddreg [dreg:$0x3]  }
0x41d: {  	s0 =	sadd.s32 @!p0 $0x100000, s0  }
0x41e: {  	[sflag:s0] =	ssyncadd.tile.s32 @!p0 $0x1;
	_ =	shalt  }
.Lfunc_end2:
_tile_overlayer_lowered:
.L_overlay_start_2:
0x41f: {  	(tag) =	ssettag $0x2  }
0x420: {  	s0 =	rddreg [dreg:$0x0];
	s2 =	stileid.u32  }
0x421: {  	s1 =	rddreg [dreg:$0x1];
	p0 =	sne.s32 s2, $0x0  }
0x422: {  	s3 =	rddreg [dreg:$0x2];
	[bflag:$0x3] =	sbarrier.arrive $0xFFFF;
	s2 =	simm.s32 @!p0 $0x1C09  }
0x423: {  	[timem:s3], [sflag:s2] =	dma.local @!p0 [hbm:s0], s1  }
0x424: {  	s0 =	simm.s32 @!p0 $0x9  }
0x425: {  	_ =	swait.ge @!p0 [sflag:s0], s1  }
0x426: {  	s1 =	ssub.s32 @!p0 $0x0, s1;
	[sflag:s0] =	ssyncset.done @!p0 $0x0  }
0x427: {  	[sflag:s0] =	ssyncadd.s32 @!p0 s1  }
0x428: {  	[bflag:$0x3] =	sbarrier.arrive $0xFFFF  }
0x429: {  	_ =	shalt  }

</sc_bundles>
